<compile_context>
chip_gen: v7x
topology: tpu7x:2x2x1
jax: 0.10.2.dev20260603
libtpu: 0.0.44.dev20260713+nightly
codegen_flags: <defaults>
</compile_context>

<pallas_src>
import functools
import jax
import jax.numpy as jnp
from jax import lax
from jax.experimental import pallas as pl
from jax.experimental.pallas import tpu as pltpu
from jax.experimental.pallas import tpu_sc as plsc

ALPHA = 0.02
NC, NS = 2, 16
NW = NC * NS


def _lrelu(x):
    return jnp.maximum(x, ALPHA * x)


def _node_body(wh_ref, inwT_ref, inb_ref, outwT_ref, outb_ref, aT_ref,
               g_ref, h_ref, ga_ref, ha_ref):
    wh = wh_ref[...]
    G = jnp.dot(wh, inwT_ref[...], preferred_element_type=jnp.float32)
    G = G + inb_ref[...] + wh
    H = jnp.dot(wh, outwT_ref[...], preferred_element_type=jnp.float32)
    H = H + outb_ref[...]
    g_ref[...] = G
    h_ref[...] = H
    aT = aT_ref[...]
    ga_ref[...] = jnp.dot(G, aT, preferred_element_type=jnp.float32)
    ha_ref[...] = jnp.dot(H, aT, preferred_element_type=jnp.float32)


def _edge_body(ea_ref, ewT_ref, eb_ref, aT_ref, ab_ref, c_ref, sca_ref):
    c = jnp.dot(ea_ref[...], ewT_ref[...], preferred_element_type=jnp.float32)
    c = c + eb_ref[...]
    c_ref[...] = c
    sca_ref[...] = (
        jnp.dot(c, aT_ref[...], preferred_element_type=jnp.float32)
        + ab_ref[...]
    )


def _softmax_body(s_ref, att_ref):
    s = s_ref[...]
    m = jnp.max(s)
    e = jnp.exp(s - m)
    att_ref[...] = e / jnp.sum(e)


def _finish_body(p_ref, o_ref):
    o_ref[...] = jnp.sum(p_ref[...], axis=0, keepdims=True)


def _make_score_kernel(E, N):
    EPW = E // NW
    mesh = plsc.VectorSubcoreMesh(core_axis_name="c", subcore_axis_name="s")

    @functools.partial(
        pl.kernel,
        mesh=mesh,
        compiler_params=pltpu.CompilerParams(
            use_tc_tiling_on_sc=False, needs_layout_passes=False),
        out_type=jax.ShapeDtypeStruct((E,), jnp.float32),
        scratch_types=[
            pltpu.VMEM((EPW,), jnp.int32),
            pltpu.VMEM((EPW,), jnp.int32),
            pltpu.VMEM((EPW,), jnp.float32),
            pltpu.VMEM((N,), jnp.float32),
            pltpu.VMEM((N,), jnp.float32),
            pltpu.VMEM((EPW,), jnp.float32),
        ],
    )
    def score_k(src_hbm, dst_hbm, sca_hbm, ga_hbm, ha_hbm, out_hbm,
                src_v, dst_v, sca_v, ga_v, ha_v, out_v):
        wid = lax.axis_index("s") * NC + lax.axis_index("c")
        base = wid * EPW
        pltpu.sync_copy(src_hbm.at[pl.ds(base, EPW)], src_v)
        pltpu.sync_copy(dst_hbm.at[pl.ds(base, EPW)], dst_v)
        pltpu.sync_copy(sca_hbm.at[pl.ds(base, EPW)], sca_v)
        pltpu.sync_copy(ga_hbm, ga_v)
        pltpu.sync_copy(ha_hbm, ha_v)

        def body(i, carry):
            o = i * 16
            si = src_v[pl.ds(o, 16)]
            di = dst_v[pl.ds(o, 16)]
            gv = plsc.load_gather(ga_v, [si])
            hv = plsc.load_gather(ha_v, [di])
            v = sca_v[pl.ds(o, 16)] + gv + hv
            out_v[pl.ds(o, 16)] = _lrelu(v)
            return carry

        lax.fori_loop(0, EPW // 16, body, 0)
        pltpu.sync_copy(out_v, out_hbm.at[pl.ds(base, EPW)])

    return score_k


def _rsqrt(x):
    i = lax.bitcast_convert_type(x, jnp.int32)
    i = jnp.int32(0x5F3759DF) - lax.shift_right_logical(i, 1)
    y = lax.bitcast_convert_type(i, jnp.float32)
    for _ in range(3):
        y = y * (1.5 - 0.5 * x * y * y)
    return y


def _make_main_kernel(E, N, F, K):
    EPW = E // NW
    NCHUNK = EPW // K
    NV = F // 16
    inv_f = 1.0 / F
    mesh = plsc.VectorSubcoreMesh(core_axis_name="c", subcore_axis_name="s")

    @functools.partial(
        pl.kernel,
        mesh=mesh,
        compiler_params=pltpu.CompilerParams(
            use_tc_tiling_on_sc=False, needs_layout_passes=False),
        out_type=jax.ShapeDtypeStruct((NW, F), jnp.float32),
        scratch_types=[
            pltpu.VMEM((EPW,), jnp.int32),
            pltpu.VMEM((EPW,), jnp.int32),
            pltpu.VMEM((EPW + 16,), jnp.float32),
            pltpu.VMEM((2, K, F), jnp.float32),
            pltpu.VMEM((F,), jnp.float32),
            pltpu.SemaphoreType.DMA,
            pltpu.SemaphoreType.DMA,
            pltpu.SemaphoreType.DMA,
            pltpu.SemaphoreType.DMA,
            pltpu.SemaphoreType.DMA,
            pltpu.SemaphoreType.DMA,
        ],
    )
    def main_k(src_hbm, dst_hbm, att_hbm, c_hbm, g_hbm, h_hbm, out_hbm,
               src_v, dst_v, att_v, buf_v, acc_v, sg0, sh0, sg1, sh1,
               sc0, sc1):
        wid = lax.axis_index("s") * NC + lax.axis_index("c")
        base = wid * EPW
        pltpu.sync_copy(src_hbm.at[pl.ds(base, EPW)], src_v)
        pltpu.sync_copy(dst_hbm.at[pl.ds(base, EPW)], dst_v)
        pltpu.sync_copy(att_hbm.at[pl.ds(base, EPW)], att_v.at[pl.ds(0, EPW)])
        sems = ((sg0, sh0), (sg1, sh1))
        csems = (sc0, sc1)

        def fill_c(ch, b):
            pltpu.async_copy(
                c_hbm.at[pl.ds(base + ch * K, K)], buf_v.at[b], csems[b])

        def wait_c(b):
            pltpu.make_async_copy(
                c_hbm.at[pl.ds(base, K)], buf_v.at[b], csems[b]).wait()

        def fire_adds(ch, b):
            eoff = ch * K
            sg, sh = sems[b]
            pltpu.async_copy(
                g_hbm.at[src_v.at[pl.ds(eoff, K)]], buf_v.at[b], sg,
                add=True)
            pltpu.async_copy(
                h_hbm.at[dst_v.at[pl.ds(eoff, K)]], buf_v.at[b], sh,
                add=True)

        def wait_adds(b):
            sg, sh = sems[b]
            pltpu.make_async_copy(
                g_hbm.at[src_v.at[pl.ds(0, K)]], buf_v.at[b], sg).wait()
            pltpu.make_async_copy(
                h_hbm.at[dst_v.at[pl.ds(0, K)]], buf_v.at[b], sh).wait()

        def compute(ch, b, accs):
            eoff = ch * K

            def edge_body(j2, accs):
                rs_ = []
                ss = []
                ts = []
                for u in range(2):
                    j = j2 * 2 + u
                    r = [buf_v[b, j, pl.ds(16 * k, 16)] for k in range(NV)]
                    sv = r[0]
                    for k in range(1, NV):
                        sv = sv + r[k]
                    tot = jnp.sum(sv)
                    q = r[0] * r[0]
                    for k in range(1, NV):
                        q = q + r[k] * r[k]
                    ssq = jnp.sum(q)
                    a = att_v[pl.ds(eoff + j, 16)][0]
                    mu = tot * inv_f
                    var = ssq * inv_f - mu * mu
                    rcp = _rsqrt(a * a * var + 1e-5)
                    s = a * rcp
                    rs_.append(r)
                    ss.append(s)
                    ts.append(-mu * s)
                for u in range(2):
                    accs = tuple(
                        accs[k] + _lrelu(rs_[u][k] * ss[u] + ts[u])
                        for k in range(NV)
                    )
                return accs

            return lax.fori_loop(0, K // 2, edge_body, accs)

        fill_c(0, 0)
        wait_c(0)
        fire_adds(0, 0)
        fill_c(1, 1)

        def pair_body(t, accs):
            c0 = t * 2
            wait_adds(0)
            wait_c(1)
            fire_adds(c0 + 1, 1)
            accs = compute(c0, 0, accs)

            @pl.when(c0 + 2 < NCHUNK)
            def _():
                fill_c(c0 + 2, 0)

            wait_adds(1)

            @pl.when(c0 + 2 < NCHUNK)
            def _():
                wait_c(0)
                fire_adds(c0 + 2, 0)

            accs = compute(c0 + 1, 1, accs)

            @pl.when(c0 + 3 < NCHUNK)
            def _():
                fill_c(c0 + 3, 1)

            return accs

        accs = tuple(jnp.zeros((16,), jnp.float32) for _ in range(NV))
        accs = lax.fori_loop(0, NCHUNK // 2, pair_body, accs)
        for k in range(NV):
            acc_v[pl.ds(16 * k, 16)] = accs[k]
        pltpu.sync_copy(acc_v, out_hbm.at[wid])

    return main_k


def kernel(Wh, edge_index, edge_attr, INW_w, INW_b, OUTW_w, OUTW_b,
           EW_w, EW_b, a_w, a_b):
    B, N, F = Wh.shape
    E = edge_index.shape[2]
    DE = edge_attr.shape[2]

    wh = Wh[0]
    src = edge_index[0, 0]
    dst = edge_index[0, 1]
    ea = edge_attr[0]

    BN = 1000
    G, H, ga, ha = pl.pallas_call(
        _node_body,
        grid=(N // BN,),
        in_specs=[
            pl.BlockSpec((BN, F), lambda i: (i, 0)),
            pl.BlockSpec((F, F), lambda i: (0, 0)),
            pl.BlockSpec((1, F), lambda i: (0, 0)),
            pl.BlockSpec((F, F), lambda i: (0, 0)),
            pl.BlockSpec((1, F), lambda i: (0, 0)),
            pl.BlockSpec((F, 1), lambda i: (0, 0)),
        ],
        out_specs=[
            pl.BlockSpec((BN, F), lambda i: (i, 0)),
            pl.BlockSpec((BN, F), lambda i: (i, 0)),
            pl.BlockSpec((BN, 1), lambda i: (i, 0)),
            pl.BlockSpec((BN, 1), lambda i: (i, 0)),
        ],
        out_shape=[
            jax.ShapeDtypeStruct((N, F), jnp.float32),
            jax.ShapeDtypeStruct((N, F), jnp.float32),
            jax.ShapeDtypeStruct((N, 1), jnp.float32),
            jax.ShapeDtypeStruct((N, 1), jnp.float32),
        ],
    )(wh, INW_w.T, INW_b[None, :], OUTW_w.T, OUTW_b[None, :], a_w.T)

    BE = 4000
    c, sca = pl.pallas_call(
        _edge_body,
        grid=(E // BE,),
        in_specs=[
            pl.BlockSpec((BE, DE), lambda i: (i, 0)),
            pl.BlockSpec((DE, F), lambda i: (0, 0)),
            pl.BlockSpec((1, F), lambda i: (0, 0)),
            pl.BlockSpec((F, 1), lambda i: (0, 0)),
            pl.BlockSpec((1, 1), lambda i: (0, 0)),
        ],
        out_specs=[
            pl.BlockSpec((BE, F), lambda i: (i, 0)),
            pl.BlockSpec((BE, 1), lambda i: (i, 0)),
        ],
        out_shape=[
            jax.ShapeDtypeStruct((E, F), jnp.float32),
            jax.ShapeDtypeStruct((E, 1), jnp.float32),
        ],
    )(ea, EW_w.T, EW_b[None, :], a_w.T, a_b[None, :])

    score_k = _make_score_kernel(E, N)
    score = score_k(src, dst, sca[:, 0], ga[:, 0], ha[:, 0])

    SR = E // F
    att2d = pl.pallas_call(
        _softmax_body,
        out_shape=jax.ShapeDtypeStruct((SR, F), jnp.float32),
    )(score.reshape(SR, F))
    att = att2d.reshape(E)

    main_k = _make_main_kernel(E, N, F, K=200)
    partials = main_k(src, dst, att, c, G, H)

    out = pl.pallas_call(
        _finish_body,
        out_shape=jax.ShapeDtypeStruct((1, F), jnp.float32),
    )(partials)

    return out.reshape(B, 1, F)

# --- scband reference (transcript-rebuilt; emitter-appended) ---
"""Pipeline reference for scband-mpnn-20023137534832 (READ-ONLY COPY).

The authoritative reference and input builder live on the scoring server;
editing this copy changes nothing except your own understanding.
"""

import jax, jax.numpy as jnp
import numpy as np

B, N, E, F, DE = 1, 10000, 320000, 128, 16

def setup_inputs(seed: int = 0):
    key = jax.random.key(seed)
    ks = jax.random.split(key, 11)
    Wh = jax.random.normal(ks[0], (B, N, F), dtype=jnp.float32)
    edge_index = jax.random.randint(ks[1], (B, 2, E), 0, N, dtype=jnp.int32)
    edge_attr = jax.random.normal(ks[2], (B, E, DE), dtype=jnp.float32)
    s = 0.1
    INW_w = jax.random.normal(ks[3], (F, F), dtype=jnp.float32) * s
    INW_b = jnp.zeros((F,), dtype=jnp.float32)
    OUTW_w = jax.random.normal(ks[4], (F, F), dtype=jnp.float32) * s
    OUTW_b = jnp.zeros((F,), dtype=jnp.float32)
    EW_w = jax.random.normal(ks[5], (F, DE), dtype=jnp.float32) * s
    EW_b = jnp.zeros((F,), dtype=jnp.float32)
    a_w = jax.random.normal(ks[6], (1, F), dtype=jnp.float32) * s
    a_b = jnp.zeros((1,), dtype=jnp.float32)
    return {"Wh": Wh, "edge_index": edge_index, "edge_attr": edge_attr, "INW_w": INW_w, "INW_b": INW_b, "OUTW_w": OUTW_w, "OUTW_b": OUTW_b, "EW_w": EW_w, "EW_b": EW_b, "a_w": a_w, "a_b": a_b}

def _lrelu(x, alpha=0.02):
    return jnp.where(x >= 0, x, alpha * x)

def reference(Wh, edge_index, edge_attr, INW_w, INW_b, OUTW_w, OUTW_b, EW_w, EW_b, a_w, a_b):
    # weight(): INWh = INW(Wh), OUTWh = OUTW(Wh)
    INWh = Wh @ INW_w.T + INW_b
    OUTWh = Wh @ OUTW_w.T + OUTW_b
    outs = []
    for i in range(Wh.shape[0]):
        src = edge_index[i, 0]
        dst = edge_index[i, 1]
        # EWh = EW(E_values) + INWh[i, E_idx[0]] + OUTWh[i, E_idx[1]] + Wh[i, E_idx[0]]
        EWh = edge_attr[i] @ EW_w.T + EW_b + jnp.take(INWh[i], src, axis=0) + jnp.take(OUTWh[i], dst, axis=0) + jnp.take(Wh[i], src, axis=0)
        att = _lrelu(EWh @ a_w.T + a_b)
        att = jax.nn.softmax(att, axis=0)
        EWh = EWh * att
        # layer_norm over last dim, no affine, eps=1e-5
        mu = jnp.mean(EWh, axis=-1, keepdims=True)
        var = jnp.var(EWh, axis=-1, keepdims=True)
        EWh = (EWh - mu) / jnp.sqrt(var + 1e-5)
        EWh = _lrelu(EWh)
        outs.append(jnp.sum(EWh, axis=0))
    return jnp.stack(outs, axis=0)[:, None, :]

if __name__ == "__main__":
    import jax
    _d = setup_inputs()
    print(jax.jit(kernel)(*tuple(_d.values())))

</pallas_src>

<mosaic_0001>
#map = affine_map<(d0, d1) -> (0)>
#map1 = affine_map<(d0, d1) -> (0, 0)>
module attributes {stable_mosaic.version = 14 : i64} {
  func.func @main_k(%arg0: i32, %arg1: i32, %arg2: memref<320000xi32, #tpu.memory_space<hbm>>, %arg3: memref<320000xi32, #tpu.memory_space<hbm>>, %arg4: memref<320000xf32, #tpu.memory_space<hbm>>, %arg5: memref<320000x128xf32, #tpu.memory_space<hbm>>, %arg6: memref<10000x128xf32, #tpu.memory_space<hbm>>, %arg7: memref<10000x128xf32, #tpu.memory_space<hbm>>, %arg8: memref<32x128xf32, #tpu.memory_space<hbm>>, %arg9: memref<10000xi32, #tpu.memory_space<vmem>>, %arg10: memref<10000xi32, #tpu.memory_space<vmem>>, %arg11: memref<10016xf32, #tpu.memory_space<vmem>>, %arg12: memref<2x200x128xf32, #tpu.memory_space<vmem>>, %arg13: memref<128xf32, #tpu.memory_space<vmem>>, %arg14: memref<!tpu.dma_semaphore, #tpu.memory_space<semaphore_mem>>, %arg15: memref<!tpu.dma_semaphore, #tpu.memory_space<semaphore_mem>>, %arg16: memref<!tpu.dma_semaphore, #tpu.memory_space<semaphore_mem>>, %arg17: memref<!tpu.dma_semaphore, #tpu.memory_space<semaphore_mem>>, %arg18: memref<!tpu.dma_semaphore, #tpu.memory_space<semaphore_mem>>, %arg19: memref<!tpu.dma_semaphore, #tpu.memory_space<semaphore_mem>>) attributes {dimension_semantics = [#tpu.dimension_semantics<core_parallel>, #tpu.dimension_semantics<subcore_parallel>], iteration_bounds = array<i64: 2, 16>, scalar_prefetch = 0 : i64, scratch_operands = 11 : i64, tpu.core_type = #tpu.core_type<sc_vector_subcore>, window_params = [{transform_indices = #map}, {transform_indices = #map}, {transform_indices = #map}, {transform_indices = #map1}, {transform_indices = #map1}, {transform_indices = #map1}, {transform_indices = #map1}]} {
    %mul3A = arith.constant 2 : i32
    %mul3A_0 = arith.muli %arg1, %mul3A : i32
    %add3A = arith.addi %mul3A_0, %arg0 : i32
    %mul3A_1 = arith.constant 10000 : i32
    %mul3A_2 = arith.muli %add3A, %mul3A_1 : i32
    "tpu.region"() ({
      %run_scoped3A = tpu.sem_alloc : memref<!tpu.dma_semaphore, #tpu.memory_space<semaphore_mem>>
      %dma_start3A_99 = tpu.memref_slice %arg2[%mul3A_2] : memref<320000xi32, #tpu.memory_space<hbm>> -> memref<10000xi32, #tpu.memory_space<hbm>>
      %dma_start3A_100 = tpu.memref_slice %arg2[%mul3A_2] : memref<320000xi32, #tpu.memory_space<hbm>> -> memref<10000xi32, #tpu.memory_space<hbm>>
      tpu.enqueue_dma source(%dma_start3A_100 : memref<10000xi32, #tpu.memory_space<hbm>>) target(%arg9 : memref<10000xi32, #tpu.memory_space<vmem>>) target_semaphore(%run_scoped3A : memref<!tpu.dma_semaphore, #tpu.memory_space<semaphore_mem>>)
      %dma_wait3A_101 = tpu.memref_slice %arg2[%mul3A_2] : memref<320000xi32, #tpu.memory_space<hbm>> -> memref<10000xi32, #tpu.memory_space<hbm>>
      %dma_wait3A_102 = tpu.memref_slice %arg2[%mul3A_2] : memref<320000xi32, #tpu.memory_space<hbm>> -> memref<10000xi32, #tpu.memory_space<hbm>>
      tpu.wait_dma2 semaphore(%run_scoped3A : memref<!tpu.dma_semaphore, #tpu.memory_space<semaphore_mem>>) src(%dma_wait3A_102 : memref<10000xi32, #tpu.memory_space<hbm>>) dst(%arg9 : memref<10000xi32, #tpu.memory_space<vmem>>)
      tpu.yield
    }) : () -> ()
    "tpu.region"() ({
      %run_scoped3A = tpu.sem_alloc : memref<!tpu.dma_semaphore, #tpu.memory_space<semaphore_mem>>
      %dma_start3A_99 = tpu.memref_slice %arg3[%mul3A_2] : memref<320000xi32, #tpu.memory_space<hbm>> -> memref<10000xi32, #tpu.memory_space<hbm>>
      %dma_start3A_100 = tpu.memref_slice %arg3[%mul3A_2] : memref<320000xi32, #tpu.memory_space<hbm>> -> memref<10000xi32, #tpu.memory_space<hbm>>
      tpu.enqueue_dma source(%dma_start3A_100 : memref<10000xi32, #tpu.memory_space<hbm>>) target(%arg10 : memref<10000xi32, #tpu.memory_space<vmem>>) target_semaphore(%run_scoped3A : memref<!tpu.dma_semaphore, #tpu.memory_space<semaphore_mem>>)
      %dma_wait3A_101 = tpu.memref_slice %arg3[%mul3A_2] : memref<320000xi32, #tpu.memory_space<hbm>> -> memref<10000xi32, #tpu.memory_space<hbm>>
      %dma_wait3A_102 = tpu.memref_slice %arg3[%mul3A_2] : memref<320000xi32, #tpu.memory_space<hbm>> -> memref<10000xi32, #tpu.memory_space<hbm>>
      tpu.wait_dma2 semaphore(%run_scoped3A : memref<!tpu.dma_semaphore, #tpu.memory_space<semaphore_mem>>) src(%dma_wait3A_102 : memref<10000xi32, #tpu.memory_space<hbm>>) dst(%arg10 : memref<10000xi32, #tpu.memory_space<vmem>>)
      tpu.yield
    }) : () -> ()
    "tpu.region"() ({
      %run_scoped3A = tpu.sem_alloc : memref<!tpu.dma_semaphore, #tpu.memory_space<semaphore_mem>>
      %dma_start3A_99 = arith.constant 0 : i32
      %dma_start3A_100 = tpu.memref_slice %arg11[%dma_start3A_99] : memref<10016xf32, #tpu.memory_space<vmem>> -> memref<10000xf32, #tpu.memory_space<vmem>>
      %dma_start3A_101 = tpu.memref_slice %arg4[%mul3A_2] : memref<320000xf32, #tpu.memory_space<hbm>> -> memref<10000xf32, #tpu.memory_space<hbm>>
      %dma_start3A_102 = arith.constant 0 : i32
      %dma_start3A_103 = tpu.memref_slice %arg11[%dma_start3A_102] : memref<10016xf32, #tpu.memory_space<vmem>> -> memref<10000xf32, #tpu.memory_space<vmem>>
      %dma_start3A_104 = tpu.memref_slice %arg4[%mul3A_2] : memref<320000xf32, #tpu.memory_space<hbm>> -> memref<10000xf32, #tpu.memory_space<hbm>>
      tpu.enqueue_dma source(%dma_start3A_104 : memref<10000xf32, #tpu.memory_space<hbm>>) target(%dma_start3A_103 : memref<10000xf32, #tpu.memory_space<vmem>>) target_semaphore(%run_scoped3A : memref<!tpu.dma_semaphore, #tpu.memory_space<semaphore_mem>>)
      %dma_wait3A_105 = arith.constant 0 : i32
      %dma_wait3A_106 = tpu.memref_slice %arg11[%dma_wait3A_105] : memref<10016xf32, #tpu.memory_space<vmem>> -> memref<10000xf32, #tpu.memory_space<vmem>>
      %dma_wait3A_107 = tpu.memref_slice %arg4[%mul3A_2] : memref<320000xf32, #tpu.memory_space<hbm>> -> memref<10000xf32, #tpu.memory_space<hbm>>
      %dma_wait3A_108 = arith.constant 0 : i32
      %dma_wait3A_109 = tpu.memref_slice %arg11[%dma_wait3A_108] : memref<10016xf32, #tpu.memory_space<vmem>> -> memref<10000xf32, #tpu.memory_space<vmem>>
      %dma_wait3A_110 = tpu.memref_slice %arg4[%mul3A_2] : memref<320000xf32, #tpu.memory_space<hbm>> -> memref<10000xf32, #tpu.memory_space<hbm>>
      tpu.wait_dma2 semaphore(%run_scoped3A : memref<!tpu.dma_semaphore, #tpu.memory_space<semaphore_mem>>) src(%dma_wait3A_110 : memref<10000xf32, #tpu.memory_space<hbm>>) dst(%dma_wait3A_109 : memref<10000xf32, #tpu.memory_space<vmem>>)
      tpu.yield
    }) : () -> ()
    %add3A_3 = arith.constant 0 : i32
    %add3A_4 = arith.addi %mul3A_2, %add3A_3 : i32
    %dma_start3A = arith.constant 0 : i32
    %dma_start3A_5 = arith.constant 0 : i32
    %dma_start3A_6 = arith.constant 0 : i32
    %dma_start3A_7 = tpu.memref_slice %arg12[%dma_start3A, %dma_start3A_5, %dma_start3A_6] : memref<2x200x128xf32, #tpu.memory_space<vmem>> -> memref<1x200x128xf32, #tpu.memory_space<vmem>>
    %dma_start3A_8 = tpu.memref_squeeze %dma_start3A_7 : memref<1x200x128xf32, #tpu.memory_space<vmem>> -> memref<200x128xf32, #tpu.memory_space<vmem>>
    %dma_start3A_9 = arith.constant 0 : i32
    %dma_start3A_10 = tpu.memref_slice %arg5[%add3A_4, %dma_start3A_9] : memref<320000x128xf32, #tpu.memory_space<hbm>> -> memref<200x128xf32, #tpu.memory_space<hbm>>
    %dma_start3A_11 = arith.constant 0 : i32
    %dma_start3A_12 = arith.constant 0 : i32
    %dma_start3A_13 = tpu.memref_slice %arg12[%dma_start3A, %dma_start3A_11, %dma_start3A_12] : memref<2x200x128xf32, #tpu.memory_space<vmem>> -> memref<1x200x128xf32, #tpu.memory_space<vmem>>
    %dma_start3A_14 = tpu.memref_squeeze %dma_start3A_13 : memref<1x200x128xf32, #tpu.memory_space<vmem>> -> memref<200x128xf32, #tpu.memory_space<vmem>>
    %dma_start3A_15 = arith.constant 0 : i32
    %dma_start3A_16 = tpu.memref_slice %arg5[%add3A_4, %dma_start3A_15] : memref<320000x128xf32, #tpu.memory_space<hbm>> -> memref<200x128xf32, #tpu.memory_space<hbm>>
    tpu.enqueue_dma source(%dma_start3A_16 : memref<200x128xf32, #tpu.memory_space<hbm>>) target(%dma_start3A_14 : memref<200x128xf32, #tpu.memory_space<vmem>>) target_semaphore(%arg18 : memref<!tpu.dma_semaphore, #tpu.memory_space<semaphore_mem>>)
    %dma_wait3A = arith.constant 0 : i32
    %dma_wait3A_17 = arith.constant 0 : i32
    %dma_wait3A_18 = arith.constant 0 : i32
    %dma_wait3A_19 = tpu.memref_slice %arg12[%dma_wait3A, %dma_wait3A_17, %dma_wait3A_18] : memref<2x200x128xf32, #tpu.memory_space<vmem>> -> memref<1x200x128xf32, #tpu.memory_space<vmem>>
    %dma_wait3A_20 = tpu.memref_squeeze %dma_wait3A_19 : memref<1x200x128xf32, #tpu.memory_space<vmem>> -> memref<200x128xf32, #tpu.memory_space<vmem>>
    %dma_wait3A_21 = arith.constant 0 : i32
    %dma_wait3A_22 = tpu.memref_slice %arg5[%mul3A_2, %dma_wait3A_21] : memref<320000x128xf32, #tpu.memory_space<hbm>> -> memref<200x128xf32, #tpu.memory_space<hbm>>
    %dma_wait3A_23 = arith.constant 0 : i32
    %dma_wait3A_24 = arith.constant 0 : i32
    %dma_wait3A_25 = tpu.memref_slice %arg12[%dma_wait3A, %dma_wait3A_23, %dma_wait3A_24] : memref<2x200x128xf32, #tpu.memory_space<vmem>> -> memref<1x200x128xf32, #tpu.memory_space<vmem>>
    %dma_wait3A_26 = tpu.memref_squeeze %dma_wait3A_25 : memref<1x200x128xf32, #tpu.memory_space<vmem>> -> memref<200x128xf32, #tpu.memory_space<vmem>>
    %dma_wait3A_27 = arith.constant 0 : i32
    %dma_wait3A_28 = tpu.memref_slice %arg5[%mul3A_2, %dma_wait3A_27] : memref<320000x128xf32, #tpu.memory_space<hbm>> -> memref<200x128xf32, #tpu.memory_space<hbm>>
    tpu.wait_dma2 semaphore(%arg18 : memref<!tpu.dma_semaphore, #tpu.memory_space<semaphore_mem>>) src(%dma_wait3A_28 : memref<200x128xf32, #tpu.memory_space<hbm>>) dst(%dma_wait3A_26 : memref<200x128xf32, #tpu.memory_space<vmem>>)
    %dma_start3A_29 = arith.constant 0 : i32
    %dma_start3A_30 = arith.constant 0 : i32
    %dma_start3A_31 = arith.constant 0 : i32
    %dma_start3A_32 = tpu.memref_slice %arg12[%dma_start3A_29, %dma_start3A_30, %dma_start3A_31] : memref<2x200x128xf32, #tpu.memory_space<vmem>> -> memref<1x200x128xf32, #tpu.memory_space<vmem>>
    %dma_start3A_33 = tpu.memref_squeeze %dma_start3A_32 : memref<1x200x128xf32, #tpu.memory_space<vmem>> -> memref<200x128xf32, #tpu.memory_space<vmem>>
    %dma_start3A_34 = arith.constant 0 : i32
    %dma_start3A_35 = tpu.memref_slice %arg9[%dma_start3A_34] : memref<10000xi32, #tpu.memory_space<vmem>> -> memref<200xi32, #tpu.memory_space<vmem>>
    %dma_start3A_36 = arith.constant 0 : i32
    %dma_start3A_37 = arith.constant 0 : i32
    %dma_start3A_38 = tpu.memref_slice %arg6[%dma_start3A_36, %dma_start3A_37] : memref<10000x128xf32, #tpu.memory_space<hbm>> -> memref<10000x128xf32, #tpu.memory_space<hbm>>
    tpu.enqueue_indirect_dma source(%dma_start3A_38 : memref<10000x128xf32, #tpu.memory_space<hbm>>) target(%dma_start3A_33 : memref<200x128xf32, #tpu.memory_space<vmem>>) offsets(%dma_start3A_35 : memref<200xi32, #tpu.memory_space<vmem>>) semaphore(%arg14 : memref<!tpu.dma_semaphore, #tpu.memory_space<semaphore_mem>>) {add = true}
    %dma_start3A_39 = arith.constant 0 : i32
    %dma_start3A_40 = arith.constant 0 : i32
    %dma_start3A_41 = arith.constant 0 : i32
    %dma_start3A_42 = tpu.memref_slice %arg12[%dma_start3A_39, %dma_start3A_40, %dma_start3A_41] : memref<2x200x128xf32, #tpu.memory_space<vmem>> -> memref<1x200x128xf32, #tpu.memory_space<vmem>>
    %dma_start3A_43 = tpu.memref_squeeze %dma_start3A_42 : memref<1x200x128xf32, #tpu.memory_space<vmem>> -> memref<200x128xf32, #tpu.memory_space<vmem>>
    %dma_start3A_44 = arith.constant 0 : i32
    %dma_start3A_45 = tpu.memref_slice %arg10[%dma_start3A_44] : memref<10000xi32, #tpu.memory_space<vmem>> -> memref<200xi32, #tpu.memory_space<vmem>>
    %dma_start3A_46 = arith.constant 0 : i32
    %dma_start3A_47 = arith.constant 0 : i32
    %dma_start3A_48 = tpu.memref_slice %arg7[%dma_start3A_46, %dma_start3A_47] : memref<10000x128xf32, #tpu.memory_space<hbm>> -> memref<10000x128xf32, #tpu.memory_space<hbm>>
    tpu.enqueue_indirect_dma source(%dma_start3A_48 : memref<10000x128xf32, #tpu.memory_space<hbm>>) target(%dma_start3A_43 : memref<200x128xf32, #tpu.memory_space<vmem>>) offsets(%dma_start3A_45 : memref<200xi32, #tpu.memory_space<vmem>>) semaphore(%arg15 : memref<!tpu.dma_semaphore, #tpu.memory_space<semaphore_mem>>) {add = true}
    %add3A_49 = arith.constant 200 : i32
    %add3A_50 = arith.addi %mul3A_2, %add3A_49 : i32
    %dma_start3A_51 = arith.constant 1 : i32
    %dma_start3A_52 = arith.constant 0 : i32
    %dma_start3A_53 = arith.constant 0 : i32
    %dma_start3A_54 = tpu.memref_slice %arg12[%dma_start3A_51, %dma_start3A_52, %dma_start3A_53] : memref<2x200x128xf32, #tpu.memory_space<vmem>> -> memref<1x200x128xf32, #tpu.memory_space<vmem>>
    %dma_start3A_55 = tpu.memref_squeeze %dma_start3A_54 : memref<1x200x128xf32, #tpu.memory_space<vmem>> -> memref<200x128xf32, #tpu.memory_space<vmem>>
    %dma_start3A_56 = arith.constant 0 : i32
    %dma_start3A_57 = tpu.memref_slice %arg5[%add3A_50, %dma_start3A_56] : memref<320000x128xf32, #tpu.memory_space<hbm>> -> memref<200x128xf32, #tpu.memory_space<hbm>>
    %dma_start3A_58 = arith.constant 0 : i32
    %dma_start3A_59 = arith.constant 0 : i32
    %dma_start3A_60 = tpu.memref_slice %arg12[%dma_start3A_51, %dma_start3A_58, %dma_start3A_59] : memref<2x200x128xf32, #tpu.memory_space<vmem>> -> memref<1x200x128xf32, #tpu.memory_space<vmem>>
    %dma_start3A_61 = tpu.memref_squeeze %dma_start3A_60 : memref<1x200x128xf32, #tpu.memory_space<vmem>> -> memref<200x128xf32, #tpu.memory_space<vmem>>
    %dma_start3A_62 = arith.constant 0 : i32
    %dma_start3A_63 = tpu.memref_slice %arg5[%add3A_50, %dma_start3A_62] : memref<320000x128xf32, #tpu.memory_space<hbm>> -> memref<200x128xf32, #tpu.memory_space<hbm>>
    tpu.enqueue_dma source(%dma_start3A_63 : memref<200x128xf32, #tpu.memory_space<hbm>>) target(%dma_start3A_61 : memref<200x128xf32, #tpu.memory_space<vmem>>) target_semaphore(%arg19 : memref<!tpu.dma_semaphore, #tpu.memory_space<semaphore_mem>>)
    %broadcast_in_dim3A = arith.constant 0.000000e+00 : f32
    %broadcast_in_dim3A_64 = vector.broadcast %broadcast_in_dim3A : f32 to vector<16xf32>
    %broadcast_in_dim3A_65 = arith.constant 0.000000e+00 : f32
    %broadcast_in_dim3A_66 = vector.broadcast %broadcast_in_dim3A_65 : f32 to vector<16xf32>
    %broadcast_in_dim3A_67 = arith.constant 0.000000e+00 : f32
    %broadcast_in_dim3A_68 = vector.broadcast %broadcast_in_dim3A_67 : f32 to vector<16xf32>
    %broadcast_in_dim3A_69 = arith.constant 0.000000e+00 : f32
    %broadcast_in_dim3A_70 = vector.broadcast %broadcast_in_dim3A_69 : f32 to vector<16xf32>
    %broadcast_in_dim3A_71 = arith.constant 0.000000e+00 : f32
    %broadcast_in_dim3A_72 = vector.broadcast %broadcast_in_dim3A_71 : f32 to vector<16xf32>
    %broadcast_in_dim3A_73 = arith.constant 0.000000e+00 : f32
    %broadcast_in_dim3A_74 = vector.broadcast %broadcast_in_dim3A_73 : f32 to vector<16xf32>
    %broadcast_in_dim3A_75 = arith.constant 0.000000e+00 : f32
    %broadcast_in_dim3A_76 = vector.broadcast %broadcast_in_dim3A_75 : f32 to vector<16xf32>
    %broadcast_in_dim3A_77 = arith.constant 0.000000e+00 : f32
    %broadcast_in_dim3A_78 = vector.broadcast %broadcast_in_dim3A_77 : f32 to vector<16xf32>
    %scan3A = arith.constant 0 : i32
    %scan3A_79 = arith.constant 25 : i32
    %scan3A_80 = arith.addi %scan3A, %scan3A_79 : i32
    %scan3A_81 = arith.constant 1 : i32
    %scan3A_82:8 = scf.for %scan3A_99 = %scan3A to %scan3A_80 step %scan3A_81 iter_args(%scan3A_100 = %broadcast_in_dim3A_64, %scan3A_101 = %broadcast_in_dim3A_66, %scan3A_102 = %broadcast_in_dim3A_68, %scan3A_103 = %broadcast_in_dim3A_70, %scan3A_104 = %broadcast_in_dim3A_72, %scan3A_105 = %broadcast_in_dim3A_74, %scan3A_106 = %broadcast_in_dim3A_76, %scan3A_107 = %broadcast_in_dim3A_78) -> (vector<16xf32>, vector<16xf32>, vector<16xf32>, vector<16xf32>, vector<16xf32>, vector<16xf32>, vector<16xf32>, vector<16xf32>)  : i32 {
      %mul3A_108 = arith.constant 2 : i32
      %mul3A_109 = arith.muli %scan3A_99, %mul3A_108 : i32
      %dma_wait3A_110 = arith.constant 0 : i32
      %dma_wait3A_111 = arith.constant 0 : i32
      %dma_wait3A_112 = arith.constant 0 : i32
      %dma_wait3A_113 = tpu.memref_slice %arg12[%dma_wait3A_110, %dma_wait3A_111, %dma_wait3A_112] : memref<2x200x128xf32, #tpu.memory_space<vmem>> -> memref<1x200x128xf32, #tpu.memory_space<vmem>>
      %dma_wait3A_114 = tpu.memref_squeeze %dma_wait3A_113 : memref<1x200x128xf32, #tpu.memory_space<vmem>> -> memref<200x128xf32, #tpu.memory_space<vmem>>
      %dma_wait3A_115 = arith.constant 0 : i32
      %dma_wait3A_116 = tpu.memref_slice %arg9[%dma_wait3A_115] : memref<10000xi32, #tpu.memory_space<vmem>> -> memref<200xi32, #tpu.memory_space<vmem>>
      %dma_wait3A_117 = arith.constant 0 : i32
      %dma_wait3A_118 = arith.constant 0 : i32
      %dma_wait3A_119 = tpu.memref_slice %arg6[%dma_wait3A_117, %dma_wait3A_118] : memref<10000x128xf32, #tpu.memory_space<hbm>> -> memref<10000x128xf32, #tpu.memory_space<hbm>>
      tpu.wait_indirect_dma semaphore(%arg14 : memref<!tpu.dma_semaphore, #tpu.memory_space<semaphore_mem>>) src(%dma_wait3A_119 : memref<10000x128xf32, #tpu.memory_space<hbm>>) dst(%dma_wait3A_114 : memref<200x128xf32, #tpu.memory_space<vmem>>)
      %dma_wait3A_120 = arith.constant 0 : i32
      %dma_wait3A_121 = arith.constant 0 : i32
      %dma_wait3A_122 = arith.constant 0 : i32
      %dma_wait3A_123 = tpu.memref_slice %arg12[%dma_wait3A_120, %dma_wait3A_121, %dma_wait3A_122] : memref<2x200x128xf32, #tpu.memory_space<vmem>> -> memref<1x200x128xf32, #tpu.memory_space<vmem>>
      %dma_wait3A_124 = tpu.memref_squeeze %dma_wait3A_123 : memref<1x200x128xf32, #tpu.memory_space<vmem>> -> memref<200x128xf32, #tpu.memory_space<vmem>>
      %dma_wait3A_125 = arith.constant 0 : i32
      %dma_wait3A_126 = tpu.memref_slice %arg10[%dma_wait3A_125] : memref<10000xi32, #tpu.memory_space<vmem>> -> memref<200xi32, #tpu.memory_space<vmem>>
      %dma_wait3A_127 = arith.constant 0 : i32
      %dma_wait3A_128 = arith.constant 0 : i32
      %dma_wait3A_129 = tpu.memref_slice %arg7[%dma_wait3A_127, %dma_wait3A_128] : memref<10000x128xf32, #tpu.memory_space<hbm>> -> memref<10000x128xf32, #tpu.memory_space<hbm>>
      tpu.wait_indirect_dma semaphore(%arg15 : memref<!tpu.dma_semaphore, #tpu.memory_space<semaphore_mem>>) src(%dma_wait3A_129 : memref<10000x128xf32, #tpu.memory_space<hbm>>) dst(%dma_wait3A_124 : memref<200x128xf32, #tpu.memory_space<vmem>>)
      %dma_wait3A_130 = arith.constant 1 : i32
      %dma_wait3A_131 = arith.constant 0 : i32
      %dma_wait3A_132 = arith.constant 0 : i32
      %dma_wait3A_133 = tpu.memref_slice %arg12[%dma_wait3A_130, %dma_wait3A_131, %dma_wait3A_132] : memref<2x200x128xf32, #tpu.memory_space<vmem>> -> memref<1x200x128xf32, #tpu.memory_space<vmem>>
      %dma_wait3A_134 = tpu.memref_squeeze %dma_wait3A_133 : memref<1x200x128xf32, #tpu.memory_space<vmem>> -> memref<200x128xf32, #tpu.memory_space<vmem>>
      %dma_wait3A_135 = arith.constant 0 : i32
      %dma_wait3A_136 = tpu.memref_slice %arg5[%mul3A_2, %dma_wait3A_135] : memref<320000x128xf32, #tpu.memory_space<hbm>> -> memref<200x128xf32, #tpu.memory_space<hbm>>
      %dma_wait3A_137 = arith.constant 0 : i32
      %dma_wait3A_138 = arith.constant 0 : i32
      %dma_wait3A_139 = tpu.memref_slice %arg12[%dma_wait3A_130, %dma_wait3A_137, %dma_wait3A_138] : memref<2x200x128xf32, #tpu.memory_space<vmem>> -> memref<1x200x128xf32, #tpu.memory_space<vmem>>
      %dma_wait3A_140 = tpu.memref_squeeze %dma_wait3A_139 : memref<1x200x128xf32, #tpu.memory_space<vmem>> -> memref<200x128xf32, #tpu.memory_space<vmem>>
      %dma_wait3A_141 = arith.constant 0 : i32
      %dma_wait3A_142 = tpu.memref_slice %arg5[%mul3A_2, %dma_wait3A_141] : memref<320000x128xf32, #tpu.memory_space<hbm>> -> memref<200x128xf32, #tpu.memory_space<hbm>>
      tpu.wait_dma2 semaphore(%arg19 : memref<!tpu.dma_semaphore, #tpu.memory_space<semaphore_mem>>) src(%dma_wait3A_142 : memref<200x128xf32, #tpu.memory_space<hbm>>) dst(%dma_wait3A_140 : memref<200x128xf32, #tpu.memory_space<vmem>>)
      %add3A_143 = arith.constant 1 : i32
      %add3A_144 = arith.addi %mul3A_109, %add3A_143 : i32
      %mul3A_145 = arith.constant 200 : i32
      %mul3A_146 = arith.muli %add3A_144, %mul3A_145 : i32
      %dma_start3A_147 = arith.constant 1 : i32
      %dma_start3A_148 = arith.constant 0 : i32
      %dma_start3A_149 = arith.constant 0 : i32
      %dma_start3A_150 = tpu.memref_slice %arg12[%dma_start3A_147, %dma_start3A_148, %dma_start3A_149] : memref<2x200x128xf32, #tpu.memory_space<vmem>> -> memref<1x200x128xf32, #tpu.memory_space<vmem>>
      %dma_start3A_151 = tpu.memref_squeeze %dma_start3A_150 : memref<1x200x128xf32, #tpu.memory_space<vmem>> -> memref<200x128xf32, #tpu.memory_space<vmem>>
      %dma_start3A_152 = tpu.memref_slice %arg9[%mul3A_146] : memref<10000xi32, #tpu.memory_space<vmem>> -> memref<200xi32, #tpu.memory_space<vmem>>
      %dma_start3A_153 = arith.constant 0 : i32
      %dma_start3A_154 = arith.constant 0 : i32
      %dma_start3A_155 = tpu.memref_slice %arg6[%dma_start3A_153, %dma_start3A_154] : memref<10000x128xf32, #tpu.memory_space<hbm>> -> memref<10000x128xf32, #tpu.memory_space<hbm>>
      tpu.enqueue_indirect_dma source(%dma_start3A_155 : memref<10000x128xf32, #tpu.memory_space<hbm>>) target(%dma_start3A_151 : memref<200x128xf32, #tpu.memory_space<vmem>>) offsets(%dma_start3A_152 : memref<200xi32, #tpu.memory_space<vmem>>) semaphore(%arg16 : memref<!tpu.dma_semaphore, #tpu.memory_space<semaphore_mem>>) {add = true}
      %dma_start3A_156 = arith.constant 1 : i32
      %dma_start3A_157 = arith.constant 0 : i32
      %dma_start3A_158 = arith.constant 0 : i32
      %dma_start3A_159 = tpu.memref_slice %arg12[%dma_start3A_156, %dma_start3A_157, %dma_start3A_158] : memref<2x200x128xf32, #tpu.memory_space<vmem>> -> memref<1x200x128xf32, #tpu.memory_space<vmem>>
      %dma_start3A_160 = tpu.memref_squeeze %dma_start3A_159 : memref<1x200x128xf32, #tpu.memory_space<vmem>> -> memref<200x128xf32, #tpu.memory_space<vmem>>
      %dma_start3A_161 = tpu.memref_slice %arg10[%mul3A_146] : memref<10000xi32, #tpu.memory_space<vmem>> -> memref<200xi32, #tpu.memory_space<vmem>>
      %dma_start3A_162 = arith.constant 0 : i32
      %dma_start3A_163 = arith.constant 0 : i32
      %dma_start3A_164 = tpu.memref_slice %arg7[%dma_start3A_162, %dma_start3A_163] : memref<10000x128xf32, #tpu.memory_space<hbm>> -> memref<10000x128xf32, #tpu.memory_space<hbm>>
      tpu.enqueue_indirect_dma source(%dma_start3A_164 : memref<10000x128xf32, #tpu.memory_space<hbm>>) target(%dma_start3A_160 : memref<200x128xf32, #tpu.memory_space<vmem>>) offsets(%dma_start3A_161 : memref<200xi32, #tpu.memory_space<vmem>>) semaphore(%arg17 : memref<!tpu.dma_semaphore, #tpu.memory_space<semaphore_mem>>) {add = true}
      %mul3A_165 = arith.constant 200 : i32
      %mul3A_166 = arith.muli %mul3A_109, %mul3A_165 : i32
      %scan3A_167 = arith.constant 0 : i32
      %scan3A_168 = arith.constant 100 : i32
      %scan3A_169 = arith.addi %scan3A_167, %scan3A_168 : i32
      %scan3A_170 = arith.constant 1 : i32
      %scan3A_171:8 = scf.for %scan3A_221 = %scan3A_167 to %scan3A_169 step %scan3A_170 iter_args(%scan3A_222 = %scan3A_100, %scan3A_223 = %scan3A_101, %scan3A_224 = %scan3A_102, %scan3A_225 = %scan3A_103, %scan3A_226 = %scan3A_104, %scan3A_227 = %scan3A_105, %scan3A_228 = %scan3A_106, %scan3A_229 = %scan3A_107) -> (vector<16xf32>, vector<16xf32>, vector<16xf32>, vector<16xf32>, vector<16xf32>, vector<16xf32>, vector<16xf32>, vector<16xf32>)  : i32 {
        %mul3A_230 = arith.constant 2 : i32
        %mul3A_231 = arith.muli %scan3A_221, %mul3A_230 : i32
        %add3A_232 = arith.constant 0 : i32
        %add3A_233 = arith.addi %mul3A_231, %add3A_232 : i32
        %get3A = arith.constant 0 : i32
        %get3A_234 = arith.index_cast %get3A : i32 to index
        %get3A_235 = arith.index_cast %add3A_233 : i32 to index
        %get3A_236 = arith.constant 0 : index
        %get3A_237 = tpu.vector_load %arg12[%get3A_234, %get3A_235, %get3A_236] {strides = array<i32>} : memref<2x200x128xf32, #tpu.memory_space<vmem>>, vector<16xf32>,
        %get3A_238 = arith.constant 0 : i32
        %get3A_239 = arith.index_cast %get3A_238 : i32 to index
        %get3A_240 = arith.index_cast %add3A_233 : i32 to index
        %get3A_241 = arith.constant 16 : index
        %get3A_242 = tpu.vector_load %arg12[%get3A_239, %get3A_240, %get3A_241] {strides = array<i32>} : memref<2x200x128xf32, #tpu.memory_space<vmem>>, vector<16xf32>,
        %get3A_243 = arith.constant 0 : i32
        %get3A_244 = arith.index_cast %get3A_243 : i32 to index
        %get3A_245 = arith.index_cast %add3A_233 : i32 to index
        %get3A_246 = arith.constant 32 : index
        %get3A_247 = tpu.vector_load %arg12[%get3A_244, %get3A_245, %get3A_246] {strides = array<i32>} : memref<2x200x128xf32, #tpu.memory_space<vmem>>, vector<16xf32>,
        %get3A_248 = arith.constant 0 : i32
        %get3A_249 = arith.index_cast %get3A_248 : i32 to index
        %get3A_250 = arith.index_cast %add3A_233 : i32 to index
        %get3A_251 = arith.constant 48 : index
        %get3A_252 = tpu.vector_load %arg12[%get3A_249, %get3A_250, %get3A_251] {strides = array<i32>} : memref<2x200x128xf32, #tpu.memory_space<vmem>>, vector<16xf32>,
        %get3A_253 = arith.constant 0 : i32
        %get3A_254 = arith.index_cast %get3A_253 : i32 to index
        %get3A_255 = arith.index_cast %add3A_233 : i32 to index
        %get3A_256 = arith.constant 64 : index
        %get3A_257 = tpu.vector_load %arg12[%get3A_254, %get3A_255, %get3A_256] {strides = array<i32>} : memref<2x200x128xf32, #tpu.memory_space<vmem>>, vector<16xf32>,
        %get3A_258 = arith.constant 0 : i32
        %get3A_259 = arith.index_cast %get3A_258 : i32 to index
        %get3A_260 = arith.index_cast %add3A_233 : i32 to index
        %get3A_261 = arith.constant 80 : index
        %get3A_262 = tpu.vector_load %arg12[%get3A_259, %get3A_260, %get3A_261] {strides = array<i32>} : memref<2x200x128xf32, #tpu.memory_space<vmem>>, vector<16xf32>,
        %get3A_263 = arith.constant 0 : i32
        %get3A_264 = arith.index_cast %get3A_263 : i32 to index
        %get3A_265 = arith.index_cast %add3A_233 : i32 to index
        %get3A_266 = arith.constant 96 : index
        %get3A_267 = tpu.vector_load %arg12[%get3A_264, %get3A_265, %get3A_266] {strides = array<i32>} : memref<2x200x128xf32, #tpu.memory_space<vmem>>, vector<16xf32>,
        %get3A_268 = arith.constant 0 : i32
        %get3A_269 = arith.index_cast %get3A_268 : i32 to index
        %get3A_270 = arith.index_cast %add3A_233 : i32 to index
        %get3A_271 = arith.constant 112 : index
        %get3A_272 = tpu.vector_load %arg12[%get3A_269, %get3A_270, %get3A_271] {strides = array<i32>} : memref<2x200x128xf32, #tpu.memory_space<vmem>>, vector<16xf32>,
        %add3A_273 = arith.addf %get3A_237, %get3A_242 : vector<16xf32>
        %add3A_274 = arith.addf %add3A_273, %get3A_247 : vector<16xf32>
        %add3A_275 = arith.addf %add3A_274, %get3A_252 : vector<16xf32>
        %add3A_276 = arith.addf %add3A_275, %get3A_257 : vector<16xf32>
        %add3A_277 = arith.addf %add3A_276, %get3A_262 : vector<16xf32>
        %add3A_278 = arith.addf %add3A_277, %get3A_267 : vector<16xf32>
        %add3A_279 = arith.addf %add3A_278, %get3A_272 : vector<16xf32>
        %reduce_sum3A = arith.constant true
        %reduce_sum3A_280 = vector.broadcast %reduce_sum3A : i1 to vector<16xi1>
        %reduce_sum3A_281 = tpu.scan <sum>, %add3A_279 masked %reduce_sum3A_280 : vector<16xf32>, vector<16xi1> -> vector<16xf32>
        %reduce_sum3A_282 = vector.extract %reduce_sum3A_281[15] : f32 from vector<16xf32>
        %mul3A_283 = arith.mulf %get3A_237, %get3A_237 : vector<16xf32>
        %mul3A_284 = arith.mulf %get3A_242, %get3A_242 : vector<16xf32>
        %add3A_285 = arith.addf %mul3A_283, %mul3A_284 : vector<16xf32>
        %mul3A_286 = arith.mulf %get3A_247, %get3A_247 : vector<16xf32>
        %add3A_287 = arith.addf %add3A_285, %mul3A_286 : vector<16xf32>
        %mul3A_288 = arith.mulf %get3A_252, %get3A_252 : vector<16xf32>
        %add3A_289 = arith.addf %add3A_287, %mul3A_288 : vector<16xf32>
        %mul3A_290 = arith.mulf %get3A_257, %get3A_257 : vector<16xf32>
        %add3A_291 = arith.addf %add3A_289, %mul3A_290 : vector<16xf32>
        %mul3A_292 = arith.mulf %get3A_262, %get3A_262 : vector<16xf32>
        %add3A_293 = arith.addf %add3A_291, %mul3A_292 : vector<16xf32>
        %mul3A_294 = arith.mulf %get3A_267, %get3A_267 : vector<16xf32>
        %add3A_295 = arith.addf %add3A_293, %mul3A_294 : vector<16xf32>
        %mul3A_296 = arith.mulf %get3A_272, %get3A_272 : vector<16xf32>
        %add3A_297 = arith.addf %add3A_295, %mul3A_296 : vector<16xf32>
        %reduce_sum3A_298 = arith.constant true
        %reduce_sum3A_299 = vector.broadcast %reduce_sum3A_298 : i1 to vector<16xi1>
        %reduce_sum3A_300 = tpu.scan <sum>, %add3A_297 masked %reduce_sum3A_299 : vector<16xf32>, vector<16xi1> -> vector<16xf32>
        %reduce_sum3A_301 = vector.extract %reduce_sum3A_300[15] : f32 from vector<16xf32>
        %add3A_302 = arith.addi %mul3A_166, %add3A_233 : i32
        %get3A_303 = arith.index_cast %add3A_302 : i32 to index
        %get3A_304 = tpu.vector_load %arg11[%get3A_303] {strides = array<i32>} : memref<10016xf32, #tpu.memory_space<vmem>>, vector<16xf32>,
        %slice3A = vector.extract_strided_slice %get3A_304 {offsets = [0], sizes = [1], strides = [1]} : vector<16xf32> to vector<1xf32>
        %squeeze3A = vector.extract %slice3A[0] : f32 from vector<1xf32>
        %mul3A_305 = arith.constant 7.812500e-03 : f32
        %mul3A_306 = arith.mulf %reduce_sum3A_282, %mul3A_305 : f32
        %mul3A_307 = arith.constant 7.812500e-03 : f32
        %mul3A_308 = arith.mulf %reduce_sum3A_301, %mul3A_307 : f32
        %mul3A_309 = arith.mulf %mul3A_306, %mul3A_306 : f32
        %sub3A = arith.subf %mul3A_308, %mul3A_309 : f32
        %mul3A_310 = arith.mulf %squeeze3A, %squeeze3A : f32
        %mul3A_311 = arith.mulf %mul3A_310, %sub3A : f32
        %add3A_312 = arith.constant 9.99999974E-6 : f32
        %add3A_313 = arith.addf %mul3A_311, %add3A_312 : f32
        %bitcast_convert_type3A = arith.bitcast %add3A_313 : f32 to i32
        %shift_right_logical3A = arith.constant 1 : i32
        %shift_right_logical3A_314 = arith.shrui %bitcast_convert_type3A, %shift_right_logical3A : i32
        %sub3A_315 = arith.constant 1597463007 : i32
        %sub3A_316 = arith.subi %sub3A_315, %shift_right_logical3A_314 : i32
        %bitcast_convert_type3A_317 = arith.bitcast %sub3A_316 : i32 to f32
        %mul3A_318 = arith.constant 5.000000e-01 : f32
        %mul3A_319 = arith.mulf %mul3A_318, %add3A_313 : f32
        %mul3A_320 = arith.mulf %mul3A_319, %bitcast_convert_type3A_317 : f32
        %mul3A_321 = arith.mulf %mul3A_320, %bitcast_convert_type3A_317 : f32
        %sub3A_322 = arith.constant 1.500000e+00 : f32
        %sub3A_323 = arith.subf %sub3A_322, %mul3A_321 : f32
        %mul3A_324 = arith.mulf %bitcast_convert_type3A_317, %sub3A_323 : f32
        %mul3A_325 = arith.constant 5.000000e-01 : f32
        %mul3A_326 = arith.mulf %mul3A_325, %add3A_313 : f32
        %mul3A_327 = arith.mulf %mul3A_326, %mul3A_324 : f32
        %mul3A_328 = arith.mulf %mul3A_327, %mul3A_324 : f32
        %sub3A_329 = arith.constant 1.500000e+00 : f32
        %sub3A_330 = arith.subf %sub3A_329, %mul3A_328 : f32
        %mul3A_331 = arith.mulf %mul3A_324, %sub3A_330 : f32
        %mul3A_332 = arith.constant 5.000000e-01 : f32
        %mul3A_333 = arith.mulf %mul3A_332, %add3A_313 : f32
        %mul3A_334 = arith.mulf %mul3A_333, %mul3A_331 : f32
        %mul3A_335 = arith.mulf %mul3A_334, %mul3A_331 : f32
        %sub3A_336 = arith.constant 1.500000e+00 : f32
        %sub3A_337 = arith.subf %sub3A_336, %mul3A_335 : f32
        %mul3A_338 = arith.mulf %mul3A_331, %sub3A_337 : f32
        %mul3A_339 = arith.mulf %squeeze3A, %mul3A_338 : f32
        %neg3A = arith.constant 0.000000e+00 : f32
        %neg3A_340 = arith.subf %neg3A, %mul3A_306 : f32
        %mul3A_341 = arith.mulf %neg3A_340, %mul3A_339 : f32
        %mul3A_342 = arith.constant 2 : i32
        %mul3A_343 = arith.muli %scan3A_221, %mul3A_342 : i32
        %add3A_344 = arith.constant 1 : i32
        %add3A_345 = arith.addi %mul3A_343, %add3A_344 : i32
        %get3A_346 = arith.constant 0 : i32
        %get3A_347 = arith.index_cast %get3A_346 : i32 to index
        %get3A_348 = arith.index_cast %add3A_345 : i32 to index
        %get3A_349 = arith.constant 0 : index
        %get3A_350 = tpu.vector_load %arg12[%get3A_347, %get3A_348, %get3A_349] {strides = array<i32>} : memref<2x200x128xf32, #tpu.memory_space<vmem>>, vector<16xf32>,
        %get3A_351 = arith.constant 0 : i32
        %get3A_352 = arith.index_cast %get3A_351 : i32 to index
        %get3A_353 = arith.index_cast %add3A_345 : i32 to index
        %get3A_354 = arith.constant 16 : index
        %get3A_355 = tpu.vector_load %arg12[%get3A_352, %get3A_353, %get3A_354] {strides = array<i32>} : memref<2x200x128xf32, #tpu.memory_space<vmem>>, vector<16xf32>,
        %get3A_356 = arith.constant 0 : i32
        %get3A_357 = arith.index_cast %get3A_356 : i32 to index
        %get3A_358 = arith.index_cast %add3A_345 : i32 to index
        %get3A_359 = arith.constant 32 : index
        %get3A_360 = tpu.vector_load %arg12[%get3A_357, %get3A_358, %get3A_359] {strides = array<i32>} : memref<2x200x128xf32, #tpu.memory_space<vmem>>, vector<16xf32>,
        %get3A_361 = arith.constant 0 : i32
        %get3A_362 = arith.index_cast %get3A_361 : i32 to index
        %get3A_363 = arith.index_cast %add3A_345 : i32 to index
        %get3A_364 = arith.constant 48 : index
        %get3A_365 = tpu.vector_load %arg12[%get3A_362, %get3A_363, %get3A_364] {strides = array<i32>} : memref<2x200x128xf32, #tpu.memory_space<vmem>>, vector<16xf32>,
        %get3A_366 = arith.constant 0 : i32
        %get3A_367 = arith.index_cast %get3A_366 : i32 to index
        %get3A_368 = arith.index_cast %add3A_345 : i32 to index
        %get3A_369 = arith.constant 64 : index
        %get3A_370 = tpu.vector_load %arg12[%get3A_367, %get3A_368, %get3A_369] {strides = array<i32>} : memref<2x200x128xf32, #tpu.memory_space<vmem>>, vector<16xf32>,
        %get3A_371 = arith.constant 0 : i32
        %get3A_372 = arith.index_cast %get3A_371 : i32 to index
        %get3A_373 = arith.index_cast %add3A_345 : i32 to index
        %get3A_374 = arith.constant 80 : index
        %get3A_375 = tpu.vector_load %arg12[%get3A_372, %get3A_373, %get3A_374] {strides = array<i32>} : memref<2x200x128xf32, #tpu.memory_space<vmem>>, vector<16xf32>,
        %get3A_376 = arith.constant 0 : i32
        %get3A_377 = arith.index_cast %get3A_376 : i32 to index
        %get3A_378 = arith.index_cast %add3A_345 : i32 to index
        %get3A_379 = arith.constant 96 : index
        %get3A_380 = tpu.vector_load %arg12[%get3A_377, %get3A_378, %get3A_379] {strides = array<i32>} : memref<2x200x128xf32, #tpu.memory_space<vmem>>, vector<16xf32>,
        %get3A_381 = arith.constant 0 : i32
        %get3A_382 = arith.index_cast %get3A_381 : i32 to index
        %get3A_383 = arith.index_cast %add3A_345 : i32 to index
        %get3A_384 = arith.constant 112 : index
        %get3A_385 = tpu.vector_load %arg12[%get3A_382, %get3A_383, %get3A_384] {strides = array<i32>} : memref<2x200x128xf32, #tpu.memory_space<vmem>>, vector<16xf32>,
        %add3A_386 = arith.addf %get3A_350, %get3A_355 : vector<16xf32>
        %add3A_387 = arith.addf %add3A_386, %get3A_360 : vector<16xf32>
        %add3A_388 = arith.addf %add3A_387, %get3A_365 : vector<16xf32>
        %add3A_389 = arith.addf %add3A_388, %get3A_370 : vector<16xf32>
        %add3A_390 = arith.addf %add3A_389, %get3A_375 : vector<16xf32>
        %add3A_391 = arith.addf %add3A_390, %get3A_380 : vector<16xf32>
        %add3A_392 = arith.addf %add3A_391, %get3A_385 : vector<16xf32>
        %reduce_sum3A_393 = arith.constant true
        %reduce_sum3A_394 = vector.broadcast %reduce_sum3A_393 : i1 to vector<16xi1>
        %reduce_sum3A_395 = tpu.scan <sum>, %add3A_392 masked %reduce_sum3A_394 : vector<16xf32>, vector<16xi1> -> vector<16xf32>
        %reduce_sum3A_396 = vector.extract %reduce_sum3A_395[15] : f32 from vector<16xf32>
        %mul3A_397 = arith.mulf %get3A_350, %get3A_350 : vector<16xf32>
        %mul3A_398 = arith.mulf %get3A_355, %get3A_355 : vector<16xf32>
        %add3A_399 = arith.addf %mul3A_397, %mul3A_398 : vector<16xf32>
        %mul3A_400 = arith.mulf %get3A_360, %get3A_360 : vector<16xf32>
        %add3A_401 = arith.addf %add3A_399, %mul3A_400 : vector<16xf32>
        %mul3A_402 = arith.mulf %get3A_365, %get3A_365 : vector<16xf32>
        %add3A_403 = arith.addf %add3A_401, %mul3A_402 : vector<16xf32>
        %mul3A_404 = arith.mulf %get3A_370, %get3A_370 : vector<16xf32>
        %add3A_405 = arith.addf %add3A_403, %mul3A_404 : vector<16xf32>
        %mul3A_406 = arith.mulf %get3A_375, %get3A_375 : vector<16xf32>
        %add3A_407 = arith.addf %add3A_405, %mul3A_406 : vector<16xf32>
        %mul3A_408 = arith.mulf %get3A_380, %get3A_380 : vector<16xf32>
        %add3A_409 = arith.addf %add3A_407, %mul3A_408 : vector<16xf32>
        %mul3A_410 = arith.mulf %get3A_385, %get3A_385 : vector<16xf32>
        %add3A_411 = arith.addf %add3A_409, %mul3A_410 : vector<16xf32>
        %reduce_sum3A_412 = arith.constant true
        %reduce_sum3A_413 = vector.broadcast %reduce_sum3A_412 : i1 to vector<16xi1>
        %reduce_sum3A_414 = tpu.scan <sum>, %add3A_411 masked %reduce_sum3A_413 : vector<16xf32>, vector<16xi1> -> vector<16xf32>
        %reduce_sum3A_415 = vector.extract %reduce_sum3A_414[15] : f32 from vector<16xf32>
        %add3A_416 = arith.addi %mul3A_166, %add3A_345 : i32
        %get3A_417 = arith.index_cast %add3A_416 : i32 to index
        %get3A_418 = tpu.vector_load %arg11[%get3A_417] {strides = array<i32>} : memref<10016xf32, #tpu.memory_space<vmem>>, vector<16xf32>,
        %slice3A_419 = vector.extract_strided_slice %get3A_418 {offsets = [0], sizes = [1], strides = [1]} : vector<16xf32> to vector<1xf32>
        %squeeze3A_420 = vector.extract %slice3A_419[0] : f32 from vector<1xf32>
        %mul3A_421 = arith.constant 7.812500e-03 : f32
        %mul3A_422 = arith.mulf %reduce_sum3A_396, %mul3A_421 : f32
        %mul3A_423 = arith.constant 7.812500e-03 : f32
        %mul3A_424 = arith.mulf %reduce_sum3A_415, %mul3A_423 : f32
        %mul3A_425 = arith.mulf %mul3A_422, %mul3A_422 : f32
        %sub3A_426 = arith.subf %mul3A_424, %mul3A_425 : f32
        %mul3A_427 = arith.mulf %squeeze3A_420, %squeeze3A_420 : f32
        %mul3A_428 = arith.mulf %mul3A_427, %sub3A_426 : f32
        %add3A_429 = arith.constant 9.99999974E-6 : f32
        %add3A_430 = arith.addf %mul3A_428, %add3A_429 : f32
        %bitcast_convert_type3A_431 = arith.bitcast %add3A_430 : f32 to i32
        %shift_right_logical3A_432 = arith.constant 1 : i32
        %shift_right_logical3A_433 = arith.shrui %bitcast_convert_type3A_431, %shift_right_logical3A_432 : i32
        %sub3A_434 = arith.constant 1597463007 : i32
        %sub3A_435 = arith.subi %sub3A_434, %shift_right_logical3A_433 : i32
        %bitcast_convert_type3A_436 = arith.bitcast %sub3A_435 : i32 to f32
        %mul3A_437 = arith.constant 5.000000e-01 : f32
        %mul3A_438 = arith.mulf %mul3A_437, %add3A_430 : f32
        %mul3A_439 = arith.mulf %mul3A_438, %bitcast_convert_type3A_436 : f32
        %mul3A_440 = arith.mulf %mul3A_439, %bitcast_convert_type3A_436 : f32
        %sub3A_441 = arith.constant 1.500000e+00 : f32
        %sub3A_442 = arith.subf %sub3A_441, %mul3A_440 : f32
        %mul3A_443 = arith.mulf %bitcast_convert_type3A_436, %sub3A_442 : f32
        %mul3A_444 = arith.constant 5.000000e-01 : f32
        %mul3A_445 = arith.mulf %mul3A_444, %add3A_430 : f32
        %mul3A_446 = arith.mulf %mul3A_445, %mul3A_443 : f32
        %mul3A_447 = arith.mulf %mul3A_446, %mul3A_443 : f32
        %sub3A_448 = arith.constant 1.500000e+00 : f32
        %sub3A_449 = arith.subf %sub3A_448, %mul3A_447 : f32
        %mul3A_450 = arith.mulf %mul3A_443, %sub3A_449 : f32
        %mul3A_451 = arith.constant 5.000000e-01 : f32
        %mul3A_452 = arith.mulf %mul3A_451, %add3A_430 : f32
        %mul3A_453 = arith.mulf %mul3A_452, %mul3A_450 : f32
        %mul3A_454 = arith.mulf %mul3A_453, %mul3A_450 : f32
        %sub3A_455 = arith.constant 1.500000e+00 : f32
        %sub3A_456 = arith.subf %sub3A_455, %mul3A_454 : f32
        %mul3A_457 = arith.mulf %mul3A_450, %sub3A_456 : f32
        %mul3A_458 = arith.mulf %squeeze3A_420, %mul3A_457 : f32
        %neg3A_459 = arith.constant 0.000000e+00 : f32
        %neg3A_460 = arith.subf %neg3A_459, %mul3A_422 : f32
        %mul3A_461 = arith.mulf %neg3A_460, %mul3A_458 : f32
        %mul3A_462 = vector.broadcast %mul3A_339 : f32 to vector<16xf32>
        %mul3A_463 = arith.mulf %get3A_237, %mul3A_462 : vector<16xf32>
        %add3A_464 = vector.broadcast %mul3A_341 : f32 to vector<16xf32>
        %add3A_465 = arith.addf %mul3A_463, %add3A_464 : vector<16xf32>
        %ge3A = arith.constant 0.000000e+00 : f32
        %ge3A_466 = vector.broadcast %ge3A : f32 to vector<16xf32>
        %ge3A_467 = arith.cmpf oge, %add3A_465, %ge3A_466 : vector<16xf32>
        %mul3A_468 = arith.constant 2.000000e-02 : f32
        %mul3A_469 = vector.broadcast %mul3A_468 : f32 to vector<16xf32>
        %mul3A_470 = arith.mulf %mul3A_469, %add3A_465 : vector<16xf32>
        %select_n3A = arith.select %ge3A_467, %add3A_465, %mul3A_470 : vector<16xi1>, vector<16xf32>
        %add3A_471 = arith.addf %scan3A_222, %select_n3A : vector<16xf32>
        %mul3A_472 = vector.broadcast %mul3A_339 : f32 to vector<16xf32>
        %mul3A_473 = arith.mulf %get3A_242, %mul3A_472 : vector<16xf32>
        %add3A_474 = vector.broadcast %mul3A_341 : f32 to vector<16xf32>
        %add3A_475 = arith.addf %mul3A_473, %add3A_474 : vector<16xf32>
        %ge3A_476 = arith.constant 0.000000e+00 : f32
        %ge3A_477 = vector.broadcast %ge3A_476 : f32 to vector<16xf32>
        %ge3A_478 = arith.cmpf oge, %add3A_475, %ge3A_477 : vector<16xf32>
        %mul3A_479 = arith.constant 2.000000e-02 : f32
        %mul3A_480 = vector.broadcast %mul3A_479 : f32 to vector<16xf32>
        %mul3A_481 = arith.mulf %mul3A_480, %add3A_475 : vector<16xf32>
        %select_n3A_482 = arith.select %ge3A_478, %add3A_475, %mul3A_481 : vector<16xi1>, vector<16xf32>
        %add3A_483 = arith.addf %scan3A_223, %select_n3A_482 : vector<16xf32>
        %mul3A_484 = vector.broadcast %mul3A_339 : f32 to vector<16xf32>
        %mul3A_485 = arith.mulf %get3A_247, %mul3A_484 : vector<16xf32>
        %add3A_486 = vector.broadcast %mul3A_341 : f32 to vector<16xf32>
        %add3A_487 = arith.addf %mul3A_485, %add3A_486 : vector<16xf32>
        %ge3A_488 = arith.constant 0.000000e+00 : f32
        %ge3A_489 = vector.broadcast %ge3A_488 : f32 to vector<16xf32>
        %ge3A_490 = arith.cmpf oge, %add3A_487, %ge3A_489 : vector<16xf32>
        %mul3A_491 = arith.constant 2.000000e-02 : f32
        %mul3A_492 = vector.broadcast %mul3A_491 : f32 to vector<16xf32>
        %mul3A_493 = arith.mulf %mul3A_492, %add3A_487 : vector<16xf32>
        %select_n3A_494 = arith.select %ge3A_490, %add3A_487, %mul3A_493 : vector<16xi1>, vector<16xf32>
        %add3A_495 = arith.addf %scan3A_224, %select_n3A_494 : vector<16xf32>
        %mul3A_496 = vector.broadcast %mul3A_339 : f32 to vector<16xf32>
        %mul3A_497 = arith.mulf %get3A_252, %mul3A_496 : vector<16xf32>
        %add3A_498 = vector.broadcast %mul3A_341 : f32 to vector<16xf32>
        %add3A_499 = arith.addf %mul3A_497, %add3A_498 : vector<16xf32>
        %ge3A_500 = arith.constant 0.000000e+00 : f32
        %ge3A_501 = vector.broadcast %ge3A_500 : f32 to vector<16xf32>
        %ge3A_502 = arith.cmpf oge, %add3A_499, %ge3A_501 : vector<16xf32>
        %mul3A_503 = arith.constant 2.000000e-02 : f32
        %mul3A_504 = vector.broadcast %mul3A_503 : f32 to vector<16xf32>
        %mul3A_505 = arith.mulf %mul3A_504, %add3A_499 : vector<16xf32>
        %select_n3A_506 = arith.select %ge3A_502, %add3A_499, %mul3A_505 : vector<16xi1>, vector<16xf32>
        %add3A_507 = arith.addf %scan3A_225, %select_n3A_506 : vector<16xf32>
        %mul3A_508 = vector.broadcast %mul3A_339 : f32 to vector<16xf32>
        %mul3A_509 = arith.mulf %get3A_257, %mul3A_508 : vector<16xf32>
        %add3A_510 = vector.broadcast %mul3A_341 : f32 to vector<16xf32>
        %add3A_511 = arith.addf %mul3A_509, %add3A_510 : vector<16xf32>
        %ge3A_512 = arith.constant 0.000000e+00 : f32
        %ge3A_513 = vector.broadcast %ge3A_512 : f32 to vector<16xf32>
        %ge3A_514 = arith.cmpf oge, %add3A_511, %ge3A_513 : vector<16xf32>
        %mul3A_515 = arith.constant 2.000000e-02 : f32
        %mul3A_516 = vector.broadcast %mul3A_515 : f32 to vector<16xf32>
        %mul3A_517 = arith.mulf %mul3A_516, %add3A_511 : vector<16xf32>
        %select_n3A_518 = arith.select %ge3A_514, %add3A_511, %mul3A_517 : vector<16xi1>, vector<16xf32>
        %add3A_519 = arith.addf %scan3A_226, %select_n3A_518 : vector<16xf32>
        %mul3A_520 = vector.broadcast %mul3A_339 : f32 to vector<16xf32>
        %mul3A_521 = arith.mulf %get3A_262, %mul3A_520 : vector<16xf32>
        %add3A_522 = vector.broadcast %mul3A_341 : f32 to vector<16xf32>
        %add3A_523 = arith.addf %mul3A_521, %add3A_522 : vector<16xf32>
        %ge3A_524 = arith.constant 0.000000e+00 : f32
        %ge3A_525 = vector.broadcast %ge3A_524 : f32 to vector<16xf32>
        %ge3A_526 = arith.cmpf oge, %add3A_523, %ge3A_525 : vector<16xf32>
        %mul3A_527 = arith.constant 2.000000e-02 : f32
        %mul3A_528 = vector.broadcast %mul3A_527 : f32 to vector<16xf32>
        %mul3A_529 = arith.mulf %mul3A_528, %add3A_523 : vector<16xf32>
        %select_n3A_530 = arith.select %ge3A_526, %add3A_523, %mul3A_529 : vector<16xi1>, vector<16xf32>
        %add3A_531 = arith.addf %scan3A_227, %select_n3A_530 : vector<16xf32>
        %mul3A_532 = vector.broadcast %mul3A_339 : f32 to vector<16xf32>
        %mul3A_533 = arith.mulf %get3A_267, %mul3A_532 : vector<16xf32>
        %add3A_534 = vector.broadcast %mul3A_341 : f32 to vector<16xf32>
        %add3A_535 = arith.addf %mul3A_533, %add3A_534 : vector<16xf32>
        %ge3A_536 = arith.constant 0.000000e+00 : f32
        %ge3A_537 = vector.broadcast %ge3A_536 : f32 to vector<16xf32>
        %ge3A_538 = arith.cmpf oge, %add3A_535, %ge3A_537 : vector<16xf32>
        %mul3A_539 = arith.constant 2.000000e-02 : f32
        %mul3A_540 = vector.broadcast %mul3A_539 : f32 to vector<16xf32>
        %mul3A_541 = arith.mulf %mul3A_540, %add3A_535 : vector<16xf32>
        %select_n3A_542 = arith.select %ge3A_538, %add3A_535, %mul3A_541 : vector<16xi1>, vector<16xf32>
        %add3A_543 = arith.addf %scan3A_228, %select_n3A_542 : vector<16xf32>
        %mul3A_544 = vector.broadcast %mul3A_339 : f32 to vector<16xf32>
        %mul3A_545 = arith.mulf %get3A_272, %mul3A_544 : vector<16xf32>
        %add3A_546 = vector.broadcast %mul3A_341 : f32 to vector<16xf32>
        %add3A_547 = arith.addf %mul3A_545, %add3A_546 : vector<16xf32>
        %ge3A_548 = arith.constant 0.000000e+00 : f32
        %ge3A_549 = vector.broadcast %ge3A_548 : f32 to vector<16xf32>
        %ge3A_550 = arith.cmpf oge, %add3A_547, %ge3A_549 : vector<16xf32>
        %mul3A_551 = arith.constant 2.000000e-02 : f32
        %mul3A_552 = vector.broadcast %mul3A_551 : f32 to vector<16xf32>
        %mul3A_553 = arith.mulf %mul3A_552, %add3A_547 : vector<16xf32>
        %select_n3A_554 = arith.select %ge3A_550, %add3A_547, %mul3A_553 : vector<16xi1>, vector<16xf32>
        %add3A_555 = arith.addf %scan3A_229, %select_n3A_554 : vector<16xf32>
        %mul3A_556 = vector.broadcast %mul3A_458 : f32 to vector<16xf32>
        %mul3A_557 = arith.mulf %get3A_350, %mul3A_556 : vector<16xf32>
        %add3A_558 = vector.broadcast %mul3A_461 : f32 to vector<16xf32>
        %add3A_559 = arith.addf %mul3A_557, %add3A_558 : vector<16xf32>
        %ge3A_560 = arith.constant 0.000000e+00 : f32
        %ge3A_561 = vector.broadcast %ge3A_560 : f32 to vector<16xf32>
        %ge3A_562 = arith.cmpf oge, %add3A_559, %ge3A_561 : vector<16xf32>
        %mul3A_563 = arith.constant 2.000000e-02 : f32
        %mul3A_564 = vector.broadcast %mul3A_563 : f32 to vector<16xf32>
        %mul3A_565 = arith.mulf %mul3A_564, %add3A_559 : vector<16xf32>
        %select_n3A_566 = arith.select %ge3A_562, %add3A_559, %mul3A_565 : vector<16xi1>, vector<16xf32>
        %add3A_567 = arith.addf %add3A_471, %select_n3A_566 : vector<16xf32>
        %mul3A_568 = vector.broadcast %mul3A_458 : f32 to vector<16xf32>
        %mul3A_569 = arith.mulf %get3A_355, %mul3A_568 : vector<16xf32>
        %add3A_570 = vector.broadcast %mul3A_461 : f32 to vector<16xf32>
        %add3A_571 = arith.addf %mul3A_569, %add3A_570 : vector<16xf32>
        %ge3A_572 = arith.constant 0.000000e+00 : f32
        %ge3A_573 = vector.broadcast %ge3A_572 : f32 to vector<16xf32>
        %ge3A_574 = arith.cmpf oge, %add3A_571, %ge3A_573 : vector<16xf32>
        %mul3A_575 = arith.constant 2.000000e-02 : f32
        %mul3A_576 = vector.broadcast %mul3A_575 : f32 to vector<16xf32>
        %mul3A_577 = arith.mulf %mul3A_576, %add3A_571 : vector<16xf32>
        %select_n3A_578 = arith.select %ge3A_574, %add3A_571, %mul3A_577 : vector<16xi1>, vector<16xf32>
        %add3A_579 = arith.addf %add3A_483, %select_n3A_578 : vector<16xf32>
        %mul3A_580 = vector.broadcast %mul3A_458 : f32 to vector<16xf32>
        %mul3A_581 = arith.mulf %get3A_360, %mul3A_580 : vector<16xf32>
        %add3A_582 = vector.broadcast %mul3A_461 : f32 to vector<16xf32>
        %add3A_583 = arith.addf %mul3A_581, %add3A_582 : vector<16xf32>
        %ge3A_584 = arith.constant 0.000000e+00 : f32
        %ge3A_585 = vector.broadcast %ge3A_584 : f32 to vector<16xf32>
        %ge3A_586 = arith.cmpf oge, %add3A_583, %ge3A_585 : vector<16xf32>
        %mul3A_587 = arith.constant 2.000000e-02 : f32
        %mul3A_588 = vector.broadcast %mul3A_587 : f32 to vector<16xf32>
        %mul3A_589 = arith.mulf %mul3A_588, %add3A_583 : vector<16xf32>
        %select_n3A_590 = arith.select %ge3A_586, %add3A_583, %mul3A_589 : vector<16xi1>, vector<16xf32>
        %add3A_591 = arith.addf %add3A_495, %select_n3A_590 : vector<16xf32>
        %mul3A_592 = vector.broadcast %mul3A_458 : f32 to vector<16xf32>
        %mul3A_593 = arith.mulf %get3A_365, %mul3A_592 : vector<16xf32>
        %add3A_594 = vector.broadcast %mul3A_461 : f32 to vector<16xf32>
        %add3A_595 = arith.addf %mul3A_593, %add3A_594 : vector<16xf32>
        %ge3A_596 = arith.constant 0.000000e+00 : f32
        %ge3A_597 = vector.broadcast %ge3A_596 : f32 to vector<16xf32>
        %ge3A_598 = arith.cmpf oge, %add3A_595, %ge3A_597 : vector<16xf32>
        %mul3A_599 = arith.constant 2.000000e-02 : f32
        %mul3A_600 = vector.broadcast %mul3A_599 : f32 to vector<16xf32>
        %mul3A_601 = arith.mulf %mul3A_600, %add3A_595 : vector<16xf32>
        %select_n3A_602 = arith.select %ge3A_598, %add3A_595, %mul3A_601 : vector<16xi1>, vector<16xf32>
        %add3A_603 = arith.addf %add3A_507, %select_n3A_602 : vector<16xf32>
        %mul3A_604 = vector.broadcast %mul3A_458 : f32 to vector<16xf32>
        %mul3A_605 = arith.mulf %get3A_370, %mul3A_604 : vector<16xf32>
        %add3A_606 = vector.broadcast %mul3A_461 : f32 to vector<16xf32>
        %add3A_607 = arith.addf %mul3A_605, %add3A_606 : vector<16xf32>
        %ge3A_608 = arith.constant 0.000000e+00 : f32
        %ge3A_609 = vector.broadcast %ge3A_608 : f32 to vector<16xf32>
        %ge3A_610 = arith.cmpf oge, %add3A_607, %ge3A_609 : vector<16xf32>
        %mul3A_611 = arith.constant 2.000000e-02 : f32
        %mul3A_612 = vector.broadcast %mul3A_611 : f32 to vector<16xf32>
        %mul3A_613 = arith.mulf %mul3A_612, %add3A_607 : vector<16xf32>
        %select_n3A_614 = arith.select %ge3A_610, %add3A_607, %mul3A_613 : vector<16xi1>, vector<16xf32>
        %add3A_615 = arith.addf %add3A_519, %select_n3A_614 : vector<16xf32>
        %mul3A_616 = vector.broadcast %mul3A_458 : f32 to vector<16xf32>
        %mul3A_617 = arith.mulf %get3A_375, %mul3A_616 : vector<16xf32>
        %add3A_618 = vector.broadcast %mul3A_461 : f32 to vector<16xf32>
        %add3A_619 = arith.addf %mul3A_617, %add3A_618 : vector<16xf32>
        %ge3A_620 = arith.constant 0.000000e+00 : f32
        %ge3A_621 = vector.broadcast %ge3A_620 : f32 to vector<16xf32>
        %ge3A_622 = arith.cmpf oge, %add3A_619, %ge3A_621 : vector<16xf32>
        %mul3A_623 = arith.constant 2.000000e-02 : f32
        %mul3A_624 = vector.broadcast %mul3A_623 : f32 to vector<16xf32>
        %mul3A_625 = arith.mulf %mul3A_624, %add3A_619 : vector<16xf32>
        %select_n3A_626 = arith.select %ge3A_622, %add3A_619, %mul3A_625 : vector<16xi1>, vector<16xf32>
        %add3A_627 = arith.addf %add3A_531, %select_n3A_626 : vector<16xf32>
        %mul3A_628 = vector.broadcast %mul3A_458 : f32 to vector<16xf32>
        %mul3A_629 = arith.mulf %get3A_380, %mul3A_628 : vector<16xf32>
        %add3A_630 = vector.broadcast %mul3A_461 : f32 to vector<16xf32>
        %add3A_631 = arith.addf %mul3A_629, %add3A_630 : vector<16xf32>
        %ge3A_632 = arith.constant 0.000000e+00 : f32
        %ge3A_633 = vector.broadcast %ge3A_632 : f32 to vector<16xf32>
        %ge3A_634 = arith.cmpf oge, %add3A_631, %ge3A_633 : vector<16xf32>
        %mul3A_635 = arith.constant 2.000000e-02 : f32
        %mul3A_636 = vector.broadcast %mul3A_635 : f32 to vector<16xf32>
        %mul3A_637 = arith.mulf %mul3A_636, %add3A_631 : vector<16xf32>
        %select_n3A_638 = arith.select %ge3A_634, %add3A_631, %mul3A_637 : vector<16xi1>, vector<16xf32>
        %add3A_639 = arith.addf %add3A_543, %select_n3A_638 : vector<16xf32>
        %mul3A_640 = vector.broadcast %mul3A_458 : f32 to vector<16xf32>
        %mul3A_641 = arith.mulf %get3A_385, %mul3A_640 : vector<16xf32>
        %add3A_642 = vector.broadcast %mul3A_461 : f32 to vector<16xf32>
        %add3A_643 = arith.addf %mul3A_641, %add3A_642 : vector<16xf32>
        %ge3A_644 = arith.constant 0.000000e+00 : f32
        %ge3A_645 = vector.broadcast %ge3A_644 : f32 to vector<16xf32>
        %ge3A_646 = arith.cmpf oge, %add3A_643, %ge3A_645 : vector<16xf32>
        %mul3A_647 = arith.constant 2.000000e-02 : f32
        %mul3A_648 = vector.broadcast %mul3A_647 : f32 to vector<16xf32>
        %mul3A_649 = arith.mulf %mul3A_648, %add3A_643 : vector<16xf32>
        %select_n3A_650 = arith.select %ge3A_646, %add3A_643, %mul3A_649 : vector<16xi1>, vector<16xf32>
        %add3A_651 = arith.addf %add3A_555, %select_n3A_650 : vector<16xf32>
        scf.yield %add3A_567, %add3A_579, %add3A_591, %add3A_603, %add3A_615, %add3A_627, %add3A_639, %add3A_651 : vector<16xf32>, vector<16xf32>, vector<16xf32>, vector<16xf32>, vector<16xf32>, vector<16xf32>, vector<16xf32>, vector<16xf32>
      }
      %scan3A_172 = arith.constant 100 : i32
      %add3A_173 = arith.constant 2 : i32
      %add3A_174 = arith.addi %mul3A_109, %add3A_173 : i32
      %lt3A = arith.constant 50 : i32
      %lt3A_175 = arith.cmpi slt, %add3A_174, %lt3A : i32
      %convert_element_type3A = arith.extui %lt3A_175 : i1 to i32
      %cond3A = arith.constant 0 : i32
      %cond3A_176 = arith.cmpi ne, %convert_element_type3A, %cond3A : i32
      scf.if %cond3A_176 {
        %add3A_221 = arith.constant 2 : i32
        %add3A_222 = arith.addi %mul3A_109, %add3A_221 : i32
        %mul3A_223 = arith.constant 200 : i32
        %mul3A_224 = arith.muli %add3A_222, %mul3A_223 : i32
        %add3A_225 = arith.addi %mul3A_2, %mul3A_224 : i32
        %dma_start3A_226 = arith.constant 0 : i32
        %dma_start3A_227 = arith.constant 0 : i32
        %dma_start3A_228 = arith.constant 0 : i32
        %dma_start3A_229 = tpu.memref_slice %arg12[%dma_start3A_226, %dma_start3A_227, %dma_start3A_228] : memref<2x200x128xf32, #tpu.memory_space<vmem>> -> memref<1x200x128xf32, #tpu.memory_space<vmem>>
        %dma_start3A_230 = tpu.memref_squeeze %dma_start3A_229 : memref<1x200x128xf32, #tpu.memory_space<vmem>> -> memref<200x128xf32, #tpu.memory_space<vmem>>
        %dma_start3A_231 = arith.constant 0 : i32
        %dma_start3A_232 = tpu.memref_slice %arg5[%add3A_225, %dma_start3A_231] : memref<320000x128xf32, #tpu.memory_space<hbm>> -> memref<200x128xf32, #tpu.memory_space<hbm>>
        %dma_start3A_233 = arith.constant 0 : i32
        %dma_start3A_234 = arith.constant 0 : i32
        %dma_start3A_235 = tpu.memref_slice %arg12[%dma_start3A_226, %dma_start3A_233, %dma_start3A_234] : memref<2x200x128xf32, #tpu.memory_space<vmem>> -> memref<1x200x128xf32, #tpu.memory_space<vmem>>
        %dma_start3A_236 = tpu.memref_squeeze %dma_start3A_235 : memref<1x200x128xf32, #tpu.memory_space<vmem>> -> memref<200x128xf32, #tpu.memory_space<vmem>>
        %dma_start3A_237 = arith.constant 0 : i32
        %dma_start3A_238 = tpu.memref_slice %arg5[%add3A_225, %dma_start3A_237] : memref<320000x128xf32, #tpu.memory_space<hbm>> -> memref<200x128xf32, #tpu.memory_space<hbm>>
        tpu.enqueue_dma source(%dma_start3A_238 : memref<200x128xf32, #tpu.memory_space<hbm>>) target(%dma_start3A_236 : memref<200x128xf32, #tpu.memory_space<vmem>>) target_semaphore(%arg18 : memref<!tpu.dma_semaphore, #tpu.memory_space<semaphore_mem>>)
      } else {
      }
      %dma_wait3A_177 = arith.constant 1 : i32
      %dma_wait3A_178 = arith.constant 0 : i32
      %dma_wait3A_179 = arith.constant 0 : i32
      %dma_wait3A_180 = tpu.memref_slice %arg12[%dma_wait3A_177, %dma_wait3A_178, %dma_wait3A_179] : memref<2x200x128xf32, #tpu.memory_space<vmem>> -> memref<1x200x128xf32, #tpu.memory_space<vmem>>
      %dma_wait3A_181 = tpu.memref_squeeze %dma_wait3A_180 : memref<1x200x128xf32, #tpu.memory_space<vmem>> -> memref<200x128xf32, #tpu.memory_space<vmem>>
      %dma_wait3A_182 = arith.constant 0 : i32
      %dma_wait3A_183 = tpu.memref_slice %arg9[%dma_wait3A_182] : memref<10000xi32, #tpu.memory_space<vmem>> -> memref<200xi32, #tpu.memory_space<vmem>>
      %dma_wait3A_184 = arith.constant 0 : i32
      %dma_wait3A_185 = arith.constant 0 : i32
      %dma_wait3A_186 = tpu.memref_slice %arg6[%dma_wait3A_184, %dma_wait3A_185] : memref<10000x128xf32, #tpu.memory_space<hbm>> -> memref<10000x128xf32, #tpu.memory_space<hbm>>
      tpu.wait_indirect_dma semaphore(%arg16 : memref<!tpu.dma_semaphore, #tpu.memory_space<semaphore_mem>>) src(%dma_wait3A_186 : memref<10000x128xf32, #tpu.memory_space<hbm>>) dst(%dma_wait3A_181 : memref<200x128xf32, #tpu.memory_space<vmem>>)
      %dma_wait3A_187 = arith.constant 1 : i32
      %dma_wait3A_188 = arith.constant 0 : i32
      %dma_wait3A_189 = arith.constant 0 : i32
      %dma_wait3A_190 = tpu.memref_slice %arg12[%dma_wait3A_187, %dma_wait3A_188, %dma_wait3A_189] : memref<2x200x128xf32, #tpu.memory_space<vmem>> -> memref<1x200x128xf32, #tpu.memory_space<vmem>>
      %dma_wait3A_191 = tpu.memref_squeeze %dma_wait3A_190 : memref<1x200x128xf32, #tpu.memory_space<vmem>> -> memref<200x128xf32, #tpu.memory_space<vmem>>
      %dma_wait3A_192 = arith.constant 0 : i32
      %dma_wait3A_193 = tpu.memref_slice %arg10[%dma_wait3A_192] : memref<10000xi32, #tpu.memory_space<vmem>> -> memref<200xi32, #tpu.memory_space<vmem>>
      %dma_wait3A_194 = arith.constant 0 : i32
      %dma_wait3A_195 = arith.constant 0 : i32
      %dma_wait3A_196 = tpu.memref_slice %arg7[%dma_wait3A_194, %dma_wait3A_195] : memref<10000x128xf32, #tpu.memory_space<hbm>> -> memref<10000x128xf32, #tpu.memory_space<hbm>>
      tpu.wait_indirect_dma semaphore(%arg17 : memref<!tpu.dma_semaphore, #tpu.memory_space<semaphore_mem>>) src(%dma_wait3A_196 : memref<10000x128xf32, #tpu.memory_space<hbm>>) dst(%dma_wait3A_191 : memref<200x128xf32, #tpu.memory_space<vmem>>)
      %add3A_197 = arith.constant 2 : i32
      %add3A_198 = arith.addi %mul3A_109, %add3A_197 : i32
      %lt3A_199 = arith.constant 50 : i32
      %lt3A_200 = arith.cmpi slt, %add3A_198, %lt3A_199 : i32
      %convert_element_type3A_201 = arith.extui %lt3A_200 : i1 to i32
      %cond3A_202 = arith.constant 0 : i32
      %cond3A_203 = arith.cmpi ne, %convert_element_type3A_201, %cond3A_202 : i32
      scf.if %cond3A_203 {
        %dma_wait3A_221 = arith.constant 0 : i32
        %dma_wait3A_222 = arith.constant 0 : i32
        %dma_wait3A_223 = arith.constant 0 : i32
        %dma_wait3A_224 = tpu.memref_slice %arg12[%dma_wait3A_221, %dma_wait3A_222, %dma_wait3A_223] : memref<2x200x128xf32, #tpu.memory_space<vmem>> -> memref<1x200x128xf32, #tpu.memory_space<vmem>>
        %dma_wait3A_225 = tpu.memref_squeeze %dma_wait3A_224 : memref<1x200x128xf32, #tpu.memory_space<vmem>> -> memref<200x128xf32, #tpu.memory_space<vmem>>
        %dma_wait3A_226 = arith.constant 0 : i32
        %dma_wait3A_227 = tpu.memref_slice %arg5[%mul3A_2, %dma_wait3A_226] : memref<320000x128xf32, #tpu.memory_space<hbm>> -> memref<200x128xf32, #tpu.memory_space<hbm>>
        %dma_wait3A_228 = arith.constant 0 : i32
        %dma_wait3A_229 = arith.constant 0 : i32
        %dma_wait3A_230 = tpu.memref_slice %arg12[%dma_wait3A_221, %dma_wait3A_228, %dma_wait3A_229] : memref<2x200x128xf32, #tpu.memory_space<vmem>> -> memref<1x200x128xf32, #tpu.memory_space<vmem>>
        %dma_wait3A_231 = tpu.memref_squeeze %dma_wait3A_230 : memref<1x200x128xf32, #tpu.memory_space<vmem>> -> memref<200x128xf32, #tpu.memory_space<vmem>>
        %dma_wait3A_232 = arith.constant 0 : i32
        %dma_wait3A_233 = tpu.memref_slice %arg5[%mul3A_2, %dma_wait3A_232] : memref<320000x128xf32, #tpu.memory_space<hbm>> -> memref<200x128xf32, #tpu.memory_space<hbm>>
        tpu.wait_dma2 semaphore(%arg18 : memref<!tpu.dma_semaphore, #tpu.memory_space<semaphore_mem>>) src(%dma_wait3A_233 : memref<200x128xf32, #tpu.memory_space<hbm>>) dst(%dma_wait3A_231 : memref<200x128xf32, #tpu.memory_space<vmem>>)
        %add3A_234 = arith.constant 2 : i32
        %add3A_235 = arith.addi %mul3A_109, %add3A_234 : i32
        %mul3A_236 = arith.constant 200 : i32
        %mul3A_237 = arith.muli %add3A_235, %mul3A_236 : i32
        %dma_start3A_238 = arith.constant 0 : i32
        %dma_start3A_239 = arith.constant 0 : i32
        %dma_start3A_240 = arith.constant 0 : i32
        %dma_start3A_241 = tpu.memref_slice %arg12[%dma_start3A_238, %dma_start3A_239, %dma_start3A_240] : memref<2x200x128xf32, #tpu.memory_space<vmem>> -> memref<1x200x128xf32, #tpu.memory_space<vmem>>
        %dma_start3A_242 = tpu.memref_squeeze %dma_start3A_241 : memref<1x200x128xf32, #tpu.memory_space<vmem>> -> memref<200x128xf32, #tpu.memory_space<vmem>>
        %dma_start3A_243 = tpu.memref_slice %arg9[%mul3A_237] : memref<10000xi32, #tpu.memory_space<vmem>> -> memref<200xi32, #tpu.memory_space<vmem>>
        %dma_start3A_244 = arith.constant 0 : i32
        %dma_start3A_245 = arith.constant 0 : i32
        %dma_start3A_246 = tpu.memref_slice %arg6[%dma_start3A_244, %dma_start3A_245] : memref<10000x128xf32, #tpu.memory_space<hbm>> -> memref<10000x128xf32, #tpu.memory_space<hbm>>
        tpu.enqueue_indirect_dma source(%dma_start3A_246 : memref<10000x128xf32, #tpu.memory_space<hbm>>) target(%dma_start3A_242 : memref<200x128xf32, #tpu.memory_space<vmem>>) offsets(%dma_start3A_243 : memref<200xi32, #tpu.memory_space<vmem>>) semaphore(%arg14 : memref<!tpu.dma_semaphore, #tpu.memory_space<semaphore_mem>>) {add = true}
        %dma_start3A_247 = arith.constant 0 : i32
        %dma_start3A_248 = arith.constant 0 : i32
        %dma_start3A_249 = arith.constant 0 : i32
        %dma_start3A_250 = tpu.memref_slice %arg12[%dma_start3A_247, %dma_start3A_248, %dma_start3A_249] : memref<2x200x128xf32, #tpu.memory_space<vmem>> -> memref<1x200x128xf32, #tpu.memory_space<vmem>>
        %dma_start3A_251 = tpu.memref_squeeze %dma_start3A_250 : memref<1x200x128xf32, #tpu.memory_space<vmem>> -> memref<200x128xf32, #tpu.memory_space<vmem>>
        %dma_start3A_252 = tpu.memref_slice %arg10[%mul3A_237] : memref<10000xi32, #tpu.memory_space<vmem>> -> memref<200xi32, #tpu.memory_space<vmem>>
        %dma_start3A_253 = arith.constant 0 : i32
        %dma_start3A_254 = arith.constant 0 : i32
        %dma_start3A_255 = tpu.memref_slice %arg7[%dma_start3A_253, %dma_start3A_254] : memref<10000x128xf32, #tpu.memory_space<hbm>> -> memref<10000x128xf32, #tpu.memory_space<hbm>>
        tpu.enqueue_indirect_dma source(%dma_start3A_255 : memref<10000x128xf32, #tpu.memory_space<hbm>>) target(%dma_start3A_251 : memref<200x128xf32, #tpu.memory_space<vmem>>) offsets(%dma_start3A_252 : memref<200xi32, #tpu.memory_space<vmem>>) semaphore(%arg15 : memref<!tpu.dma_semaphore, #tpu.memory_space<semaphore_mem>>) {add = true}
      } else {
      }
      %add3A_204 = arith.constant 1 : i32
      %add3A_205 = arith.addi %mul3A_109, %add3A_204 : i32
      %mul3A_206 = arith.constant 200 : i32
      %mul3A_207 = arith.muli %add3A_205, %mul3A_206 : i32
      %scan3A_208 = arith.constant 0 : i32
      %scan3A_209 = arith.constant 100 : i32
      %scan3A_210 = arith.addi %scan3A_208, %scan3A_209 : i32
      %scan3A_211 = arith.constant 1 : i32
      %scan3A_212:8 = scf.for %scan3A_221 = %scan3A_208 to %scan3A_210 step %scan3A_211 iter_args(%scan3A_222 = %scan3A_171#0, %scan3A_223 = %scan3A_171#1, %scan3A_224 = %scan3A_171#2, %scan3A_225 = %scan3A_171#3, %scan3A_226 = %scan3A_171#4, %scan3A_227 = %scan3A_171#5, %scan3A_228 = %scan3A_171#6, %scan3A_229 = %scan3A_171#7) -> (vector<16xf32>, vector<16xf32>, vector<16xf32>, vector<16xf32>, vector<16xf32>, vector<16xf32>, vector<16xf32>, vector<16xf32>)  : i32 {
        %mul3A_230 = arith.constant 2 : i32
        %mul3A_231 = arith.muli %scan3A_221, %mul3A_230 : i32
        %add3A_232 = arith.constant 0 : i32
        %add3A_233 = arith.addi %mul3A_231, %add3A_232 : i32
        %get3A = arith.constant 1 : i32
        %get3A_234 = arith.index_cast %get3A : i32 to index
        %get3A_235 = arith.index_cast %add3A_233 : i32 to index
        %get3A_236 = arith.constant 0 : index
        %get3A_237 = tpu.vector_load %arg12[%get3A_234, %get3A_235, %get3A_236] {strides = array<i32>} : memref<2x200x128xf32, #tpu.memory_space<vmem>>, vector<16xf32>,
        %get3A_238 = arith.constant 1 : i32
        %get3A_239 = arith.index_cast %get3A_238 : i32 to index
        %get3A_240 = arith.index_cast %add3A_233 : i32 to index
        %get3A_241 = arith.constant 16 : index
        %get3A_242 = tpu.vector_load %arg12[%get3A_239, %get3A_240, %get3A_241] {strides = array<i32>} : memref<2x200x128xf32, #tpu.memory_space<vmem>>, vector<16xf32>,
        %get3A_243 = arith.constant 1 : i32
        %get3A_244 = arith.index_cast %get3A_243 : i32 to index
        %get3A_245 = arith.index_cast %add3A_233 : i32 to index
        %get3A_246 = arith.constant 32 : index
        %get3A_247 = tpu.vector_load %arg12[%get3A_244, %get3A_245, %get3A_246] {strides = array<i32>} : memref<2x200x128xf32, #tpu.memory_space<vmem>>, vector<16xf32>,
        %get3A_248 = arith.constant 1 : i32
        %get3A_249 = arith.index_cast %get3A_248 : i32 to index
        %get3A_250 = arith.index_cast %add3A_233 : i32 to index
        %get3A_251 = arith.constant 48 : index
        %get3A_252 = tpu.vector_load %arg12[%get3A_249, %get3A_250, %get3A_251] {strides = array<i32>} : memref<2x200x128xf32, #tpu.memory_space<vmem>>, vector<16xf32>,
        %get3A_253 = arith.constant 1 : i32
        %get3A_254 = arith.index_cast %get3A_253 : i32 to index
        %get3A_255 = arith.index_cast %add3A_233 : i32 to index
        %get3A_256 = arith.constant 64 : index
        %get3A_257 = tpu.vector_load %arg12[%get3A_254, %get3A_255, %get3A_256] {strides = array<i32>} : memref<2x200x128xf32, #tpu.memory_space<vmem>>, vector<16xf32>,
        %get3A_258 = arith.constant 1 : i32
        %get3A_259 = arith.index_cast %get3A_258 : i32 to index
        %get3A_260 = arith.index_cast %add3A_233 : i32 to index
        %get3A_261 = arith.constant 80 : index
        %get3A_262 = tpu.vector_load %arg12[%get3A_259, %get3A_260, %get3A_261] {strides = array<i32>} : memref<2x200x128xf32, #tpu.memory_space<vmem>>, vector<16xf32>,
        %get3A_263 = arith.constant 1 : i32
        %get3A_264 = arith.index_cast %get3A_263 : i32 to index
        %get3A_265 = arith.index_cast %add3A_233 : i32 to index
        %get3A_266 = arith.constant 96 : index
        %get3A_267 = tpu.vector_load %arg12[%get3A_264, %get3A_265, %get3A_266] {strides = array<i32>} : memref<2x200x128xf32, #tpu.memory_space<vmem>>, vector<16xf32>,
        %get3A_268 = arith.constant 1 : i32
        %get3A_269 = arith.index_cast %get3A_268 : i32 to index
        %get3A_270 = arith.index_cast %add3A_233 : i32 to index
        %get3A_271 = arith.constant 112 : index
        %get3A_272 = tpu.vector_load %arg12[%get3A_269, %get3A_270, %get3A_271] {strides = array<i32>} : memref<2x200x128xf32, #tpu.memory_space<vmem>>, vector<16xf32>,
        %add3A_273 = arith.addf %get3A_237, %get3A_242 : vector<16xf32>
        %add3A_274 = arith.addf %add3A_273, %get3A_247 : vector<16xf32>
        %add3A_275 = arith.addf %add3A_274, %get3A_252 : vector<16xf32>
        %add3A_276 = arith.addf %add3A_275, %get3A_257 : vector<16xf32>
        %add3A_277 = arith.addf %add3A_276, %get3A_262 : vector<16xf32>
        %add3A_278 = arith.addf %add3A_277, %get3A_267 : vector<16xf32>
        %add3A_279 = arith.addf %add3A_278, %get3A_272 : vector<16xf32>
        %reduce_sum3A = arith.constant true
        %reduce_sum3A_280 = vector.broadcast %reduce_sum3A : i1 to vector<16xi1>
        %reduce_sum3A_281 = tpu.scan <sum>, %add3A_279 masked %reduce_sum3A_280 : vector<16xf32>, vector<16xi1> -> vector<16xf32>
        %reduce_sum3A_282 = vector.extract %reduce_sum3A_281[15] : f32 from vector<16xf32>
        %mul3A_283 = arith.mulf %get3A_237, %get3A_237 : vector<16xf32>
        %mul3A_284 = arith.mulf %get3A_242, %get3A_242 : vector<16xf32>
        %add3A_285 = arith.addf %mul3A_283, %mul3A_284 : vector<16xf32>
        %mul3A_286 = arith.mulf %get3A_247, %get3A_247 : vector<16xf32>
        %add3A_287 = arith.addf %add3A_285, %mul3A_286 : vector<16xf32>
        %mul3A_288 = arith.mulf %get3A_252, %get3A_252 : vector<16xf32>
        %add3A_289 = arith.addf %add3A_287, %mul3A_288 : vector<16xf32>
        %mul3A_290 = arith.mulf %get3A_257, %get3A_257 : vector<16xf32>
        %add3A_291 = arith.addf %add3A_289, %mul3A_290 : vector<16xf32>
        %mul3A_292 = arith.mulf %get3A_262, %get3A_262 : vector<16xf32>
        %add3A_293 = arith.addf %add3A_291, %mul3A_292 : vector<16xf32>
        %mul3A_294 = arith.mulf %get3A_267, %get3A_267 : vector<16xf32>
        %add3A_295 = arith.addf %add3A_293, %mul3A_294 : vector<16xf32>
        %mul3A_296 = arith.mulf %get3A_272, %get3A_272 : vector<16xf32>
        %add3A_297 = arith.addf %add3A_295, %mul3A_296 : vector<16xf32>
        %reduce_sum3A_298 = arith.constant true
        %reduce_sum3A_299 = vector.broadcast %reduce_sum3A_298 : i1 to vector<16xi1>
        %reduce_sum3A_300 = tpu.scan <sum>, %add3A_297 masked %reduce_sum3A_299 : vector<16xf32>, vector<16xi1> -> vector<16xf32>
        %reduce_sum3A_301 = vector.extract %reduce_sum3A_300[15] : f32 from vector<16xf32>
        %add3A_302 = arith.addi %mul3A_207, %add3A_233 : i32
        %get3A_303 = arith.index_cast %add3A_302 : i32 to index
        %get3A_304 = tpu.vector_load %arg11[%get3A_303] {strides = array<i32>} : memref<10016xf32, #tpu.memory_space<vmem>>, vector<16xf32>,
        %slice3A = vector.extract_strided_slice %get3A_304 {offsets = [0], sizes = [1], strides = [1]} : vector<16xf32> to vector<1xf32>
        %squeeze3A = vector.extract %slice3A[0] : f32 from vector<1xf32>
        %mul3A_305 = arith.constant 7.812500e-03 : f32
        %mul3A_306 = arith.mulf %reduce_sum3A_282, %mul3A_305 : f32
        %mul3A_307 = arith.constant 7.812500e-03 : f32
        %mul3A_308 = arith.mulf %reduce_sum3A_301, %mul3A_307 : f32
        %mul3A_309 = arith.mulf %mul3A_306, %mul3A_306 : f32
        %sub3A = arith.subf %mul3A_308, %mul3A_309 : f32
        %mul3A_310 = arith.mulf %squeeze3A, %squeeze3A : f32
        %mul3A_311 = arith.mulf %mul3A_310, %sub3A : f32
        %add3A_312 = arith.constant 9.99999974E-6 : f32
        %add3A_313 = arith.addf %mul3A_311, %add3A_312 : f32
        %bitcast_convert_type3A = arith.bitcast %add3A_313 : f32 to i32
        %shift_right_logical3A = arith.constant 1 : i32
        %shift_right_logical3A_314 = arith.shrui %bitcast_convert_type3A, %shift_right_logical3A : i32
        %sub3A_315 = arith.constant 1597463007 : i32
        %sub3A_316 = arith.subi %sub3A_315, %shift_right_logical3A_314 : i32
        %bitcast_convert_type3A_317 = arith.bitcast %sub3A_316 : i32 to f32
        %mul3A_318 = arith.constant 5.000000e-01 : f32
        %mul3A_319 = arith.mulf %mul3A_318, %add3A_313 : f32
        %mul3A_320 = arith.mulf %mul3A_319, %bitcast_convert_type3A_317 : f32
        %mul3A_321 = arith.mulf %mul3A_320, %bitcast_convert_type3A_317 : f32
        %sub3A_322 = arith.constant 1.500000e+00 : f32
        %sub3A_323 = arith.subf %sub3A_322, %mul3A_321 : f32
        %mul3A_324 = arith.mulf %bitcast_convert_type3A_317, %sub3A_323 : f32
        %mul3A_325 = arith.constant 5.000000e-01 : f32
        %mul3A_326 = arith.mulf %mul3A_325, %add3A_313 : f32
        %mul3A_327 = arith.mulf %mul3A_326, %mul3A_324 : f32
        %mul3A_328 = arith.mulf %mul3A_327, %mul3A_324 : f32
        %sub3A_329 = arith.constant 1.500000e+00 : f32
        %sub3A_330 = arith.subf %sub3A_329, %mul3A_328 : f32
        %mul3A_331 = arith.mulf %mul3A_324, %sub3A_330 : f32
        %mul3A_332 = arith.constant 5.000000e-01 : f32
        %mul3A_333 = arith.mulf %mul3A_332, %add3A_313 : f32
        %mul3A_334 = arith.mulf %mul3A_333, %mul3A_331 : f32
        %mul3A_335 = arith.mulf %mul3A_334, %mul3A_331 : f32
        %sub3A_336 = arith.constant 1.500000e+00 : f32
        %sub3A_337 = arith.subf %sub3A_336, %mul3A_335 : f32
        %mul3A_338 = arith.mulf %mul3A_331, %sub3A_337 : f32
        %mul3A_339 = arith.mulf %squeeze3A, %mul3A_338 : f32
        %neg3A = arith.constant 0.000000e+00 : f32
        %neg3A_340 = arith.subf %neg3A, %mul3A_306 : f32
        %mul3A_341 = arith.mulf %neg3A_340, %mul3A_339 : f32
        %mul3A_342 = arith.constant 2 : i32
        %mul3A_343 = arith.muli %scan3A_221, %mul3A_342 : i32
        %add3A_344 = arith.constant 1 : i32
        %add3A_345 = arith.addi %mul3A_343, %add3A_344 : i32
        %get3A_346 = arith.constant 1 : i32
        %get3A_347 = arith.index_cast %get3A_346 : i32 to index
        %get3A_348 = arith.index_cast %add3A_345 : i32 to index
        %get3A_349 = arith.constant 0 : index
        %get3A_350 = tpu.vector_load %arg12[%get3A_347, %get3A_348, %get3A_349] {strides = array<i32>} : memref<2x200x128xf32, #tpu.memory_space<vmem>>, vector<16xf32>,
        %get3A_351 = arith.constant 1 : i32
        %get3A_352 = arith.index_cast %get3A_351 : i32 to index
        %get3A_353 = arith.index_cast %add3A_345 : i32 to index
        %get3A_354 = arith.constant 16 : index
        %get3A_355 = tpu.vector_load %arg12[%get3A_352, %get3A_353, %get3A_354] {strides = array<i32>} : memref<2x200x128xf32, #tpu.memory_space<vmem>>, vector<16xf32>,
        %get3A_356 = arith.constant 1 : i32
        %get3A_357 = arith.index_cast %get3A_356 : i32 to index
        %get3A_358 = arith.index_cast %add3A_345 : i32 to index
        %get3A_359 = arith.constant 32 : index
        %get3A_360 = tpu.vector_load %arg12[%get3A_357, %get3A_358, %get3A_359] {strides = array<i32>} : memref<2x200x128xf32, #tpu.memory_space<vmem>>, vector<16xf32>,
        %get3A_361 = arith.constant 1 : i32
        %get3A_362 = arith.index_cast %get3A_361 : i32 to index
        %get3A_363 = arith.index_cast %add3A_345 : i32 to index
        %get3A_364 = arith.constant 48 : index
        %get3A_365 = tpu.vector_load %arg12[%get3A_362, %get3A_363, %get3A_364] {strides = array<i32>} : memref<2x200x128xf32, #tpu.memory_space<vmem>>, vector<16xf32>,
        %get3A_366 = arith.constant 1 : i32
        %get3A_367 = arith.index_cast %get3A_366 : i32 to index
        %get3A_368 = arith.index_cast %add3A_345 : i32 to index
        %get3A_369 = arith.constant 64 : index
        %get3A_370 = tpu.vector_load %arg12[%get3A_367, %get3A_368, %get3A_369] {strides = array<i32>} : memref<2x200x128xf32, #tpu.memory_space<vmem>>, vector<16xf32>,
        %get3A_371 = arith.constant 1 : i32
        %get3A_372 = arith.index_cast %get3A_371 : i32 to index
        %get3A_373 = arith.index_cast %add3A_345 : i32 to index
        %get3A_374 = arith.constant 80 : index
        %get3A_375 = tpu.vector_load %arg12[%get3A_372, %get3A_373, %get3A_374] {strides = array<i32>} : memref<2x200x128xf32, #tpu.memory_space<vmem>>, vector<16xf32>,
        %get3A_376 = arith.constant 1 : i32
        %get3A_377 = arith.index_cast %get3A_376 : i32 to index
        %get3A_378 = arith.index_cast %add3A_345 : i32 to index
        %get3A_379 = arith.constant 96 : index
        %get3A_380 = tpu.vector_load %arg12[%get3A_377, %get3A_378, %get3A_379] {strides = array<i32>} : memref<2x200x128xf32, #tpu.memory_space<vmem>>, vector<16xf32>,
        %get3A_381 = arith.constant 1 : i32
        %get3A_382 = arith.index_cast %get3A_381 : i32 to index
        %get3A_383 = arith.index_cast %add3A_345 : i32 to index
        %get3A_384 = arith.constant 112 : index
        %get3A_385 = tpu.vector_load %arg12[%get3A_382, %get3A_383, %get3A_384] {strides = array<i32>} : memref<2x200x128xf32, #tpu.memory_space<vmem>>, vector<16xf32>,
        %add3A_386 = arith.addf %get3A_350, %get3A_355 : vector<16xf32>
        %add3A_387 = arith.addf %add3A_386, %get3A_360 : vector<16xf32>
        %add3A_388 = arith.addf %add3A_387, %get3A_365 : vector<16xf32>
        %add3A_389 = arith.addf %add3A_388, %get3A_370 : vector<16xf32>
        %add3A_390 = arith.addf %add3A_389, %get3A_375 : vector<16xf32>
        %add3A_391 = arith.addf %add3A_390, %get3A_380 : vector<16xf32>
        %add3A_392 = arith.addf %add3A_391, %get3A_385 : vector<16xf32>
        %reduce_sum3A_393 = arith.constant true
        %reduce_sum3A_394 = vector.broadcast %reduce_sum3A_393 : i1 to vector<16xi1>
        %reduce_sum3A_395 = tpu.scan <sum>, %add3A_392 masked %reduce_sum3A_394 : vector<16xf32>, vector<16xi1> -> vector<16xf32>
        %reduce_sum3A_396 = vector.extract %reduce_sum3A_395[15] : f32 from vector<16xf32>
        %mul3A_397 = arith.mulf %get3A_350, %get3A_350 : vector<16xf32>
        %mul3A_398 = arith.mulf %get3A_355, %get3A_355 : vector<16xf32>
        %add3A_399 = arith.addf %mul3A_397, %mul3A_398 : vector<16xf32>
        %mul3A_400 = arith.mulf %get3A_360, %get3A_360 : vector<16xf32>
        %add3A_401 = arith.addf %add3A_399, %mul3A_400 : vector<16xf32>
        %mul3A_402 = arith.mulf %get3A_365, %get3A_365 : vector<16xf32>
        %add3A_403 = arith.addf %add3A_401, %mul3A_402 : vector<16xf32>
        %mul3A_404 = arith.mulf %get3A_370, %get3A_370 : vector<16xf32>
        %add3A_405 = arith.addf %add3A_403, %mul3A_404 : vector<16xf32>
        %mul3A_406 = arith.mulf %get3A_375, %get3A_375 : vector<16xf32>
        %add3A_407 = arith.addf %add3A_405, %mul3A_406 : vector<16xf32>
        %mul3A_408 = arith.mulf %get3A_380, %get3A_380 : vector<16xf32>
        %add3A_409 = arith.addf %add3A_407, %mul3A_408 : vector<16xf32>
        %mul3A_410 = arith.mulf %get3A_385, %get3A_385 : vector<16xf32>
        %add3A_411 = arith.addf %add3A_409, %mul3A_410 : vector<16xf32>
        %reduce_sum3A_412 = arith.constant true
        %reduce_sum3A_413 = vector.broadcast %reduce_sum3A_412 : i1 to vector<16xi1>
        %reduce_sum3A_414 = tpu.scan <sum>, %add3A_411 masked %reduce_sum3A_413 : vector<16xf32>, vector<16xi1> -> vector<16xf32>
        %reduce_sum3A_415 = vector.extract %reduce_sum3A_414[15] : f32 from vector<16xf32>
        %add3A_416 = arith.addi %mul3A_207, %add3A_345 : i32
        %get3A_417 = arith.index_cast %add3A_416 : i32 to index
        %get3A_418 = tpu.vector_load %arg11[%get3A_417] {strides = array<i32>} : memref<10016xf32, #tpu.memory_space<vmem>>, vector<16xf32>,
        %slice3A_419 = vector.extract_strided_slice %get3A_418 {offsets = [0], sizes = [1], strides = [1]} : vector<16xf32> to vector<1xf32>
        %squeeze3A_420 = vector.extract %slice3A_419[0] : f32 from vector<1xf32>
        %mul3A_421 = arith.constant 7.812500e-03 : f32
        %mul3A_422 = arith.mulf %reduce_sum3A_396, %mul3A_421 : f32
        %mul3A_423 = arith.constant 7.812500e-03 : f32
        %mul3A_424 = arith.mulf %reduce_sum3A_415, %mul3A_423 : f32
        %mul3A_425 = arith.mulf %mul3A_422, %mul3A_422 : f32
        %sub3A_426 = arith.subf %mul3A_424, %mul3A_425 : f32
        %mul3A_427 = arith.mulf %squeeze3A_420, %squeeze3A_420 : f32
        %mul3A_428 = arith.mulf %mul3A_427, %sub3A_426 : f32
        %add3A_429 = arith.constant 9.99999974E-6 : f32
        %add3A_430 = arith.addf %mul3A_428, %add3A_429 : f32
        %bitcast_convert_type3A_431 = arith.bitcast %add3A_430 : f32 to i32
        %shift_right_logical3A_432 = arith.constant 1 : i32
        %shift_right_logical3A_433 = arith.shrui %bitcast_convert_type3A_431, %shift_right_logical3A_432 : i32
        %sub3A_434 = arith.constant 1597463007 : i32
        %sub3A_435 = arith.subi %sub3A_434, %shift_right_logical3A_433 : i32
        %bitcast_convert_type3A_436 = arith.bitcast %sub3A_435 : i32 to f32
        %mul3A_437 = arith.constant 5.000000e-01 : f32
        %mul3A_438 = arith.mulf %mul3A_437, %add3A_430 : f32
        %mul3A_439 = arith.mulf %mul3A_438, %bitcast_convert_type3A_436 : f32
        %mul3A_440 = arith.mulf %mul3A_439, %bitcast_convert_type3A_436 : f32
        %sub3A_441 = arith.constant 1.500000e+00 : f32
        %sub3A_442 = arith.subf %sub3A_441, %mul3A_440 : f32
        %mul3A_443 = arith.mulf %bitcast_convert_type3A_436, %sub3A_442 : f32
        %mul3A_444 = arith.constant 5.000000e-01 : f32
        %mul3A_445 = arith.mulf %mul3A_444, %add3A_430 : f32
        %mul3A_446 = arith.mulf %mul3A_445, %mul3A_443 : f32
        %mul3A_447 = arith.mulf %mul3A_446, %mul3A_443 : f32
        %sub3A_448 = arith.constant 1.500000e+00 : f32
        %sub3A_449 = arith.subf %sub3A_448, %mul3A_447 : f32
        %mul3A_450 = arith.mulf %mul3A_443, %sub3A_449 : f32
        %mul3A_451 = arith.constant 5.000000e-01 : f32
        %mul3A_452 = arith.mulf %mul3A_451, %add3A_430 : f32
        %mul3A_453 = arith.mulf %mul3A_452, %mul3A_450 : f32
        %mul3A_454 = arith.mulf %mul3A_453, %mul3A_450 : f32
        %sub3A_455 = arith.constant 1.500000e+00 : f32
        %sub3A_456 = arith.subf %sub3A_455, %mul3A_454 : f32
        %mul3A_457 = arith.mulf %mul3A_450, %sub3A_456 : f32
        %mul3A_458 = arith.mulf %squeeze3A_420, %mul3A_457 : f32
        %neg3A_459 = arith.constant 0.000000e+00 : f32
        %neg3A_460 = arith.subf %neg3A_459, %mul3A_422 : f32
        %mul3A_461 = arith.mulf %neg3A_460, %mul3A_458 : f32
        %mul3A_462 = vector.broadcast %mul3A_339 : f32 to vector<16xf32>
        %mul3A_463 = arith.mulf %get3A_237, %mul3A_462 : vector<16xf32>
        %add3A_464 = vector.broadcast %mul3A_341 : f32 to vector<16xf32>
        %add3A_465 = arith.addf %mul3A_463, %add3A_464 : vector<16xf32>
        %ge3A = arith.constant 0.000000e+00 : f32
        %ge3A_466 = vector.broadcast %ge3A : f32 to vector<16xf32>
        %ge3A_467 = arith.cmpf oge, %add3A_465, %ge3A_466 : vector<16xf32>
        %mul3A_468 = arith.constant 2.000000e-02 : f32
        %mul3A_469 = vector.broadcast %mul3A_468 : f32 to vector<16xf32>
        %mul3A_470 = arith.mulf %mul3A_469, %add3A_465 : vector<16xf32>
        %select_n3A = arith.select %ge3A_467, %add3A_465, %mul3A_470 : vector<16xi1>, vector<16xf32>
        %add3A_471 = arith.addf %scan3A_222, %select_n3A : vector<16xf32>
        %mul3A_472 = vector.broadcast %mul3A_339 : f32 to vector<16xf32>
        %mul3A_473 = arith.mulf %get3A_242, %mul3A_472 : vector<16xf32>
        %add3A_474 = vector.broadcast %mul3A_341 : f32 to vector<16xf32>
        %add3A_475 = arith.addf %mul3A_473, %add3A_474 : vector<16xf32>
        %ge3A_476 = arith.constant 0.000000e+00 : f32
        %ge3A_477 = vector.broadcast %ge3A_476 : f32 to vector<16xf32>
        %ge3A_478 = arith.cmpf oge, %add3A_475, %ge3A_477 : vector<16xf32>
        %mul3A_479 = arith.constant 2.000000e-02 : f32
        %mul3A_480 = vector.broadcast %mul3A_479 : f32 to vector<16xf32>
        %mul3A_481 = arith.mulf %mul3A_480, %add3A_475 : vector<16xf32>
        %select_n3A_482 = arith.select %ge3A_478, %add3A_475, %mul3A_481 : vector<16xi1>, vector<16xf32>
        %add3A_483 = arith.addf %scan3A_223, %select_n3A_482 : vector<16xf32>
        %mul3A_484 = vector.broadcast %mul3A_339 : f32 to vector<16xf32>
        %mul3A_485 = arith.mulf %get3A_247, %mul3A_484 : vector<16xf32>
        %add3A_486 = vector.broadcast %mul3A_341 : f32 to vector<16xf32>
        %add3A_487 = arith.addf %mul3A_485, %add3A_486 : vector<16xf32>
        %ge3A_488 = arith.constant 0.000000e+00 : f32
        %ge3A_489 = vector.broadcast %ge3A_488 : f32 to vector<16xf32>
        %ge3A_490 = arith.cmpf oge, %add3A_487, %ge3A_489 : vector<16xf32>
        %mul3A_491 = arith.constant 2.000000e-02 : f32
        %mul3A_492 = vector.broadcast %mul3A_491 : f32 to vector<16xf32>
        %mul3A_493 = arith.mulf %mul3A_492, %add3A_487 : vector<16xf32>
        %select_n3A_494 = arith.select %ge3A_490, %add3A_487, %mul3A_493 : vector<16xi1>, vector<16xf32>
        %add3A_495 = arith.addf %scan3A_224, %select_n3A_494 : vector<16xf32>
        %mul3A_496 = vector.broadcast %mul3A_339 : f32 to vector<16xf32>
        %mul3A_497 = arith.mulf %get3A_252, %mul3A_496 : vector<16xf32>
        %add3A_498 = vector.broadcast %mul3A_341 : f32 to vector<16xf32>
        %add3A_499 = arith.addf %mul3A_497, %add3A_498 : vector<16xf32>
        %ge3A_500 = arith.constant 0.000000e+00 : f32
        %ge3A_501 = vector.broadcast %ge3A_500 : f32 to vector<16xf32>
        %ge3A_502 = arith.cmpf oge, %add3A_499, %ge3A_501 : vector<16xf32>
        %mul3A_503 = arith.constant 2.000000e-02 : f32
        %mul3A_504 = vector.broadcast %mul3A_503 : f32 to vector<16xf32>
        %mul3A_505 = arith.mulf %mul3A_504, %add3A_499 : vector<16xf32>
        %select_n3A_506 = arith.select %ge3A_502, %add3A_499, %mul3A_505 : vector<16xi1>, vector<16xf32>
        %add3A_507 = arith.addf %scan3A_225, %select_n3A_506 : vector<16xf32>
        %mul3A_508 = vector.broadcast %mul3A_339 : f32 to vector<16xf32>
        %mul3A_509 = arith.mulf %get3A_257, %mul3A_508 : vector<16xf32>
        %add3A_510 = vector.broadcast %mul3A_341 : f32 to vector<16xf32>
        %add3A_511 = arith.addf %mul3A_509, %add3A_510 : vector<16xf32>
        %ge3A_512 = arith.constant 0.000000e+00 : f32
        %ge3A_513 = vector.broadcast %ge3A_512 : f32 to vector<16xf32>
        %ge3A_514 = arith.cmpf oge, %add3A_511, %ge3A_513 : vector<16xf32>
        %mul3A_515 = arith.constant 2.000000e-02 : f32
        %mul3A_516 = vector.broadcast %mul3A_515 : f32 to vector<16xf32>
        %mul3A_517 = arith.mulf %mul3A_516, %add3A_511 : vector<16xf32>
        %select_n3A_518 = arith.select %ge3A_514, %add3A_511, %mul3A_517 : vector<16xi1>, vector<16xf32>
        %add3A_519 = arith.addf %scan3A_226, %select_n3A_518 : vector<16xf32>
        %mul3A_520 = vector.broadcast %mul3A_339 : f32 to vector<16xf32>
        %mul3A_521 = arith.mulf %get3A_262, %mul3A_520 : vector<16xf32>
        %add3A_522 = vector.broadcast %mul3A_341 : f32 to vector<16xf32>
        %add3A_523 = arith.addf %mul3A_521, %add3A_522 : vector<16xf32>
        %ge3A_524 = arith.constant 0.000000e+00 : f32
        %ge3A_525 = vector.broadcast %ge3A_524 : f32 to vector<16xf32>
        %ge3A_526 = arith.cmpf oge, %add3A_523, %ge3A_525 : vector<16xf32>
        %mul3A_527 = arith.constant 2.000000e-02 : f32
        %mul3A_528 = vector.broadcast %mul3A_527 : f32 to vector<16xf32>
        %mul3A_529 = arith.mulf %mul3A_528, %add3A_523 : vector<16xf32>
        %select_n3A_530 = arith.select %ge3A_526, %add3A_523, %mul3A_529 : vector<16xi1>, vector<16xf32>
        %add3A_531 = arith.addf %scan3A_227, %select_n3A_530 : vector<16xf32>
        %mul3A_532 = vector.broadcast %mul3A_339 : f32 to vector<16xf32>
        %mul3A_533 = arith.mulf %get3A_267, %mul3A_532 : vector<16xf32>
        %add3A_534 = vector.broadcast %mul3A_341 : f32 to vector<16xf32>
        %add3A_535 = arith.addf %mul3A_533, %add3A_534 : vector<16xf32>
        %ge3A_536 = arith.constant 0.000000e+00 : f32
        %ge3A_537 = vector.broadcast %ge3A_536 : f32 to vector<16xf32>
        %ge3A_538 = arith.cmpf oge, %add3A_535, %ge3A_537 : vector<16xf32>
        %mul3A_539 = arith.constant 2.000000e-02 : f32
        %mul3A_540 = vector.broadcast %mul3A_539 : f32 to vector<16xf32>
        %mul3A_541 = arith.mulf %mul3A_540, %add3A_535 : vector<16xf32>
        %select_n3A_542 = arith.select %ge3A_538, %add3A_535, %mul3A_541 : vector<16xi1>, vector<16xf32>
        %add3A_543 = arith.addf %scan3A_228, %select_n3A_542 : vector<16xf32>
        %mul3A_544 = vector.broadcast %mul3A_339 : f32 to vector<16xf32>
        %mul3A_545 = arith.mulf %get3A_272, %mul3A_544 : vector<16xf32>
        %add3A_546 = vector.broadcast %mul3A_341 : f32 to vector<16xf32>
        %add3A_547 = arith.addf %mul3A_545, %add3A_546 : vector<16xf32>
        %ge3A_548 = arith.constant 0.000000e+00 : f32
        %ge3A_549 = vector.broadcast %ge3A_548 : f32 to vector<16xf32>
        %ge3A_550 = arith.cmpf oge, %add3A_547, %ge3A_549 : vector<16xf32>
        %mul3A_551 = arith.constant 2.000000e-02 : f32
        %mul3A_552 = vector.broadcast %mul3A_551 : f32 to vector<16xf32>
        %mul3A_553 = arith.mulf %mul3A_552, %add3A_547 : vector<16xf32>
        %select_n3A_554 = arith.select %ge3A_550, %add3A_547, %mul3A_553 : vector<16xi1>, vector<16xf32>
        %add3A_555 = arith.addf %scan3A_229, %select_n3A_554 : vector<16xf32>
        %mul3A_556 = vector.broadcast %mul3A_458 : f32 to vector<16xf32>
        %mul3A_557 = arith.mulf %get3A_350, %mul3A_556 : vector<16xf32>
        %add3A_558 = vector.broadcast %mul3A_461 : f32 to vector<16xf32>
        %add3A_559 = arith.addf %mul3A_557, %add3A_558 : vector<16xf32>
        %ge3A_560 = arith.constant 0.000000e+00 : f32
        %ge3A_561 = vector.broadcast %ge3A_560 : f32 to vector<16xf32>
        %ge3A_562 = arith.cmpf oge, %add3A_559, %ge3A_561 : vector<16xf32>
        %mul3A_563 = arith.constant 2.000000e-02 : f32
        %mul3A_564 = vector.broadcast %mul3A_563 : f32 to vector<16xf32>
        %mul3A_565 = arith.mulf %mul3A_564, %add3A_559 : vector<16xf32>
        %select_n3A_566 = arith.select %ge3A_562, %add3A_559, %mul3A_565 : vector<16xi1>, vector<16xf32>
        %add3A_567 = arith.addf %add3A_471, %select_n3A_566 : vector<16xf32>
        %mul3A_568 = vector.broadcast %mul3A_458 : f32 to vector<16xf32>
        %mul3A_569 = arith.mulf %get3A_355, %mul3A_568 : vector<16xf32>
        %add3A_570 = vector.broadcast %mul3A_461 : f32 to vector<16xf32>
        %add3A_571 = arith.addf %mul3A_569, %add3A_570 : vector<16xf32>
        %ge3A_572 = arith.constant 0.000000e+00 : f32
        %ge3A_573 = vector.broadcast %ge3A_572 : f32 to vector<16xf32>
        %ge3A_574 = arith.cmpf oge, %add3A_571, %ge3A_573 : vector<16xf32>
        %mul3A_575 = arith.constant 2.000000e-02 : f32
        %mul3A_576 = vector.broadcast %mul3A_575 : f32 to vector<16xf32>
        %mul3A_577 = arith.mulf %mul3A_576, %add3A_571 : vector<16xf32>
        %select_n3A_578 = arith.select %ge3A_574, %add3A_571, %mul3A_577 : vector<16xi1>, vector<16xf32>
        %add3A_579 = arith.addf %add3A_483, %select_n3A_578 : vector<16xf32>
        %mul3A_580 = vector.broadcast %mul3A_458 : f32 to vector<16xf32>
        %mul3A_581 = arith.mulf %get3A_360, %mul3A_580 : vector<16xf32>
        %add3A_582 = vector.broadcast %mul3A_461 : f32 to vector<16xf32>
        %add3A_583 = arith.addf %mul3A_581, %add3A_582 : vector<16xf32>
        %ge3A_584 = arith.constant 0.000000e+00 : f32
        %ge3A_585 = vector.broadcast %ge3A_584 : f32 to vector<16xf32>
        %ge3A_586 = arith.cmpf oge, %add3A_583, %ge3A_585 : vector<16xf32>
        %mul3A_587 = arith.constant 2.000000e-02 : f32
        %mul3A_588 = vector.broadcast %mul3A_587 : f32 to vector<16xf32>
        %mul3A_589 = arith.mulf %mul3A_588, %add3A_583 : vector<16xf32>
        %select_n3A_590 = arith.select %ge3A_586, %add3A_583, %mul3A_589 : vector<16xi1>, vector<16xf32>
        %add3A_591 = arith.addf %add3A_495, %select_n3A_590 : vector<16xf32>
        %mul3A_592 = vector.broadcast %mul3A_458 : f32 to vector<16xf32>
        %mul3A_593 = arith.mulf %get3A_365, %mul3A_592 : vector<16xf32>
        %add3A_594 = vector.broadcast %mul3A_461 : f32 to vector<16xf32>
        %add3A_595 = arith.addf %mul3A_593, %add3A_594 : vector<16xf32>
        %ge3A_596 = arith.constant 0.000000e+00 : f32
        %ge3A_597 = vector.broadcast %ge3A_596 : f32 to vector<16xf32>
        %ge3A_598 = arith.cmpf oge, %add3A_595, %ge3A_597 : vector<16xf32>
        %mul3A_599 = arith.constant 2.000000e-02 : f32
        %mul3A_600 = vector.broadcast %mul3A_599 : f32 to vector<16xf32>
        %mul3A_601 = arith.mulf %mul3A_600, %add3A_595 : vector<16xf32>
        %select_n3A_602 = arith.select %ge3A_598, %add3A_595, %mul3A_601 : vector<16xi1>, vector<16xf32>
        %add3A_603 = arith.addf %add3A_507, %select_n3A_602 : vector<16xf32>
        %mul3A_604 = vector.broadcast %mul3A_458 : f32 to vector<16xf32>
        %mul3A_605 = arith.mulf %get3A_370, %mul3A_604 : vector<16xf32>
        %add3A_606 = vector.broadcast %mul3A_461 : f32 to vector<16xf32>
        %add3A_607 = arith.addf %mul3A_605, %add3A_606 : vector<16xf32>
        %ge3A_608 = arith.constant 0.000000e+00 : f32
        %ge3A_609 = vector.broadcast %ge3A_608 : f32 to vector<16xf32>
        %ge3A_610 = arith.cmpf oge, %add3A_607, %ge3A_609 : vector<16xf32>
        %mul3A_611 = arith.constant 2.000000e-02 : f32
        %mul3A_612 = vector.broadcast %mul3A_611 : f32 to vector<16xf32>
        %mul3A_613 = arith.mulf %mul3A_612, %add3A_607 : vector<16xf32>
        %select_n3A_614 = arith.select %ge3A_610, %add3A_607, %mul3A_613 : vector<16xi1>, vector<16xf32>
        %add3A_615 = arith.addf %add3A_519, %select_n3A_614 : vector<16xf32>
        %mul3A_616 = vector.broadcast %mul3A_458 : f32 to vector<16xf32>
        %mul3A_617 = arith.mulf %get3A_375, %mul3A_616 : vector<16xf32>
        %add3A_618 = vector.broadcast %mul3A_461 : f32 to vector<16xf32>
        %add3A_619 = arith.addf %mul3A_617, %add3A_618 : vector<16xf32>
        %ge3A_620 = arith.constant 0.000000e+00 : f32
        %ge3A_621 = vector.broadcast %ge3A_620 : f32 to vector<16xf32>
        %ge3A_622 = arith.cmpf oge, %add3A_619, %ge3A_621 : vector<16xf32>
        %mul3A_623 = arith.constant 2.000000e-02 : f32
        %mul3A_624 = vector.broadcast %mul3A_623 : f32 to vector<16xf32>
        %mul3A_625 = arith.mulf %mul3A_624, %add3A_619 : vector<16xf32>
        %select_n3A_626 = arith.select %ge3A_622, %add3A_619, %mul3A_625 : vector<16xi1>, vector<16xf32>
        %add3A_627 = arith.addf %add3A_531, %select_n3A_626 : vector<16xf32>
        %mul3A_628 = vector.broadcast %mul3A_458 : f32 to vector<16xf32>
        %mul3A_629 = arith.mulf %get3A_380, %mul3A_628 : vector<16xf32>
        %add3A_630 = vector.broadcast %mul3A_461 : f32 to vector<16xf32>
        %add3A_631 = arith.addf %mul3A_629, %add3A_630 : vector<16xf32>
        %ge3A_632 = arith.constant 0.000000e+00 : f32
        %ge3A_633 = vector.broadcast %ge3A_632 : f32 to vector<16xf32>
        %ge3A_634 = arith.cmpf oge, %add3A_631, %ge3A_633 : vector<16xf32>
        %mul3A_635 = arith.constant 2.000000e-02 : f32
        %mul3A_636 = vector.broadcast %mul3A_635 : f32 to vector<16xf32>
        %mul3A_637 = arith.mulf %mul3A_636, %add3A_631 : vector<16xf32>
        %select_n3A_638 = arith.select %ge3A_634, %add3A_631, %mul3A_637 : vector<16xi1>, vector<16xf32>
        %add3A_639 = arith.addf %add3A_543, %select_n3A_638 : vector<16xf32>
        %mul3A_640 = vector.broadcast %mul3A_458 : f32 to vector<16xf32>
        %mul3A_641 = arith.mulf %get3A_385, %mul3A_640 : vector<16xf32>
        %add3A_642 = vector.broadcast %mul3A_461 : f32 to vector<16xf32>
        %add3A_643 = arith.addf %mul3A_641, %add3A_642 : vector<16xf32>
        %ge3A_644 = arith.constant 0.000000e+00 : f32
        %ge3A_645 = vector.broadcast %ge3A_644 : f32 to vector<16xf32>
        %ge3A_646 = arith.cmpf oge, %add3A_643, %ge3A_645 : vector<16xf32>
        %mul3A_647 = arith.constant 2.000000e-02 : f32
        %mul3A_648 = vector.broadcast %mul3A_647 : f32 to vector<16xf32>
        %mul3A_649 = arith.mulf %mul3A_648, %add3A_643 : vector<16xf32>
        %select_n3A_650 = arith.select %ge3A_646, %add3A_643, %mul3A_649 : vector<16xi1>, vector<16xf32>
        %add3A_651 = arith.addf %add3A_555, %select_n3A_650 : vector<16xf32>
        scf.yield %add3A_567, %add3A_579, %add3A_591, %add3A_603, %add3A_615, %add3A_627, %add3A_639, %add3A_651 : vector<16xf32>, vector<16xf32>, vector<16xf32>, vector<16xf32>, vector<16xf32>, vector<16xf32>, vector<16xf32>, vector<16xf32>
      }
      %scan3A_213 = arith.constant 100 : i32
      %add3A_214 = arith.constant 3 : i32
      %add3A_215 = arith.addi %mul3A_109, %add3A_214 : i32
      %lt3A_216 = arith.constant 50 : i32
      %lt3A_217 = arith.cmpi slt, %add3A_215, %lt3A_216 : i32
      %convert_element_type3A_218 = arith.extui %lt3A_217 : i1 to i32
      %cond3A_219 = arith.constant 0 : i32
      %cond3A_220 = arith.cmpi ne, %convert_element_type3A_218, %cond3A_219 : i32
      scf.if %cond3A_220 {
        %add3A_221 = arith.constant 3 : i32
        %add3A_222 = arith.addi %mul3A_109, %add3A_221 : i32
        %mul3A_223 = arith.constant 200 : i32
        %mul3A_224 = arith.muli %add3A_222, %mul3A_223 : i32
        %add3A_225 = arith.addi %mul3A_2, %mul3A_224 : i32
        %dma_start3A_226 = arith.constant 1 : i32
        %dma_start3A_227 = arith.constant 0 : i32
        %dma_start3A_228 = arith.constant 0 : i32
        %dma_start3A_229 = tpu.memref_slice %arg12[%dma_start3A_226, %dma_start3A_227, %dma_start3A_228] : memref<2x200x128xf32, #tpu.memory_space<vmem>> -> memref<1x200x128xf32, #tpu.memory_space<vmem>>
        %dma_start3A_230 = tpu.memref_squeeze %dma_start3A_229 : memref<1x200x128xf32, #tpu.memory_space<vmem>> -> memref<200x128xf32, #tpu.memory_space<vmem>>
        %dma_start3A_231 = arith.constant 0 : i32
        %dma_start3A_232 = tpu.memref_slice %arg5[%add3A_225, %dma_start3A_231] : memref<320000x128xf32, #tpu.memory_space<hbm>> -> memref<200x128xf32, #tpu.memory_space<hbm>>
        %dma_start3A_233 = arith.constant 0 : i32
        %dma_start3A_234 = arith.constant 0 : i32
        %dma_start3A_235 = tpu.memref_slice %arg12[%dma_start3A_226, %dma_start3A_233, %dma_start3A_234] : memref<2x200x128xf32, #tpu.memory_space<vmem>> -> memref<1x200x128xf32, #tpu.memory_space<vmem>>
        %dma_start3A_236 = tpu.memref_squeeze %dma_start3A_235 : memref<1x200x128xf32, #tpu.memory_space<vmem>> -> memref<200x128xf32, #tpu.memory_space<vmem>>
        %dma_start3A_237 = arith.constant 0 : i32
        %dma_start3A_238 = tpu.memref_slice %arg5[%add3A_225, %dma_start3A_237] : memref<320000x128xf32, #tpu.memory_space<hbm>> -> memref<200x128xf32, #tpu.memory_space<hbm>>
        tpu.enqueue_dma source(%dma_start3A_238 : memref<200x128xf32, #tpu.memory_space<hbm>>) target(%dma_start3A_236 : memref<200x128xf32, #tpu.memory_space<vmem>>) target_semaphore(%arg19 : memref<!tpu.dma_semaphore, #tpu.memory_space<semaphore_mem>>)
      } else {
      }
      scf.yield %scan3A_212#0, %scan3A_212#1, %scan3A_212#2, %scan3A_212#3, %scan3A_212#4, %scan3A_212#5, %scan3A_212#6, %scan3A_212#7 : vector<16xf32>, vector<16xf32>, vector<16xf32>, vector<16xf32>, vector<16xf32>, vector<16xf32>, vector<16xf32>, vector<16xf32>
    }
    %scan3A_83 = arith.constant 25 : i32
    %swap3A = arith.constant 0 : index
    %swap3A_84 = tpu.vector_load %arg13[%swap3A] {strides = array<i32>} : memref<128xf32, #tpu.memory_space<vmem>>, vector<16xf32>,
    tpu.vector_store %arg13[%swap3A], %scan3A_82#0 {strides = array<i32>} : memref<128xf32, #tpu.memory_space<vmem>>, vector<16xf32>,
    %swap3A_85 = arith.constant 16 : index
    %swap3A_86 = tpu.vector_load %arg13[%swap3A_85] {strides = array<i32>} : memref<128xf32, #tpu.memory_space<vmem>>, vector<16xf32>,
    tpu.vector_store %arg13[%swap3A_85], %scan3A_82#1 {strides = array<i32>} : memref<128xf32, #tpu.memory_space<vmem>>, vector<16xf32>,
    %swap3A_87 = arith.constant 32 : index
    %swap3A_88 = tpu.vector_load %arg13[%swap3A_87] {strides = array<i32>} : memref<128xf32, #tpu.memory_space<vmem>>, vector<16xf32>,
    tpu.vector_store %arg13[%swap3A_87], %scan3A_82#2 {strides = array<i32>} : memref<128xf32, #tpu.memory_space<vmem>>, vector<16xf32>,
    %swap3A_89 = arith.constant 48 : index
    %swap3A_90 = tpu.vector_load %arg13[%swap3A_89] {strides = array<i32>} : memref<128xf32, #tpu.memory_space<vmem>>, vector<16xf32>,
    tpu.vector_store %arg13[%swap3A_89], %scan3A_82#3 {strides = array<i32>} : memref<128xf32, #tpu.memory_space<vmem>>, vector<16xf32>,
    %swap3A_91 = arith.constant 64 : index
    %swap3A_92 = tpu.vector_load %arg13[%swap3A_91] {strides = array<i32>} : memref<128xf32, #tpu.memory_space<vmem>>, vector<16xf32>,
    tpu.vector_store %arg13[%swap3A_91], %scan3A_82#4 {strides = array<i32>} : memref<128xf32, #tpu.memory_space<vmem>>, vector<16xf32>,
    %swap3A_93 = arith.constant 80 : index
    %swap3A_94 = tpu.vector_load %arg13[%swap3A_93] {strides = array<i32>} : memref<128xf32, #tpu.memory_space<vmem>>, vector<16xf32>,
    tpu.vector_store %arg13[%swap3A_93], %scan3A_82#5 {strides = array<i32>} : memref<128xf32, #tpu.memory_space<vmem>>, vector<16xf32>,
    %swap3A_95 = arith.constant 96 : index
    %swap3A_96 = tpu.vector_load %arg13[%swap3A_95] {strides = array<i32>} : memref<128xf32, #tpu.memory_space<vmem>>, vector<16xf32>,
    tpu.vector_store %arg13[%swap3A_95], %scan3A_82#6 {strides = array<i32>} : memref<128xf32, #tpu.memory_space<vmem>>, vector<16xf32>,
    %swap3A_97 = arith.constant 112 : index
    %swap3A_98 = tpu.vector_load %arg13[%swap3A_97] {strides = array<i32>} : memref<128xf32, #tpu.memory_space<vmem>>, vector<16xf32>,
    tpu.vector_store %arg13[%swap3A_97], %scan3A_82#7 {strides = array<i32>} : memref<128xf32, #tpu.memory_space<vmem>>, vector<16xf32>,
    "tpu.region"() ({
      %run_scoped3A = tpu.sem_alloc : memref<!tpu.dma_semaphore, #tpu.memory_space<semaphore_mem>>
      %dma_start3A_99 = arith.constant 0 : i32
      %dma_start3A_100 = tpu.memref_slice %arg8[%add3A, %dma_start3A_99] : memref<32x128xf32, #tpu.memory_space<hbm>> -> memref<1x128xf32, #tpu.memory_space<hbm>>
      %dma_start3A_101 = tpu.memref_squeeze %dma_start3A_100 : memref<1x128xf32, #tpu.memory_space<hbm>> -> memref<128xf32, #tpu.memory_space<hbm>>
      %dma_start3A_102 = arith.constant 0 : i32
      %dma_start3A_103 = tpu.memref_slice %arg8[%add3A, %dma_start3A_102] : memref<32x128xf32, #tpu.memory_space<hbm>> -> memref<1x128xf32, #tpu.memory_space<hbm>>
      %dma_start3A_104 = tpu.memref_squeeze %dma_start3A_103 : memref<1x128xf32, #tpu.memory_space<hbm>> -> memref<128xf32, #tpu.memory_space<hbm>>
      tpu.enqueue_dma source(%arg13 : memref<128xf32, #tpu.memory_space<vmem>>) target(%dma_start3A_104 : memref<128xf32, #tpu.memory_space<hbm>>) target_semaphore(%run_scoped3A : memref<!tpu.dma_semaphore, #tpu.memory_space<semaphore_mem>>)
      %dma_wait3A_105 = arith.constant 0 : i32
      %dma_wait3A_106 = tpu.memref_slice %arg8[%add3A, %dma_wait3A_105] : memref<32x128xf32, #tpu.memory_space<hbm>> -> memref<1x128xf32, #tpu.memory_space<hbm>>
      %dma_wait3A_107 = tpu.memref_squeeze %dma_wait3A_106 : memref<1x128xf32, #tpu.memory_space<hbm>> -> memref<128xf32, #tpu.memory_space<hbm>>
      %dma_wait3A_108 = arith.constant 0 : i32
      %dma_wait3A_109 = tpu.memref_slice %arg8[%add3A, %dma_wait3A_108] : memref<32x128xf32, #tpu.memory_space<hbm>> -> memref<1x128xf32, #tpu.memory_space<hbm>>
      %dma_wait3A_110 = tpu.memref_squeeze %dma_wait3A_109 : memref<1x128xf32, #tpu.memory_space<hbm>> -> memref<128xf32, #tpu.memory_space<hbm>>
      tpu.wait_dma2 semaphore(%run_scoped3A : memref<!tpu.dma_semaphore, #tpu.memory_space<semaphore_mem>>) src(%arg13 : memref<128xf32, #tpu.memory_space<vmem>>) dst(%dma_wait3A_110 : memref<128xf32, #tpu.memory_space<hbm>>)
      tpu.yield
    }) : () -> ()
    return
  }
}

#map = affine_map<(d0, d1) -> (0)>
module attributes {stable_mosaic.version = 14 : i64} {
  func.func @score_k(%arg0: i32, %arg1: i32, %arg2: memref<320000xi32, #tpu.memory_space<hbm>>, %arg3: memref<320000xi32, #tpu.memory_space<hbm>>, %arg4: memref<320000xf32, #tpu.memory_space<hbm>>, %arg5: memref<10000xf32, #tpu.memory_space<hbm>>, %arg6: memref<10000xf32, #tpu.memory_space<hbm>>, %arg7: memref<320000xf32, #tpu.memory_space<hbm>>, %arg8: memref<10000xi32, #tpu.memory_space<vmem>>, %arg9: memref<10000xi32, #tpu.memory_space<vmem>>, %arg10: memref<10000xf32, #tpu.memory_space<vmem>>, %arg11: memref<10000xf32, #tpu.memory_space<vmem>>, %arg12: memref<10000xf32, #tpu.memory_space<vmem>>, %arg13: memref<10000xf32, #tpu.memory_space<vmem>>) attributes {dimension_semantics = [#tpu.dimension_semantics<core_parallel>, #tpu.dimension_semantics<subcore_parallel>], iteration_bounds = array<i64: 2, 16>, scalar_prefetch = 0 : i64, scratch_operands = 6 : i64, tpu.core_type = #tpu.core_type<sc_vector_subcore>, window_params = [{transform_indices = #map}, {transform_indices = #map}, {transform_indices = #map}, {transform_indices = #map}, {transform_indices = #map}, {transform_indices = #map}]} {
    %mul3A = arith.constant 2 : i32
    %mul3A_0 = arith.muli %arg1, %mul3A : i32
    %add3A = arith.addi %mul3A_0, %arg0 : i32
    %mul3A_1 = arith.constant 10000 : i32
    %mul3A_2 = arith.muli %add3A, %mul3A_1 : i32
    "tpu.region"() ({
      %run_scoped3A = tpu.sem_alloc : memref<!tpu.dma_semaphore, #tpu.memory_space<semaphore_mem>>
      %dma_start3A = tpu.memref_slice %arg2[%mul3A_2] : memref<320000xi32, #tpu.memory_space<hbm>> -> memref<10000xi32, #tpu.memory_space<hbm>>
      %dma_start3A_8 = tpu.memref_slice %arg2[%mul3A_2] : memref<320000xi32, #tpu.memory_space<hbm>> -> memref<10000xi32, #tpu.memory_space<hbm>>
      tpu.enqueue_dma source(%dma_start3A_8 : memref<10000xi32, #tpu.memory_space<hbm>>) target(%arg8 : memref<10000xi32, #tpu.memory_space<vmem>>) target_semaphore(%run_scoped3A : memref<!tpu.dma_semaphore, #tpu.memory_space<semaphore_mem>>)
      %dma_wait3A = tpu.memref_slice %arg2[%mul3A_2] : memref<320000xi32, #tpu.memory_space<hbm>> -> memref<10000xi32, #tpu.memory_space<hbm>>
      %dma_wait3A_9 = tpu.memref_slice %arg2[%mul3A_2] : memref<320000xi32, #tpu.memory_space<hbm>> -> memref<10000xi32, #tpu.memory_space<hbm>>
      tpu.wait_dma2 semaphore(%run_scoped3A : memref<!tpu.dma_semaphore, #tpu.memory_space<semaphore_mem>>) src(%dma_wait3A_9 : memref<10000xi32, #tpu.memory_space<hbm>>) dst(%arg8 : memref<10000xi32, #tpu.memory_space<vmem>>)
      tpu.yield
    }) : () -> ()
    "tpu.region"() ({
      %run_scoped3A = tpu.sem_alloc : memref<!tpu.dma_semaphore, #tpu.memory_space<semaphore_mem>>
      %dma_start3A = tpu.memref_slice %arg3[%mul3A_2] : memref<320000xi32, #tpu.memory_space<hbm>> -> memref<10000xi32, #tpu.memory_space<hbm>>
      %dma_start3A_8 = tpu.memref_slice %arg3[%mul3A_2] : memref<320000xi32, #tpu.memory_space<hbm>> -> memref<10000xi32, #tpu.memory_space<hbm>>
      tpu.enqueue_dma source(%dma_start3A_8 : memref<10000xi32, #tpu.memory_space<hbm>>) target(%arg9 : memref<10000xi32, #tpu.memory_space<vmem>>) target_semaphore(%run_scoped3A : memref<!tpu.dma_semaphore, #tpu.memory_space<semaphore_mem>>)
      %dma_wait3A = tpu.memref_slice %arg3[%mul3A_2] : memref<320000xi32, #tpu.memory_space<hbm>> -> memref<10000xi32, #tpu.memory_space<hbm>>
      %dma_wait3A_9 = tpu.memref_slice %arg3[%mul3A_2] : memref<320000xi32, #tpu.memory_space<hbm>> -> memref<10000xi32, #tpu.memory_space<hbm>>
      tpu.wait_dma2 semaphore(%run_scoped3A : memref<!tpu.dma_semaphore, #tpu.memory_space<semaphore_mem>>) src(%dma_wait3A_9 : memref<10000xi32, #tpu.memory_space<hbm>>) dst(%arg9 : memref<10000xi32, #tpu.memory_space<vmem>>)
      tpu.yield
    }) : () -> ()
    "tpu.region"() ({
      %run_scoped3A = tpu.sem_alloc : memref<!tpu.dma_semaphore, #tpu.memory_space<semaphore_mem>>
      %dma_start3A = tpu.memref_slice %arg4[%mul3A_2] : memref<320000xf32, #tpu.memory_space<hbm>> -> memref<10000xf32, #tpu.memory_space<hbm>>
      %dma_start3A_8 = tpu.memref_slice %arg4[%mul3A_2] : memref<320000xf32, #tpu.memory_space<hbm>> -> memref<10000xf32, #tpu.memory_space<hbm>>
      tpu.enqueue_dma source(%dma_start3A_8 : memref<10000xf32, #tpu.memory_space<hbm>>) target(%arg10 : memref<10000xf32, #tpu.memory_space<vmem>>) target_semaphore(%run_scoped3A : memref<!tpu.dma_semaphore, #tpu.memory_space<semaphore_mem>>)
      %dma_wait3A = tpu.memref_slice %arg4[%mul3A_2] : memref<320000xf32, #tpu.memory_space<hbm>> -> memref<10000xf32, #tpu.memory_space<hbm>>
      %dma_wait3A_9 = tpu.memref_slice %arg4[%mul3A_2] : memref<320000xf32, #tpu.memory_space<hbm>> -> memref<10000xf32, #tpu.memory_space<hbm>>
      tpu.wait_dma2 semaphore(%run_scoped3A : memref<!tpu.dma_semaphore, #tpu.memory_space<semaphore_mem>>) src(%dma_wait3A_9 : memref<10000xf32, #tpu.memory_space<hbm>>) dst(%arg10 : memref<10000xf32, #tpu.memory_space<vmem>>)
      tpu.yield
    }) : () -> ()
    "tpu.region"() ({
      %run_scoped3A = tpu.sem_alloc : memref<!tpu.dma_semaphore, #tpu.memory_space<semaphore_mem>>
      tpu.enqueue_dma source(%arg5 : memref<10000xf32, #tpu.memory_space<hbm>>) target(%arg11 : memref<10000xf32, #tpu.memory_space<vmem>>) target_semaphore(%run_scoped3A : memref<!tpu.dma_semaphore, #tpu.memory_space<semaphore_mem>>)
      tpu.wait_dma2 semaphore(%run_scoped3A : memref<!tpu.dma_semaphore, #tpu.memory_space<semaphore_mem>>) src(%arg5 : memref<10000xf32, #tpu.memory_space<hbm>>) dst(%arg11 : memref<10000xf32, #tpu.memory_space<vmem>>)
      tpu.yield
    }) : () -> ()
    "tpu.region"() ({
      %run_scoped3A = tpu.sem_alloc : memref<!tpu.dma_semaphore, #tpu.memory_space<semaphore_mem>>
      tpu.enqueue_dma source(%arg6 : memref<10000xf32, #tpu.memory_space<hbm>>) target(%arg12 : memref<10000xf32, #tpu.memory_space<vmem>>) target_semaphore(%run_scoped3A : memref<!tpu.dma_semaphore, #tpu.memory_space<semaphore_mem>>)
      tpu.wait_dma2 semaphore(%run_scoped3A : memref<!tpu.dma_semaphore, #tpu.memory_space<semaphore_mem>>) src(%arg6 : memref<10000xf32, #tpu.memory_space<hbm>>) dst(%arg12 : memref<10000xf32, #tpu.memory_space<vmem>>)
      tpu.yield
    }) : () -> ()
    %scan3A = arith.constant 0 : i32
    %scan3A_3 = arith.constant 0 : i32
    %scan3A_4 = arith.constant 625 : i32
    %scan3A_5 = arith.addi %scan3A_3, %scan3A_4 : i32
    %scan3A_6 = arith.constant 1 : i32
    scf.for %scan3A_8 = %scan3A_3 to %scan3A_5 step %scan3A_6  : i32 {
      %mul3A_9 = arith.constant 16 : i32
      %mul3A_10 = arith.muli %scan3A_8, %mul3A_9 : i32
      %get3A = arith.index_cast %mul3A_10 : i32 to index
      %get3A_11 = tpu.vector_load %arg8[%get3A] {strides = array<i32>} : memref<10000xi32, #tpu.memory_space<vmem>>, vector<16xi32>,
      %get3A_12 = arith.index_cast %mul3A_10 : i32 to index
      %get3A_13 = tpu.vector_load %arg9[%get3A_12] {strides = array<i32>} : memref<10000xi32, #tpu.memory_space<vmem>>, vector<16xi32>,
      %gather3A = tpu.vector_load_idx %arg11[%get3A_11] : memref<10000xf32, #tpu.memory_space<vmem>>[vector<16xi32>], vector<16xf32>,
      %gather3A_14 = tpu.vector_load_idx %arg12[%get3A_13] : memref<10000xf32, #tpu.memory_space<vmem>>[vector<16xi32>], vector<16xf32>,
      %get3A_15 = arith.index_cast %mul3A_10 : i32 to index
      %get3A_16 = tpu.vector_load %arg10[%get3A_15] {strides = array<i32>} : memref<10000xf32, #tpu.memory_space<vmem>>, vector<16xf32>,
      %add3A_17 = arith.addf %get3A_16, %gather3A : vector<16xf32>
      %add3A_18 = arith.addf %add3A_17, %gather3A_14 : vector<16xf32>
      %ge3A = arith.constant 0.000000e+00 : f32
      %ge3A_19 = vector.broadcast %ge3A : f32 to vector<16xf32>
      %ge3A_20 = arith.cmpf oge, %add3A_18, %ge3A_19 : vector<16xf32>
      %mul3A_21 = arith.constant 2.000000e-02 : f32
      %mul3A_22 = vector.broadcast %mul3A_21 : f32 to vector<16xf32>
      %mul3A_23 = arith.mulf %mul3A_22, %add3A_18 : vector<16xf32>
      %select_n3A = arith.select %ge3A_20, %add3A_18, %mul3A_23 : vector<16xi1>, vector<16xf32>
      %swap3A = arith.index_cast %mul3A_10 : i32 to index
      %swap3A_24 = tpu.vector_load %arg13[%swap3A] {strides = array<i32>} : memref<10000xf32, #tpu.memory_space<vmem>>, vector<16xf32>,
      tpu.vector_store %arg13[%swap3A], %select_n3A {strides = array<i32>} : memref<10000xf32, #tpu.memory_space<vmem>>, vector<16xf32>,
    }
    %scan3A_7 = arith.constant 625 : i32
    "tpu.region"() ({
      %run_scoped3A = tpu.sem_alloc : memref<!tpu.dma_semaphore, #tpu.memory_space<semaphore_mem>>
      %dma_start3A = tpu.memref_slice %arg7[%mul3A_2] : memref<320000xf32, #tpu.memory_space<hbm>> -> memref<10000xf32, #tpu.memory_space<hbm>>
      %dma_start3A_8 = tpu.memref_slice %arg7[%mul3A_2] : memref<320000xf32, #tpu.memory_space<hbm>> -> memref<10000xf32, #tpu.memory_space<hbm>>
      tpu.enqueue_dma source(%arg13 : memref<10000xf32, #tpu.memory_space<vmem>>) target(%dma_start3A_8 : memref<10000xf32, #tpu.memory_space<hbm>>) target_semaphore(%run_scoped3A : memref<!tpu.dma_semaphore, #tpu.memory_space<semaphore_mem>>)
      %dma_wait3A = tpu.memref_slice %arg7[%mul3A_2] : memref<320000xf32, #tpu.memory_space<hbm>> -> memref<10000xf32, #tpu.memory_space<hbm>>
      %dma_wait3A_9 = tpu.memref_slice %arg7[%mul3A_2] : memref<320000xf32, #tpu.memory_space<hbm>> -> memref<10000xf32, #tpu.memory_space<hbm>>
      tpu.wait_dma2 semaphore(%run_scoped3A : memref<!tpu.dma_semaphore, #tpu.memory_space<semaphore_mem>>) src(%arg13 : memref<10000xf32, #tpu.memory_space<vmem>>) dst(%dma_wait3A_9 : memref<10000xf32, #tpu.memory_space<hbm>>)
      tpu.yield
    }) : () -> ()
    return
  }
}

module attributes {stable_mosaic.version = 14 : i64} {
  func.func @_edge_body(%arg0: i32, %arg1: memref<4000x16xf32, #tpu.memory_space<vmem>>, %arg2: memref<16x128xf32, #tpu.memory_space<vmem>>, %arg3: memref<1x128xf32, #tpu.memory_space<vmem>>, %arg4: memref<128x1xf32, #tpu.memory_space<vmem>>, %arg5: memref<1x1xf32, #tpu.memory_space<vmem>>, %arg6: memref<4000x128xf32, #tpu.memory_space<vmem>>, %arg7: memref<4000x1xf32, #tpu.memory_space<vmem>>) attributes {dimension_semantics = [#tpu.dimension_semantics<arbitrary>], iteration_bounds = array<i64: 80>, scalar_prefetch = 0 : i64, scratch_operands = 0 : i64, tpu.core_type = #tpu.core_type<tc>, window_params = [{transform_indices = @transform_0, window_bounds = array<i64: 4000, 16>}, {pipeline_mode = #tpu.pipeline_mode<synchronous>, transform_indices = @transform_1, window_bounds = array<i64: 16, 128>}, {pipeline_mode = #tpu.pipeline_mode<synchronous>, transform_indices = @transform_2, window_bounds = array<i64: 1, 128>}, {pipeline_mode = #tpu.pipeline_mode<synchronous>, transform_indices = @transform_3, window_bounds = array<i64: 128, 1>}, {pipeline_mode = #tpu.pipeline_mode<synchronous>, transform_indices = @transform_4, window_bounds = array<i64: 1, 1>}, {transform_indices = @transform_5, window_bounds = array<i64: 4000, 128>}, {transform_indices = @transform_6, window_bounds = array<i64: 4000, 1>}]} {
    %get3A = arith.constant 0 : index
    %get3A_0 = arith.constant 0 : index
    %get3A_1 = vector.load %arg1[%get3A, %get3A_0] : memref<4000x16xf32, #tpu.memory_space<vmem>>, vector<4000x16xf32>
    %get3A_2 = arith.constant 0 : index
    %get3A_3 = arith.constant 0 : index
    %get3A_4 = vector.load %arg2[%get3A_2, %get3A_3] : memref<16x128xf32, #tpu.memory_space<vmem>>, vector<16x128xf32>
    %dot_general3A = arith.constant dense<0.000000e+00> : vector<4000x128xf32>
    %dot_general3A_5 = tpu.matmul %get3A_1, %get3A_4, %dot_general3A {dimension_numbers = #tpu.dot_dimension_numbers<[1], [0], [0], [1], [0, 0, 1, 1], [], []>, transpose_lhs_hint = false} : vector<4000x16xf32>, vector<16x128xf32>, vector<4000x128xf32> -> vector<4000x128xf32>
    %get3A_6 = arith.constant 0 : index
    %get3A_7 = arith.constant 0 : index
    %get3A_8 = vector.load %arg3[%get3A_6, %get3A_7] : memref<1x128xf32, #tpu.memory_space<vmem>>, vector<1x128xf32>
    %add3A = vector.broadcast %get3A_8 : vector<1x128xf32> to vector<4000x128xf32>
    %add3A_9 = arith.addf %dot_general3A_5, %add3A : vector<4000x128xf32>
    %swap3A = arith.constant 0 : index
    %swap3A_10 = arith.constant 0 : index
    %swap3A_11 = vector.load %arg6[%swap3A, %swap3A_10] : memref<4000x128xf32, #tpu.memory_space<vmem>>, vector<4000x128xf32>
    tpu.vector_store %arg6[%swap3A, %swap3A_10], %add3A_9 {strides = array<i32>} : memref<4000x128xf32, #tpu.memory_space<vmem>>, vector<4000x128xf32>,
    %get3A_12 = arith.constant 0 : index
    %get3A_13 = arith.constant 0 : index
    %get3A_14 = vector.load %arg4[%get3A_12, %get3A_13] : memref<128x1xf32, #tpu.memory_space<vmem>>, vector<128x1xf32>
    %dot_general3A_15 = arith.constant dense<0.000000e+00> : vector<4000x1xf32>
    %dot_general3A_16 = tpu.matmul %add3A_9, %get3A_14, %dot_general3A_15 {dimension_numbers = #tpu.dot_dimension_numbers<[1], [0], [0], [1], [0, 0, 1, 1], [], []>, transpose_lhs_hint = false} : vector<4000x128xf32>, vector<128x1xf32>, vector<4000x1xf32> -> vector<4000x1xf32>
    %get3A_17 = arith.constant 0 : index
    %get3A_18 = arith.constant 0 : index
    %get3A_19 = vector.load %arg5[%get3A_17, %get3A_18] : memref<1x1xf32, #tpu.memory_space<vmem>>, vector<1x1xf32>
    %add3A_20 = vector.broadcast %get3A_19 : vector<1x1xf32> to vector<4000x1xf32>
    %add3A_21 = arith.addf %dot_general3A_16, %add3A_20 : vector<4000x1xf32>
    %swap3A_22 = arith.constant 0 : index
    %swap3A_23 = arith.constant 0 : index
    %swap3A_24 = vector.load %arg7[%swap3A_22, %swap3A_23] : memref<4000x1xf32, #tpu.memory_space<vmem>>, vector<4000x1xf32>
    tpu.vector_store %arg7[%swap3A_22, %swap3A_23], %add3A_21 {strides = array<i32>} : memref<4000x1xf32, #tpu.memory_space<vmem>>, vector<4000x1xf32>,
    return
  }
  func.func @transform_0(%arg0: i32) -> (i32, i32) {
    %c0_i32 = arith.constant 0 : i32
    %c0_i32_0 = arith.constant 0 : i32
    return %arg0, %c0_i32 : i32, i32
  }
  func.func @transform_1(%arg0: i32) -> (i32, i32) {
    %c0_i32 = arith.constant 0 : i32
    %c0_i32_0 = arith.constant 0 : i32
    %c0_i32_1 = arith.constant 0 : i32
    return %c0_i32, %c0_i32_0 : i32, i32
  }
  func.func @transform_2(%arg0: i32) -> (i32, i32) {
    %c0_i32 = arith.constant 0 : i32
    %c0_i32_0 = arith.constant 0 : i32
    %c0_i32_1 = arith.constant 0 : i32
    return %c0_i32, %c0_i32_0 : i32, i32
  }
  func.func @transform_3(%arg0: i32) -> (i32, i32) {
    %c0_i32 = arith.constant 0 : i32
    %c0_i32_0 = arith.constant 0 : i32
    %c0_i32_1 = arith.constant 0 : i32
    return %c0_i32, %c0_i32_0 : i32, i32
  }
  func.func @transform_4(%arg0: i32) -> (i32, i32) {
    %c0_i32 = arith.constant 0 : i32
    %c0_i32_0 = arith.constant 0 : i32
    %c0_i32_1 = arith.constant 0 : i32
    return %c0_i32, %c0_i32_0 : i32, i32
  }
  func.func @transform_5(%arg0: i32) -> (i32, i32) {
    %c0_i32 = arith.constant 0 : i32
    %c0_i32_0 = arith.constant 0 : i32
    return %arg0, %c0_i32 : i32, i32
  }
  func.func @transform_6(%arg0: i32) -> (i32, i32) {
    %c0_i32 = arith.constant 0 : i32
    %c0_i32_0 = arith.constant 0 : i32
    return %arg0, %c0_i32 : i32, i32
  }
}

module attributes {stable_mosaic.version = 14 : i64} {
  func.func @_node_body(%arg0: i32, %arg1: memref<1000x128xf32, #tpu.memory_space<vmem>>, %arg2: memref<128x128xf32, #tpu.memory_space<vmem>>, %arg3: memref<1x128xf32, #tpu.memory_space<vmem>>, %arg4: memref<128x128xf32, #tpu.memory_space<vmem>>, %arg5: memref<1x128xf32, #tpu.memory_space<vmem>>, %arg6: memref<128x1xf32, #tpu.memory_space<vmem>>, %arg7: memref<1000x128xf32, #tpu.memory_space<vmem>>, %arg8: memref<1000x128xf32, #tpu.memory_space<vmem>>, %arg9: memref<1000x1xf32, #tpu.memory_space<vmem>>, %arg10: memref<1000x1xf32, #tpu.memory_space<vmem>>) attributes {dimension_semantics = [#tpu.dimension_semantics<arbitrary>], iteration_bounds = array<i64: 10>, scalar_prefetch = 0 : i64, scratch_operands = 0 : i64, tpu.core_type = #tpu.core_type<tc>, window_params = [{transform_indices = @transform_0, window_bounds = array<i64: 1000, 128>}, {pipeline_mode = #tpu.pipeline_mode<synchronous>, transform_indices = @transform_1, window_bounds = array<i64: 128, 128>}, {pipeline_mode = #tpu.pipeline_mode<synchronous>, transform_indices = @transform_2, window_bounds = array<i64: 1, 128>}, {pipeline_mode = #tpu.pipeline_mode<synchronous>, transform_indices = @transform_3, window_bounds = array<i64: 128, 128>}, {pipeline_mode = #tpu.pipeline_mode<synchronous>, transform_indices = @transform_4, window_bounds = array<i64: 1, 128>}, {pipeline_mode = #tpu.pipeline_mode<synchronous>, transform_indices = @transform_5, window_bounds = array<i64: 128, 1>}, {transform_indices = @transform_6, window_bounds = array<i64: 1000, 128>}, {transform_indices = @transform_7, window_bounds = array<i64: 1000, 128>}, {transform_indices = @transform_8, window_bounds = array<i64: 1000, 1>}, {transform_indices = @transform_9, window_bounds = array<i64: 1000, 1>}]} {
    %get3A = arith.constant 0 : index
    %get3A_0 = arith.constant 0 : index
    %get3A_1 = vector.load %arg1[%get3A, %get3A_0] : memref<1000x128xf32, #tpu.memory_space<vmem>>, vector<1000x128xf32>
    %get3A_2 = arith.constant 0 : index
    %get3A_3 = arith.constant 0 : index
    %get3A_4 = vector.load %arg2[%get3A_2, %get3A_3] : memref<128x128xf32, #tpu.memory_space<vmem>>, vector<128x128xf32>
    %dot_general3A = arith.constant dense<0.000000e+00> : vector<1000x128xf32>
    %dot_general3A_5 = tpu.matmul %get3A_1, %get3A_4, %dot_general3A {dimension_numbers = #tpu.dot_dimension_numbers<[1], [0], [0], [1], [0, 0, 1, 1], [], []>, transpose_lhs_hint = false} : vector<1000x128xf32>, vector<128x128xf32>, vector<1000x128xf32> -> vector<1000x128xf32>
    %get3A_6 = arith.constant 0 : index
    %get3A_7 = arith.constant 0 : index
    %get3A_8 = vector.load %arg3[%get3A_6, %get3A_7] : memref<1x128xf32, #tpu.memory_space<vmem>>, vector<1x128xf32>
    %add3A = vector.broadcast %get3A_8 : vector<1x128xf32> to vector<1000x128xf32>
    %add3A_9 = arith.addf %dot_general3A_5, %add3A : vector<1000x128xf32>
    %add3A_10 = arith.addf %add3A_9, %get3A_1 : vector<1000x128xf32>
    %get3A_11 = arith.constant 0 : index
    %get3A_12 = arith.constant 0 : index
    %get3A_13 = vector.load %arg4[%get3A_11, %get3A_12] : memref<128x128xf32, #tpu.memory_space<vmem>>, vector<128x128xf32>
    %dot_general3A_14 = arith.constant dense<0.000000e+00> : vector<1000x128xf32>
    %dot_general3A_15 = tpu.matmul %get3A_1, %get3A_13, %dot_general3A_14 {dimension_numbers = #tpu.dot_dimension_numbers<[1], [0], [0], [1], [0, 0, 1, 1], [], []>, transpose_lhs_hint = false} : vector<1000x128xf32>, vector<128x128xf32>, vector<1000x128xf32> -> vector<1000x128xf32>
    %get3A_16 = arith.constant 0 : index
    %get3A_17 = arith.constant 0 : index
    %get3A_18 = vector.load %arg5[%get3A_16, %get3A_17] : memref<1x128xf32, #tpu.memory_space<vmem>>, vector<1x128xf32>
    %add3A_19 = vector.broadcast %get3A_18 : vector<1x128xf32> to vector<1000x128xf32>
    %add3A_20 = arith.addf %dot_general3A_15, %add3A_19 : vector<1000x128xf32>
    %swap3A = arith.constant 0 : index
    %swap3A_21 = arith.constant 0 : index
    %swap3A_22 = vector.load %arg7[%swap3A, %swap3A_21] : memref<1000x128xf32, #tpu.memory_space<vmem>>, vector<1000x128xf32>
    tpu.vector_store %arg7[%swap3A, %swap3A_21], %add3A_10 {strides = array<i32>} : memref<1000x128xf32, #tpu.memory_space<vmem>>, vector<1000x128xf32>,
    %swap3A_23 = arith.constant 0 : index
    %swap3A_24 = arith.constant 0 : index
    %swap3A_25 = vector.load %arg8[%swap3A_23, %swap3A_24] : memref<1000x128xf32, #tpu.memory_space<vmem>>, vector<1000x128xf32>
    tpu.vector_store %arg8[%swap3A_23, %swap3A_24], %add3A_20 {strides = array<i32>} : memref<1000x128xf32, #tpu.memory_space<vmem>>, vector<1000x128xf32>,
    %get3A_26 = arith.constant 0 : index
    %get3A_27 = arith.constant 0 : index
    %get3A_28 = vector.load %arg6[%get3A_26, %get3A_27] : memref<128x1xf32, #tpu.memory_space<vmem>>, vector<128x1xf32>
    %dot_general3A_29 = arith.constant dense<0.000000e+00> : vector<1000x1xf32>
    %dot_general3A_30 = tpu.matmul %add3A_10, %get3A_28, %dot_general3A_29 {dimension_numbers = #tpu.dot_dimension_numbers<[1], [0], [0], [1], [0, 0, 1, 1], [], []>, transpose_lhs_hint = false} : vector<1000x128xf32>, vector<128x1xf32>, vector<1000x1xf32> -> vector<1000x1xf32>
    %swap3A_31 = arith.constant 0 : index
    %swap3A_32 = arith.constant 0 : index
    %swap3A_33 = vector.load %arg9[%swap3A_31, %swap3A_32] : memref<1000x1xf32, #tpu.memory_space<vmem>>, vector<1000x1xf32>
    tpu.vector_store %arg9[%swap3A_31, %swap3A_32], %dot_general3A_30 {strides = array<i32>} : memref<1000x1xf32, #tpu.memory_space<vmem>>, vector<1000x1xf32>,
    %dot_general3A_34 = arith.constant dense<0.000000e+00> : vector<1000x1xf32>
    %dot_general3A_35 = tpu.matmul %add3A_20, %get3A_28, %dot_general3A_34 {dimension_numbers = #tpu.dot_dimension_numbers<[1], [0], [0], [1], [0, 0, 1, 1], [], []>, transpose_lhs_hint = false} : vector<1000x128xf32>, vector<128x1xf32>, vector<1000x1xf32> -> vector<1000x1xf32>
    %swap3A_36 = arith.constant 0 : index
    %swap3A_37 = arith.constant 0 : index
    %swap3A_38 = vector.load %arg10[%swap3A_36, %swap3A_37] : memref<1000x1xf32, #tpu.memory_space<vmem>>, vector<1000x1xf32>
    tpu.vector_store %arg10[%swap3A_36, %swap3A_37], %dot_general3A_35 {strides = array<i32>} : memref<1000x1xf32, #tpu.memory_space<vmem>>, vector<1000x1xf32>,
    return
  }
  func.func @transform_0(%arg0: i32) -> (i32, i32) {
    %c0_i32 = arith.constant 0 : i32
    %c0_i32_0 = arith.constant 0 : i32
    return %arg0, %c0_i32 : i32, i32
  }
  func.func @transform_1(%arg0: i32) -> (i32, i32) {
    %c0_i32 = arith.constant 0 : i32
    %c0_i32_0 = arith.constant 0 : i32
    %c0_i32_1 = arith.constant 0 : i32
    return %c0_i32, %c0_i32_0 : i32, i32
  }
  func.func @transform_2(%arg0: i32) -> (i32, i32) {
    %c0_i32 = arith.constant 0 : i32
    %c0_i32_0 = arith.constant 0 : i32
    %c0_i32_1 = arith.constant 0 : i32
    return %c0_i32, %c0_i32_0 : i32, i32
  }
  func.func @transform_3(%arg0: i32) -> (i32, i32) {
    %c0_i32 = arith.constant 0 : i32
    %c0_i32_0 = arith.constant 0 : i32
    %c0_i32_1 = arith.constant 0 : i32
    return %c0_i32, %c0_i32_0 : i32, i32
  }
  func.func @transform_4(%arg0: i32) -> (i32, i32) {
    %c0_i32 = arith.constant 0 : i32
    %c0_i32_0 = arith.constant 0 : i32
    %c0_i32_1 = arith.constant 0 : i32
    return %c0_i32, %c0_i32_0 : i32, i32
  }
  func.func @transform_5(%arg0: i32) -> (i32, i32) {
    %c0_i32 = arith.constant 0 : i32
    %c0_i32_0 = arith.constant 0 : i32
    %c0_i32_1 = arith.constant 0 : i32
    return %c0_i32, %c0_i32_0 : i32, i32
  }
  func.func @transform_6(%arg0: i32) -> (i32, i32) {
    %c0_i32 = arith.constant 0 : i32
    %c0_i32_0 = arith.constant 0 : i32
    return %arg0, %c0_i32 : i32, i32
  }
  func.func @transform_7(%arg0: i32) -> (i32, i32) {
    %c0_i32 = arith.constant 0 : i32
    %c0_i32_0 = arith.constant 0 : i32
    return %arg0, %c0_i32 : i32, i32
  }
  func.func @transform_8(%arg0: i32) -> (i32, i32) {
    %c0_i32 = arith.constant 0 : i32
    %c0_i32_0 = arith.constant 0 : i32
    return %arg0, %c0_i32 : i32, i32
  }
  func.func @transform_9(%arg0: i32) -> (i32, i32) {
    %c0_i32 = arith.constant 0 : i32
    %c0_i32_0 = arith.constant 0 : i32
    return %arg0, %c0_i32 : i32, i32
  }
}

module attributes {stable_mosaic.version = 14 : i64} {
  func.func @_softmax_body(%arg0: memref<2500x128xf32, #tpu.memory_space<vmem>>, %arg1: memref<2500x128xf32, #tpu.memory_space<vmem>>) attributes {dimension_semantics = [], scalar_prefetch = 0 : i64, scratch_operands = 0 : i64, tpu.core_type = #tpu.core_type<tc>} {
    %get3A = arith.constant 0 : index
    %get3A_0 = arith.constant 0 : index
    %get3A_1 = vector.load %arg0[%get3A, %get3A_0] : memref<2500x128xf32, #tpu.memory_space<vmem>>, vector<2500x128xf32>
    %reduce_max3A = vector.shape_cast %get3A_1 : vector<2500x128xf32> to vector<1x2500x128xf32>
    %reduce_max3A_2 = arith.constant dense<0xFF800000> : vector<1xf32>
    %reduce_max3A_3 = vector.multi_reduction <maximumf>, %reduce_max3A, %reduce_max3A_2 [1, 2] : vector<1x2500x128xf32> to vector<1xf32>
    %reduce_max3A_4 = vector.shape_cast %reduce_max3A_3 : vector<1xf32> to vector<1x1x1xf32>
    %reduce_max3A_5 = vector.extract %reduce_max3A_4[0, 0, 0] : f32 from vector<1x1x1xf32>
    %sub3A = vector.broadcast %reduce_max3A_5 : f32 to vector<2500x128xf32>
    %sub3A_6 = arith.subf %get3A_1, %sub3A : vector<2500x128xf32>
    %exp3A = math.exp %sub3A_6 : vector<2500x128xf32>
    %reduce_sum3A = vector.shape_cast %exp3A : vector<2500x128xf32> to vector<1x2500x128xf32>
    %reduce_sum3A_7 = arith.constant dense<0.000000e+00> : vector<1xf32>
    %reduce_sum3A_8 = vector.multi_reduction <add>, %reduce_sum3A, %reduce_sum3A_7 [1, 2] : vector<1x2500x128xf32> to vector<1xf32>
    %reduce_sum3A_9 = vector.shape_cast %reduce_sum3A_8 : vector<1xf32> to vector<1x1x1xf32>
    %reduce_sum3A_10 = vector.extract %reduce_sum3A_9[0, 0, 0] : f32 from vector<1x1x1xf32>
    %div3A = vector.broadcast %reduce_sum3A_10 : f32 to vector<2500x128xf32>
    %div3A_11 = arith.divf %exp3A, %div3A : vector<2500x128xf32>
    %swap3A = arith.constant 0 : index
    %swap3A_12 = arith.constant 0 : index
    %swap3A_13 = vector.load %arg1[%swap3A, %swap3A_12] : memref<2500x128xf32, #tpu.memory_space<vmem>>, vector<2500x128xf32>
    tpu.vector_store %arg1[%swap3A, %swap3A_12], %div3A_11 {strides = array<i32>} : memref<2500x128xf32, #tpu.memory_space<vmem>>, vector<2500x128xf32>,
    return
  }
}

module attributes {stable_mosaic.version = 14 : i64} {
  func.func @_finish_body(%arg0: memref<32x128xf32, #tpu.memory_space<vmem>>, %arg1: memref<1x128xf32, #tpu.memory_space<vmem>>) attributes {dimension_semantics = [], scalar_prefetch = 0 : i64, scratch_operands = 0 : i64, tpu.core_type = #tpu.core_type<tc>} {
    %get3A = arith.constant 0 : index
    %get3A_0 = arith.constant 0 : index
    %get3A_1 = vector.load %arg0[%get3A, %get3A_0] : memref<32x128xf32, #tpu.memory_space<vmem>>, vector<32x128xf32>
    %reduce_sum3A = arith.constant dense<0.000000e+00> : vector<128xf32>
    %reduce_sum3A_2 = vector.multi_reduction <add>, %get3A_1, %reduce_sum3A [0] : vector<32x128xf32> to vector<128xf32>
    %broadcast_in_dim3A = vector.shape_cast %reduce_sum3A_2 : vector<128xf32> to vector<1x128xf32>
    %swap3A = arith.constant 0 : index
    %swap3A_3 = arith.constant 0 : index
    %swap3A_4 = vector.load %arg1[%swap3A, %swap3A_3] : memref<1x128xf32, #tpu.memory_space<vmem>>, vector<1x128xf32>
    tpu.vector_store %arg1[%swap3A, %swap3A_3], %broadcast_in_dim3A {strides = array<i32>} : memref<1x128xf32, #tpu.memory_space<vmem>>, vector<1x128xf32>,
    return
  }
}

</mosaic_0001>

<sc_bundles>
// kernel: kernel.11.cloned.1.call-start
scs
__scs_entry_jumppad:
0x0: {  	(pc) =	sbr.rel $0x88, $3  }
0x1: {  	(tag) =	ssettag $0x0;
	lr =	simm.s32 $0x1  }
0x2: {  	[smem:$0x3F96] =	sst lr;
	_ =	strace $0xD0000000  }
0x3: {  	_ = 	snop  }
0x4: {  	_ = 	snop  }
0x5: {  	_ = 	snop  }
0x6: {  	_ = 	snop  }
0x7: {  	_ = 	snop  }
__scs_overlays_trampoline_lowered:
0x8: {  	[smem:$0x3FA5] =	sst s0  }
0x9: {  	[smem:$0x3FA6] =	sst s1  }
0xa: {  	[smem:$0x3FA7] =	sst s2  }
0xb: {  	[smem:$0x3FA8] =	sst s3  }
0xc: {  	[smem:$0x3FA9] =	sst s4  }
0xd: {  	[smem:$0x3FAA] =	sst s5  }
0xe: {  	[smem:$0x3FAB] =	sst s6  }
0xf: {  	[smem:$0x3FAC] =	sst s7  }
0x10: {  	[smem:$0x3FAD] =	sst s8  }
0x11: {  	[smem:$0x3FAE] =	sst s9;
	s0 =	simm.s32 @!p0 $0x0  }
0x12: {  	s1 =	sld [smem:$0x3F94];
	s0 =	simm.s32 @p0 $0x1  }
0x13: {  	[smem:$0x3FAF] =	sst s0;
	s0 =	simm.s32 @!p1 $0x0  }
0x14: {  	s2 =	sld [smem:$0x3F93];
	s0 =	simm.s32 @p1 $0x1  }
0x15: {  	[smem:$0x3FB0] =	sst s0;
	s0 =	simm.s32 @!p2 $0x0  }
0x16: {  	s3 =	sld [smem:$0x3FDB];
	s0 =	simm.s32 @p2 $0x1  }
0x17: {  	s4 =	simm.s32 $0x1BF5;
	[smem:$0x3FB2] =	sst s0  }
0x18: {  	s0 =	sld [smem:$0x3F95];
	_ =	swait.ge [sflag:s4], $0x0  }
0x19: {  	s7 =	sld [smem:$0x3F96]  }
0x1a: {  	s8 =	sadd.s32 $0xFFFFE003, lr  }
0x1b: {  	s9 =	sadd.s32 $0xFFFFFEF7, lr;
	s5 =	simm.s32 $0xFFFFFFFF;
	p2 =	slt.u32 s8, $0xFFFFF086  }
0x1c: {  	p1 =	slt.u32 s9, $0xF7A;
	s5 =	simm.s32 @!p2 $0x0  }
0x1d: {  	s5 =	simm.s32 @p1 $0x1;
	p0 =	seq.s32 s7, s2  }
0x1e: {  	s7 =	smul.u32 @!p0 $0xF7A, s2;
	p2 =	seq.s32 @!p0 s5, $0x0  }
0x1f: {  	s9 =	smul.u32 $0xF7A, s1;
	s8 =	simm.s32 @!p0 $0x1BF5;
	p2 =	por !p2, p0  }
0x20: {  	[sflag:s8] =	ssyncset.s32 @!p0 $0xFFFFF086;
	s6 =	sadd.s32 @!p0 s3, s7;
	s7 =	simm.s32 @!p0 $0x108  }
0x21: {  	s3 =	sadd.s32 s3, s9;
	s6 =	sadd.s32 @!p0 $0x88, s6;
	s7 =	simm.s32 @p2 $0x1082  }
0x22: {  	[simem:s7], [sflag:s8] =	dma.local @!p0 [hbm:s6], $0xF7A  }
0x23: {  	s9 =	sor.u32 $0xD0000000, s2;
	s6 =	simm.s32 $0x108;
	_ =	swait.ge @!p0 [sflag:s8], $0x0  }
0x24: {  	s3 =	sadd.s32 $0x88, s3;
	s6 =	simm.s32 @!p1 $0x1082;
	[sflag:s4] =	ssyncset.s32 $0xFFFFF086  }
0x25: {  	[simem:s6], [sflag:s4] =	dma.local [hbm:s3], $0xF7A  }
0x26: {  	[smem:$0x3F96] =	sst s1;
	(tag) =	ssettag s2;
	_ =	strace s9  }
0x27: {  	s1 =	sld [smem:$0x3FA6]  }
0x28: {  	s2 =	sld [smem:$0x3FA7]  }
0x29: {  	s4 =	sld [smem:$0x3FA9]  }
0x2a: {  	p0 =	seq.s32 s5, $0x0;
	s5 =	sld [smem:$0x3FAA]  }
0x2b: {  	s6 =	sld [smem:$0x3FAB]  }
0x2c: {  	s7 =	sld [smem:$0x3FAC]  }
0x2d: {  	s3 =	simm.s32 $0x108;
	s8 =	sld [smem:$0x3FAD]  }
0x2e: {  	s3 =	simm.s32 @!p0 $0x1082;
	s9 =	sld [smem:$0x3FAE]  }
0x2f: {  	lr =	sadd.s32 s0, s3;
	s0 =	sld [smem:$0x3FA5]  }
0x30: {  	s3 =	sld [smem:$0x3FA8]  }
0x31: {  	[smem:$0x3FB1] =	sst s10  }
0x32: {  	s10 =	sld [smem:$0x3FAF];
	_ =	sdelay $0x3  }
0x33: {  	p0 =	seq.s32 s10, $0x1;
	s10 =	sld [smem:$0x3FB1];
	_ =	sdelay $0x3  }
0x34: {  	[smem:$0x3FB1] =	sst s10  }
0x35: {  	s10 =	sld [smem:$0x3FB0];
	_ =	sdelay $0x3  }
0x36: {  	p1 =	seq.s32 s10, $0x1;
	s10 =	sld [smem:$0x3FB1];
	_ =	sdelay $0x3  }
0x37: {  	[smem:$0x3FB1] =	sst s10  }
0x38: {  	s10 =	sld [smem:$0x3FB2]  }
0x39: {  	_ = 	snop;
	(pc) =	sbr.ind lr, $3  }
0x3a: {  	_ = 	snop  }
0x3b: {  	_ = 	snop  }
0x3c: {  	p2 =	seq.s32 s10, $0x1;
	s10 =	sld [smem:$0x3FB1]  }
0x3d: {  	_ =	shalt  }
0x3e: {  	_ =	shalt  }
0x3f: {  	_ =	shalt  }
0x40: {  	_ =	shalt  }
0x41: {  	_ =	shalt  }
0x42: {  	_ =	shalt  }
0x43: {  	_ =	shalt  }
0x44: {  	_ =	shalt  }
0x45: {  	_ =	shalt  }
0x46: {  	_ =	shalt  }
0x47: {  	_ =	shalt  }
0x48: {  	_ =	shalt  }
0x49: {  	_ =	shalt  }
0x4a: {  	_ =	shalt  }
0x4b: {  	_ =	shalt  }
0x4c: {  	_ =	shalt  }
0x4d: {  	_ =	shalt  }
0x4e: {  	_ =	shalt  }
0x4f: {  	_ =	shalt  }
0x50: {  	_ =	shalt  }
0x51: {  	_ =	shalt  }
0x52: {  	_ =	shalt  }
0x53: {  	_ =	shalt  }
0x54: {  	_ =	shalt  }
0x55: {  	_ =	shalt  }
0x56: {  	_ =	shalt  }
0x57: {  	_ =	shalt  }
0x58: {  	_ =	shalt  }
0x59: {  	_ =	shalt  }
0x5a: {  	_ =	shalt  }
0x5b: {  	_ =	shalt  }
0x5c: {  	_ =	shalt  }
0x5d: {  	_ =	shalt  }
0x5e: {  	_ =	shalt  }
0x5f: {  	_ =	shalt  }
0x60: {  	_ =	shalt  }
0x61: {  	_ =	shalt  }
0x62: {  	_ =	shalt  }
0x63: {  	_ =	shalt  }
0x64: {  	_ =	shalt  }
0x65: {  	_ =	shalt  }
0x66: {  	_ =	shalt  }
0x67: {  	_ =	shalt  }
0x68: {  	_ =	shalt  }
0x69: {  	_ =	shalt  }
0x6a: {  	_ =	shalt  }
0x6b: {  	_ =	shalt  }
0x6c: {  	_ =	shalt  }
0x6d: {  	_ =	shalt  }
0x6e: {  	_ =	shalt  }
0x6f: {  	_ =	shalt  }
0x70: {  	_ =	shalt  }
0x71: {  	_ =	shalt  }
0x72: {  	_ =	shalt  }
0x73: {  	_ =	shalt  }
0x74: {  	_ =	shalt  }
0x75: {  	_ =	shalt  }
0x76: {  	_ =	shalt  }
0x77: {  	_ =	shalt  }
0x78: {  	_ =	shalt  }
0x79: {  	_ =	shalt  }
0x7a: {  	_ =	shalt  }
0x7b: {  	_ =	shalt  }
0x7c: {  	_ =	shalt  }
0x7d: {  	_ =	shalt  }
0x7e: {  	_ =	shalt  }
0x7f: {  	_ =	shalt  }
0x80: {  	_ =	shalt  }
0x81: {  	_ =	shalt  }
0x82: {  	_ =	shalt  }
0x83: {  	_ =	shalt  }
0x84: {  	_ =	shalt  }
0x85: {  	_ =	shalt  }
0x86: {  	_ =	shalt  }
0x87: {  	_ =	shalt  }
.Lfunc_end0:
.L_simem_size_0:
called_computation.1_lowered:
.L_overlay_start_0:
0x88: {  	s2 =	sld [smem:$0x3FD9]  }
0x89: {  	s3 =	sld [smem:$0x3FFE];
	_ =	sdelay $0x1  }
0x8a: {  	s1 =	srdreg.scid  }
0x8b: {  	s0 =	sand.u32 $0x1, s1  }
0x8c: {  	s16 =	sshll.u32 s0, $0xA;
	s2 =	sadd.s32 s3, s2  }
0x8d: {  	s2 =	sadd.s32 s2, s16  }
0x8e: {  	[smem:$0x3FBD] =	sst s2  }
0x8f: {  	_ = 	snop  }
0x90: {  	(tm) =	ssettm $0x1  }
0x91: {  	s17 =	sld [smem:$0x3FFB];
	_ =	sdelay $0x3  }
0x92: {  	_ =	strace s17  }
0x93: {  	s2 =	sld [smem:$0x3FFC];
	_ =	sdelay $0x3  }
0x94: {  	_ =	strace s2  }
0x95: {  	s2 =	sld [smem:$0x3FFD];
	_ =	sdelay $0x3  }
0x96: {  	_ =	strace s2  }
0x97: {  	_ =	strace $0x8FFFFFFF  }
0x98: {  	s18 =	sld [smem:$0x3FDB];
	_ =	sdelay $0x1  }
0x99: {  	s19 =	simm.s32 $_scs_section_size  }
0x9a: {  	s4 =	simm.s32 $_size__tile_overlayer_lowered;
	s5 =	simm.s32 $_tile_overlayer_lowered  }
0x9b: {  	s22 =	simm.s32 $0x1BFF;
	s21 =	sshll.u32 s5, $0x1;
	s2 =	sadd.s32 s19, s18  }
0x9c: {  	s6 =	simm.s32 $0x0;
	s20 =	sshll.u32 s4, $0x1;
	s4 =	sadd.s32 s21, s2  }
0x9d: {  	[timem:s6], [sflag:s22] =	dma.local [hbm:s4], s20  }
0x9e: {  	_ =	swait.ge [sflag:s22], s20  }
0x9f: {  	s3 =	ssub.s32 $0x0, s20;
	[sflag:s22] =	ssyncset.done $0x0  }
0xa0: {  	[sflag:s22] =	ssyncadd.s32 s3;
	_ =	sdelay $0x1  }
0xa1: {  	s23 =	simm.s32 $0x1B8B  }
0xa2: {  	_ =	swait.ge [sflag:s23], $0x1  }
0xa3: {  	[sflag:s23] =	ssyncset.done $0x0  }
0xa4: {  	s25 =	simm.s32 $0x1B8E;
	s24 =	sld [smem:$0x3FFE];
	[sflag:s23] =	ssyncadd.s32 $0xFFFFFFFF  }
0xa5: {  	s26 =	simm.s32 $execute0_lowered;
	[smem:$0x3FD2] =	sst s25  }
0xa6: {  	s4 =	sshll.u32 s26, $0x1;
	_ =	strace $0x80000049;
	[dreg:$0x1] =	wrdreg $0xFFFFFFFF  }
0xa7: {  	s28 =	simm.s32 $_size_execute0_lowered;
	s2 =	sadd.s32 s2, s4;
	[dreg:$0x0] =	wrdreg $0x0  }
0xa8: {  	s4 =	sshll.u32 s28, $0x1;
	[dreg:$0x2] =	wrdreg s2  }
0xa9: {  	[dreg:$0x3] =	wrdreg s4  }
0xaa: {  	[dreg:$0x4] =	wrdreg $0xC0  }
0xab: {  	_ =	task [dreg:s6], $0x5FFFF  }
0xac: {  	[dreg:$0x1] =	wrdreg $0xFFFFFFFF  }
0xad: {  	[dreg:$0x0] =	wrdreg $0x60  }
0xae: {  	[dreg:$0x2] =	wrdreg s24  }
0xaf: {  	[dreg:$0x3] =	wrdreg $0x9  }
0xb0: {  	_ =	task.clear_ibuf [dreg:s6], $0x4FFFF;
	_ =	strace $0x90000049  }
0xb1: {  	s29 =	simm.s32 $0x9;
	_ =	strace $0x8000004B  }
0xb2: {  	_ =	swait.ge [sflag:s29], $0x1  }
0xb3: {  	[sflag:s29] =	ssyncadd.s32 $0xFFFFFFFF  }
0xb4: {  	_ =	strace $0x9000004B  }
0xb5: {  	_ =	sfence  }
0xb6: {  	s30 =	sld [smem:$0x0];
	_ =	sdelay $0x2  }
0xb7: {  	s31 =	sshll.u32 s1, $0xD;
	s1 =	sshrl.u32 s1, $0x2  }
0xb8: {  	s3 =	sand.u32 $0x4000, s31;
	s1 =	sadd.s32 s1, s30  }
0xb9: {  	s0 =	sor.u32 s3, s0;
	s1 =	sshll.u32 s1, $0x11  }
0xba: {  	s0 =	sor.u32 s1, s0  }
0xbb: {  	s0 =	sadd.s32 $0x8F2B, s0  }
0xbc: {  	[sflag:s0] =	ssyncadd.remote.s32 $0x1  }
0xbd: {  	_ =	sfence.sel $0xFFFF  }
0xbe: {  	[dreg:$0x0] =	wrdreg $0xFFFFFFFF;
	(pc) =	sbr.abs _section_cstart, $3  }
0xbf: {  	[dreg:$0x1] =	wrdreg $0xFFFFFFFF  }
0xc0: {  	_ =	task.clear_ibuf [dreg:s6], $0x2FFFF;
	_ =	strace $0x9FFFFFFF  }
0xc1: {  	(tm) =	ssettm $0x7FFFFFFF  }
tec
execute0_lowered:
.L_overlay_start_1:
0x0: {  	(tag) =	ssettag $0x1  }
0x1: {  	s0 =	srdreg.scid  }
0x2: {  	s1 =	stileid.u32;
	s7 =	rddreg [dreg:$0x0]  }
0x3: {  	s2 =	simm.s32 $0x0;
	s20 =	simm.s32 $0xD940;
	s21 =	simm.s32 $0x1  }
0x4: {  	s22 =	simm.s32 $0x2;
	s0 =	sand.u32 $0x1, s0;
	s1 =	sshll.u32 s1, $0x1  }
0x5: {  	[smem:$0x7FF] =	sst s2;
	s5 =	sadd.s32 $0x45600, s7;
	s1 =	sor.u32 s0, s1  }
0x6: {  	s6 =	sadd.s32 $0x1E400, s7;
	s0 =	ssub.s32 $0x2, s0;
	s3 =	smul.u32 $0x2710, s1  }
0x7: {  	_ =	strace $0x8000004A;
	s10 =	smul.u32 $0x138800, s1;
	s24 =	sshrl.u32 s0, $0x1  }
0x8: {  	s9 =	sshll.u32 s1, $0x4;
	s1 =	smul.u32 $0x27100, s1;
	s0 =	ssub.s32 s0, s24  }
0x9: {  	s4 =	sshrl.u32 s3, $0x3;
	[dreg:$0x2] =	wrdreg s3;
	s30 =	sadd.s32 $0x258, s3  }
0xa: {  	s0 =	smax.u32 s0, $0x1;
	s8 =	sadd.s32 s4, s7;
	[dreg:$0x8] =	wrdreg s30  }
0xb: {  	s25 =	sshrl.u32 s10, $0x3;
	[dreg:$0xa] =	wrdreg s0;
	s26 =	sadd.s32 $0xA800, s8  }
0xc: {  	s4 =	sadd.s32 $0x9D8600, s7;
	s28 =	sadd.s32 $0xA00, s8;
	[dreg:$0x3] =	wrdreg s26  }
.Ltmp0:
0xd: {  	s8 =	sadd.s32 $0x14600, s8;
	[dreg:$0x4] =	wrdreg s28;
	(pc) =	sbr.rel .LBB2_1-.Ltmp0, $4  }
0xe: {  	s7 =	sadd.s32 s9, s7;
	s1 =	sadd.s32 s4, s1;
	[dreg:$0x5] =	wrdreg s8  }
0xf: {  	s9 =	sadd.s32 s4, s25;
	s31 =	sadd.s32 $0x6C800, s7;
	[dreg:$0x6] =	wrdreg s1  }
0x10: {  	s23 =	simm.s32 $0x6;
	s29 =	sadd.s32 $0xC80, s9;
	[dreg:$0x9] =	wrdreg s31  }
0x11: {  	s3 =	simm.s32 $0x0;
	s1 =	simm.s32 $0x7;
	[dreg:$0x7] =	wrdreg s29  }
.LBB2_8:
0x12: {  	[tilespmem:$0x13D40] =	vst v12  }
0x13: {  	[tilespmem:$0x13D50] =	vst v31  }
0x14: {  	[tilespmem:$0x13D60] =	vst v34  }
0x15: {  	[tilespmem:$0x13D70] =	vst v30  }
0x16: {  	[tilespmem:$0x13D80] =	vst v32  }
0x17: {  	[tilespmem:$0x13D90] =	vst v33  }
0x18: {  	[tilespmem:$0x13DA0] =	vst v27  }
0x19: {  	[tilespmem:$0x13DB0] =	vst v29;
	s2 =	simm.s32 $0x0;
	s0 =	rddreg [dreg:$0x9];
	s1 =	simm.s32 $0x13D40  }
0x1a: {  	[hbm4b:s0+s2] =	stream.linear.scatter [tilespmem:s1], [sflag:$0x7], $0x80, $0x38;
	[tilespmem:$0x13DC0] =	vst v63  }
0x1b: {  	s1 =	simm.s32 $0x7  }
0x1c: {  	_ =	swait.ge [sflag:s1], $0x80  }
0x1d: {  	s3 =	rddreg [dreg:$0xb]  }
0x1e: {  	s31 =	rddreg [dreg:$0xa];
	s3 =	sadd.s32 $0x1, s3  }
0x1f: {  	p0 =	sne.s32 s3, s31  }
.Ltmp1:
0x20: {  	_ = 	snop;
	(pc) =	sbr.rel @!p0 .LBB2_9-.Ltmp1, $3  }
0x21: {  	_ =	sdelay $0x1  }
0x22: {  	[sflag:s1] =	ssyncset.done $0x0  }
0x23: {  	[sflag:s1] =	ssyncadd.s32 $0xFFFFFF80  }
.LBB2_1:
0x24: {  	[dreg:$0xb] =	wrdreg s3  }
0x25: {  	s0 =	rddreg [dreg:$0x3]  }
0x26: {  	[tilespmem:s2], [sflag:$0x7] =	stream.linear.gather [hbm4b:s0+s2], $0x2710, $0x38;
	[tilespmem:$0x13DC0] =	vst v63  }
0x27: {  	_ =	swait.ge [sflag:s1], $0x2710  }
0x28: {  	[sflag:s1] =	ssyncset.done $0x0  }
0x29: {  	s16 =	simm.s32 $0x2710;
	s15 =	rddreg [dreg:$0x4];
	[sflag:s1] =	ssyncadd.s32 $0xFFFFD8F0  }
0x2a: {  	[tilespmem:s16], [sflag:$0x7] =	stream.linear.gather [hbm4b:s15+s2], $0x2710, $0x38;
	[tilespmem:$0x13DC0] =	vst v63  }
0x2b: {  	_ =	swait.ge [sflag:s1], $0x2710  }
0x2c: {  	[sflag:s1] =	ssyncset.done $0x0  }
0x2d: {  	s7 =	simm.s32 $0x4E20;
	s17 =	rddreg [dreg:$0x5];
	[sflag:s1] =	ssyncadd.s32 $0xFFFFD8F0  }
0x2e: {  	[tilespmem:s7], [sflag:$0x7] =	stream.linear.gather [hbm4b:s17+s2], $0x2710, $0x38;
	[tilespmem:$0x13DC0] =	vst v63  }
0x2f: {  	_ =	swait.ge [sflag:s1], $0x2710  }
0x30: {  	s19 =	simm.s32 $0x7540;
	[sflag:s1] =	ssyncset.done $0x0  }
0x31: {  	s24 =	simm.s32 $0x5;
	s18 =	rddreg [dreg:$0x6];
	[sflag:s1] =	ssyncadd.s32 $0xFFFFD8F0  }
0x32: {  	[tilespmem:s19], [sflag:$0x5] =	stream.linear.gather [hbm4b:s18+s2], $0x6400, $0x38;
	[tilespmem:$0x13DC0] =	vst v63  }
0x33: {  	_ =	swait.ge [sflag:s24], $0x6400  }
0x34: {  	[sflag:s24] =	ssyncset.done $0x0  }
0x35: {  	s25 =	simm.s32 $0xC8;
	[sflag:s24] =	ssyncadd.s32 $0xFFFF9C00  }
0x36: {  	[tilespmem:s19], [sflag:$0x1] =	stream.indirect.gather.add.f32 [hbm:s5], $0x80, s2, s25, $0xb8;
	[tilespmem:$0x13DC0] =	vst v63  }
0x37: {  	s28 =	simm.s32 $0x4E21;
	s29 =	simm.s32 $0x4EE9;
	s30 =	simm.s32 $0xC8  }
0x38: {  	v29 =	vimm.f32 $0.0e+00;
	v27 =	vimm.f32 $0.0e+00;
	[tilespmem:s19], [sflag:$0x2] =	stream.indirect.gather.add.f32 [hbm:s6], $0x80, s16, s25, $0xb8;
	[tilespmem:$0x13DC0] =	vst v63  }
0x39: {  	v33 =	vimm.f32 $0.0e+00;
	v32 =	vimm.f32 $0.0e+00;
	v30 =	vimm.f32 $0.0e+00;
	s31 =	simm.s32 $0x0;
	s1 =	simm.s32 $0x0;
	s26 =	rddreg [dreg:$0x7]  }
0x3a: {  	v34 =	vimm.f32 $0.0e+00;
	v31 =	vimm.f32 $0.0e+00;
	v12 =	vimm.f32 $0.0e+00;
	[tilespmem:s20], [sflag:$0x6] =	stream.linear.gather [hbm4b:s26+s2], $0x6400, $0x38;
	[tilespmem:$0x13DC0] =	vst v63  }
.LBB2_2:
0x3b: {  	_ =	swait.ge [sflag:s21], $0x6400  }
0x3c: {  	[sflag:s21] =	ssyncset.done $0x0  }
0x3d: {  	[sflag:s21] =	ssyncadd.s32 $0xFFFF9C00  }
0x3e: {  	_ =	swait.ge [sflag:s22], $0x6400  }
0x3f: {  	[sflag:s22] =	ssyncset.done $0x0  }
0x40: {  	[sflag:s22] =	ssyncadd.s32 $0xFFFF9C00  }
0x41: {  	s0 =	smul.u32 $0x190, s1;
	_ =	swait.ge [sflag:s23], $0x6400  }
0x42: {  	[sflag:s23] =	ssyncset.done $0x0  }
0x43: {  	s2 =	simm.s32 $0xC8;
	s7 =	sadd.s32 $0xC8, s0;
	[sflag:s23] =	ssyncadd.s32 $0xFFFF9C00  }
0x44: {  	[tilespmem:s20], [sflag:$0x3] =	stream.indirect.gather.add.f32 [hbm:s5], $0x80, s7, s2, $0xb8;
	[tilespmem:$0x13DC0] =	vst v63  }
0x45: {  	s18 =	simm.s32 $0x75C0;
	s17 =	sadd.s32 $0x27D8, s0  }
0x46: {  	[tilespmem:s20], [sflag:$0x4] =	stream.indirect.gather.add.f32 [hbm:s6], $0x80, s17, s2, $0xb8;
	[tilespmem:$0x13DC0] =	vst v63  }
0x47: {  	v2 =	vld [tilespmem:s18+$0xFFFFFF90]  }
0x48: {  	v35 =	vld [tilespmem:s18+$0x10]  }
0x49: {  	v36 =	vld [tilespmem:s18+$0xFFFFFF80]  }
0x4a: {  	v4 =	vld [tilespmem:s18+$0xFFFFFFA0]  }
0x4b: {  	v1 =	vld [tilespmem:s18+$0x0]  }
0x4c: {  	v0 =	vld [tilespmem:s18+$0x20]  }
0x4d: {  	v3 =	vld [tilespmem:s18+$0xFFFFFFB0]  }
0x4e: {  	v5 =	vld [tilespmem:s18+$0xFFFFFFC0];
	v6 =	vadd.f32 v2, v36  }
0x4f: {  	v38 =	vld [tilespmem:s18+$0x30];
	v7 =	vmul.f32 v2, v2;
	v8 =	vmul.f32 v36, v36  }
0x50: {  	v10 =	vld [tilespmem:s18+$0x40];
	v9 =	vmul.f32 v35, v35;
	v11 =	vadd.f32 v35, v1;
	v6 =	vadd.f32 v4, v6  }
0x51: {  	v15 =	vld [tilespmem:s18+$0xFFFFFFD0];
	v13 =	vmul.f32 v4, v4;
	v7 =	vadd.f32 v7, v8;
	v8 =	vmul.f32 v1, v1  }
0x52: {  	v41 =	vld [tilespmem:s18+$0x50];
	v14 =	vmul.f32 v3, v3;
	v16 =	vadd.f32 v0, v11;
	v6 =	vadd.f32 v3, v6  }
0x53: {  	v45 =	vld [tilespmem:s18+$0xFFFFFFE0];
	v17 =	vmul.f32 v0, v0;
	v7 =	vadd.f32 v13, v7;
	v8 =	vadd.f32 v9, v8  }
0x54: {  	v43 =	vld [tilespmem:s18+$0xFFFFFFF0];
	v9 =	vmul.f32 v5, v5;
	v13 =	vadd.f32 v38, v16;
	v6 =	vadd.f32 v5, v6  }
0x55: {  	v11 =	vld [tilespmem:s18+$0x60];
	v16 =	vmul.f32 v38, v38;
	v7 =	vadd.f32 v14, v7;
	v8 =	vadd.f32 v17, v8  }
0x56: {  	v14 =	vmul.f32 v10, v10;
	v17 =	vadd.f32 v10, v13;
	v6 =	vadd.f32 v15, v6  }
0x57: {  	v13 =	vld [tilespmem:s18+$0x70];
	v7 =	vadd.f32 v9, v7;
	v9 =	vmul.f32 v15, v15;
	v8 =	vadd.f32 v16, v8  }
0x58: {  	v16 =	vmul.f32 v41, v41;
	v17 =	vadd.f32 v41, v17;
	v6 =	vadd.f32 v45, v6  }
0x59: {  	v7 =	vadd.f32 v9, v7;
	v9 =	vmul.f32 v45, v45;
	v8 =	vadd.f32 v14, v8  }
0x5a: {  	v14 =	vmul.f32 v11, v11;
	v17 =	vadd.f32 v11, v17;
	v6 =	vadd.f32 v43, v6  }
0x5b: {  	v7 =	vadd.f32 v9, v7;
	v9 =	vmul.f32 v43, v43;
	v8 =	vadd.f32 v16, v8  }
0x5c: {  	v16 =	vadd.f32 v13, v17  }
0x5d: {  	v7 =	vadd.f32 v9, v7;
	(xrf2) =	vadd.scan.msk.f32 $0xffff, v6;
	v6 =	vadd.f32 v14, v8;
	v8 =	vmul.f32 v13, v13  }
0x5e: {  	(xrf2) =	vadd.scan.msk.f32 $0xffff, v16  }
0x5f: {  	v6 =	vadd.f32 v8, v6;
	(xrf2) =	vadd.scan.msk.f32 $0xffff, v7;
	_ =	sdelay $0x1  }
0x60: {  	(xrf2) =	vadd.scan.msk.f32 $0xffff, v6;
	_ =	sdelay $0x4  }
0x61: {  	v6 =	vld [tilespmem:s28+$0x0]  }
0x62: {  	v7, _, _ =	vpop (xrf2)  }
0x63: {  	(v2sf) =	vpush v7, $0xF;
	v7, _, _ =	vpop (xrf2)  }
0x64: {  	(v2sf) =	vpush v7, $0xF;
	v7, _, _ =	vpop (xrf2)  }
0x65: {  	(v2sf) =	vpush v7, $0xF  }
0x66: {  	v7, _, _ =	vpop (xrf2);
	(v2sf) =	vpush v6, $0x0  }
0x67: {  	(v2sf) =	vpush v7, $0xF;
	_ =	sdelay $0x2  }
0x68: {  	s19 =	simm.s32 $0x0;
	s8 =	sadd.s32 $0x0, s31  }
0x69: {  	s8 =	sand.u32 $0x7FF8, s8;
	s7 =	sand.u32 $0x6, s19  }
0x6a: {  	s7 =	sor.u32 s7, s8  }
0x6b: {  	v7 =	vld [tilespmem:s7+$0x4E20];
	_ =	sdelay $0x1  }
0x6c: {  	s9 =	simm.s32 $0x76C0  }
0x6d: {  	v39 =	vld [tilespmem:s9+$0x0]  }
0x6e: {  	v17 =	vld [tilespmem:s9+$0xFFFFFF90]  }
0x6f: {  	s24 =	spop (v2sf);
	(v2sf) =	vpush v7, $0x0;
	v7 =	vld [tilespmem:s9+$0xFFFFFF80]  }
0x70: {  	v6 =	vld [tilespmem:s9+$0x10];
	s25 =	spop (v2sf)  }
0x71: {  	v22 =	vld [tilespmem:s9+$0xFFFFFFA0];
	s8 =	smul.f32 $7.812500000e-03, s25;
	s11 =	spop (v2sf)  }
0x72: {  	v37 =	vld [tilespmem:s9+$0x20];
	s10 =	spop (v2sf)  }
0x73: {  	v19 =	vld [tilespmem:s9+$0xFFFFFFB0];
	s13 =	smul.f32 s8, s8;
	s14 =	spop (v2sf)  }
0x74: {  	v8 =	vld [tilespmem:s9+$0x30];
	s14 =	smul.f32 $7.812500000e-03, s14;
	v9 =	vadd.f32 v17, v7  }
0x75: {  	v21 =	vld [tilespmem:s9+$0xFFFFFFC0];
	v14 =	vmul.f32 v17, v17;
	v18 =	vadd.f32 v6, v39;
	v16 =	vmul.f32 v7, v7  }
0x76: {  	v40 =	vld [tilespmem:s9+$0x40];
	s15 =	smul.f32 s10, s10;
	s13 =	ssub.f32 s14, s13;
	v20 =	vadd.f32 v22, v9  }
0x77: {  	v23 =	vld [tilespmem:s9+$0xFFFFFFD0];
	v24 =	vmul.f32 v22, v22;
	v14 =	vadd.f32 v14, v16;
	v16 =	vadd.f32 v37, v18  }
0x78: {  	v26 =	vmul.f32 v39, v39;
	v18 =	vmul.f32 v6, v6;
	v9 =	vld [tilespmem:s9+$0x50];
	s13 =	smul.f32 s13, s15  }
0x79: {  	v25 =	vld [tilespmem:s9+$0xFFFFFFE0];
	v28 =	vmul.f32 v19, v19;
	s7 =	smul.f32 $7.812500000e-03, s24;
	v20 =	vadd.f32 v19, v20;
	v16 =	vadd.f32 v8, v16  }
0x7a: {  	v42 =	vld [tilespmem:s9+$0x60];
	v14 =	vadd.f32 v24, v14;
	v24 =	vmul.f32 v37, v37;
	v26 =	vadd.f32 v18, v26;
	s13 =	sadd.f32 $9.999999740e-06, s13  }
0x7b: {  	v44 =	vld [tilespmem:s9+$0x70];
	v46 =	vmul.f32 v21, v21;
	s26 =	smul.f32 s7, s7;
	v20 =	vadd.f32 v21, v20;
	v16 =	vadd.f32 v40, v16  }
0x7c: {  	v18 =	vld [tilespmem:s9+$0xFFFFFFF0];
	v14 =	vadd.f32 v28, v14;
	v28 =	vmul.f32 v8, v8;
	v24 =	vadd.f32 v24, v26;
	s2 =	sshrl.u32 s13, $0x1;
	s13 =	smul.f32 $5.000000000e-01, s13  }
0x7d: {  	v61 =	vmul.f32 v40, v40;
	s16 =	smul.f32 $7.812500000e-03, s11;
	v20 =	vadd.f32 v23, v20;
	v16 =	vadd.f32 v9, v16;
	s3 =	ssub.s32 $0x5F3759DF, s2  }
0x7e: {  	v26 =	vmul.f32 v23, v23;
	v14 =	vadd.f32 v46, v14;
	v24 =	vadd.f32 v28, v24;
	s15 =	smul.f32 s3, s13;
	s11 =	spop (v2sf)  }
0x7f: {  	s14 =	ssub.f32 s16, s26;
	v28 =	vmul.f32 v9, v9;
	v20 =	vadd.f32 v25, v20;
	v16 =	vadd.f32 v42, v16;
	s12 =	smul.f32 s11, s11  }
0x80: {  	v14 =	vadd.f32 v26, v14;
	v26 =	vmul.f32 v25, v25;
	v24 =	vadd.f32 v61, v24;
	s15 =	smul.f32 s3, s15  }
0x81: {  	v62 =	vmul.f32 v42, v42;
	v20 =	vadd.f32 v18, v20;
	v16 =	vadd.f32 v44, v16;
	s14 =	smul.f32 s14, s12  }
0x82: {  	v14 =	vadd.f32 v26, v14;
	v26 =	vmul.f32 v18, v18;
	v24 =	vadd.f32 v28, v24;
	s15 =	ssub.f32 $1.500000000e+00, s15  }
0x83: {  	(xrf2) =	vadd.scan.msk.f32 $0xffff, v20;
	s14 =	sadd.f32 $9.999999740e-06, s14  }
0x84: {  	v14 =	vadd.f32 v26, v14;
	v20 =	vmul.f32 v44, v44;
	(xrf2) =	vadd.scan.msk.f32 $0xffff, v16;
	v16 =	vadd.f32 v62, v24;
	s9 =	smul.f32 s3, s15  }
0x85: {  	s17 =	sshrl.u32 s14, $0x1;
	s14 =	smul.f32 $5.000000000e-01, s14  }
0x86: {  	(xrf2) =	vadd.scan.msk.f32 $0xffff, v14;
	v16 =	vadd.f32 v20, v16;
	s15 =	ssub.s32 $0x5F3759DF, s17;
	s18 =	smul.f32 s9, s13  }
0x87: {  	s17 =	smul.f32 s15, s14  }
0x88: {  	(xrf2) =	vadd.scan.msk.f32 $0xffff, v16;
	s16 =	smul.f32 s18, s9  }
0x89: {  	s17 =	smul.f32 s15, s17  }
0x8a: {  	s16 =	ssub.f32 $1.500000000e+00, s16  }
0x8b: {  	s17 =	ssub.f32 $1.500000000e+00, s17  }
0x8c: {  	s16 =	smul.f32 s16, s9;
	s9 =	sadd.s32 $0x2, s28  }
0x8d: {  	v14, _, _ =	vpop (xrf2);
	s15 =	smul.f32 s15, s17;
	v16 =	vld [tilespmem:s9+$0x0]  }
0x8e: {  	(v2sf) =	vpush v14, $0xF;
	v14, _, _ =	vpop (xrf2);
	s13 =	smul.f32 s16, s13  }
0x8f: {  	(v2sf) =	vpush v14, $0xF;
	s17 =	smul.f32 s15, s14  }
0x90: {  	v14, _, _ =	vpop (xrf2);
	s13 =	smul.f32 s13, s16  }
0x91: {  	(v2sf) =	vpush v14, $0xF;
	s17 =	smul.f32 s17, s15  }
0x92: {  	v14, _, _ =	vpop (xrf2);
	s13 =	ssub.f32 $1.500000000e+00, s13;
	(v2sf) =	vpush v16, $0x0  }
0x93: {  	s17 =	ssub.f32 $1.500000000e+00, s17;
	(v2sf) =	vpush v14, $0xF  }
0x94: {  	s24 =	simm.s32 $0x2;
	s13 =	smul.f32 s13, s16  }
0x95: {  	s25 =	sadd.s32 $0x2, s31;
	s8 =	ssub.f32 $0.0e+00, s8;
	s19 =	smul.f32 s17, s15  }
0x96: {  	s15 =	sand.u32 $0x7FF8, s25;
	s13 =	smul.f32 s13, s10;
	s10 =	sand.u32 $0x6, s24  }
0x97: {  	s14 =	smul.f32 s19, s14;
	s10 =	sor.u32 s10, s15  }
0x98: {  	s15 =	simm.s32 $0x77C0;
	s8 =	smul.f32 s13, s8;
	v16 =	vld [tilespmem:s10+$0x4E20]  }
0x99: {  	v14 =	vmul.f32 s13, v10;
	v10 =	vld [tilespmem:s15+$0xFFFFFF90];
	s14 =	smul.f32 s14, s19  }
0x9a: {  	v46 =	vmul.f32 s13, v0;
	v0 =	vld [tilespmem:s15+$0x10]  }
0x9b: {  	v20 =	vmul.f32 s13, v11;
	v26 =	vmul.f32 s13, v13;
	v13 =	vld [tilespmem:s15+$0xFFFFFFC0];
	v24 =	vadd.f32 s8, v14;
	s26 =	ssub.f32 $1.500000000e+00, s14  }
0x9c: {  	v14 =	vld [tilespmem:s15+$0xFFFFFFA0]  }
0x9d: {  	v47 =	vmul.f32 s13, v1;
	v20 =	vadd.f32 s8, v20;
	s2 =	spop (v2sf);
	v1 =	vmul.f32 $1.999999960e-02, v24;
	s10 =	smul.f32 s26, s19  }
0x9e: {  	v35 =	vmul.f32 s13, v35;
	vm0 =	vge.f32 v24, $0.0e+00;
	s3 =	spop (v2sf);
	(v2sf) =	vpush v16, $0x0  }
0x9f: {  	s7 =	ssub.f32 $0.0e+00, s7;
	v41 =	vmul.f32 s13, v41;
	v16 =	vmul.f32 $1.999999960e-02, v20;
	v48 =	vsel vm0, v24, v1;
	v1 =	vld [tilespmem:s15+$0xFFFFFF80];
	s16 =	smul.f32 s10, s11  }
0xa0: {  	v49 =	vadd.f32 s8, v26;
	v28 =	vmul.f32 v10, v10;
	v26 =	vmul.f32 v0, v0;
	s18 =	spop (v2sf);
	s10 =	smul.f32 $7.812500000e-03, s3  }
0xa1: {  	v11 =	vld [tilespmem:s15+$0xFFFFFFB0];
	v57 =	vmul.f32 v13, v13;
	v56 =	vmul.f32 v14, v14;
	s14 =	smul.f32 s16, s7;
	s11 =	spop (v2sf)  }
0xa2: {  	vm0 =	vge.f32 v20, $0.0e+00;
	v24 =	vmul.f32 s16, v2;
	v4 =	vmul.f32 s16, v4;
	v2 =	vld [tilespmem:s15+$0x0];
	s12 =	smul.f32 s10, s10;
	s19 =	spop (v2sf)  }
0xa3: {  	v50 =	vsel vm0, v20, v16;
	v16 =	vmul.f32 s16, v3;
	v52 =	vmul.f32 s16, v5;
	s19 =	smul.f32 $7.812500000e-03, s19  }
0xa4: {  	v45 =	vmul.f32 s16, v45;
	v5 =	vadd.f32 s14, v4;
	v4 =	vld [tilespmem:s15+$0x20];
	v20 =	vadd.f32 v10, v1  }
0xa5: {  	s25 =	smul.f32 s11, s11;
	v54 =	vadd.f32 s14, v24;
	v55 =	vadd.f32 s14, v16;
	v16 =	vmul.f32 v1, v1;
	s7 =	ssub.f32 s19, s12  }
0xa6: {  	v53 =	vmul.f32 s16, v15;
	v3 =	vld [tilespmem:s15+$0x30];
	v45 =	vadd.f32 s14, v45;
	v58 =	vadd.f32 v14, v20  }
0xa7: {  	v15 =	vmul.f32 v11, v11;
	v16 =	vadd.f32 v28, v16;
	v20 =	vld [tilespmem:s15+$0xFFFFFFD0];
	v59 =	vadd.f32 v0, v2;
	s7 =	smul.f32 s7, s25  }
0xa8: {  	v24 =	vld [tilespmem:s15+$0x40];
	v53 =	vadd.f32 s14, v53;
	v51 =	vmul.f32 $1.999999960e-02, v5;
	v58 =	vadd.f32 v11, v58  }
0xa9: {  	s18 =	smul.f32 $7.812500000e-03, s18;
	vm0 =	vge.f32 v5, $0.0e+00;
	v56 =	vadd.f32 v56, v16;
	v16 =	vld [tilespmem:s15+$0xFFFFFFE0];
	v59 =	vadd.f32 v4, v59;
	s7 =	sadd.f32 $9.999999740e-06, s7  }
0xaa: {  	v28 =	vmul.f32 v2, v2;
	s25 =	smul.f32 $7.812500000e-03, s2;
	v51 =	vsel vm0, v5, v51;
	v5 =	vld [tilespmem:s15+$0x50];
	v58 =	vadd.f32 v13, v58  }
0xab: {  	v43 =	vmul.f32 s16, v43;
	v56 =	vadd.f32 v15, v56;
	v15 =	vld [tilespmem:s15+$0xFFFFFFF0];
	v59 =	vadd.f32 v3, v59;
	s26 =	sshrl.u32 s7, $0x1;
	s17 =	smul.f32 $5.000000000e-01, s7  }
0xac: {  	v61 =	vmul.f32 v4, v4;
	v28 =	vadd.f32 v26, v28;
	v26 =	vld [tilespmem:s15+$0x60];
	s24 =	smul.f32 s25, s25;
	v58 =	vadd.f32 v20, v58;
	s26 =	ssub.s32 $0x5F3759DF, s26  }
0xad: {  	v36 =	vmul.f32 s16, v36;
	v43 =	vadd.f32 s14, v43;
	v59 =	vadd.f32 v24, v59;
	s7 =	spop (v2sf);
	s2 =	smul.f32 s26, s17  }
0xae: {  	v60 =	vmul.f32 $1.999999960e-02, v54;
	v61 =	vadd.f32 v61, v28;
	v28 =	vld [tilespmem:s15+$0x70];
	s18 =	ssub.f32 s18, s24;
	v58 =	vadd.f32 v16, v58;
	s3 =	smul.f32 s7, s7  }
0xaf: {  	v62 =	vmul.f32 v3, v3;
	vm0 =	vge.f32 v54, $0.0e+00;
	v59 =	vadd.f32 v5, v59;
	s15 =	smul.f32 s26, s2  }
0xb0: {  	v56 =	vadd.f32 v57, v56;
	v57 =	vmul.f32 v20, v20;
	s18 =	smul.f32 s18, s3;
	v58 =	vadd.f32 v15, v58  }
0xb1: {  	v63 =	vmul.f32 v24, v24;
	v61 =	vadd.f32 v62, v61;
	v59 =	vadd.f32 v26, v59;
	s15 =	ssub.f32 $1.500000000e+00, s15  }
0xb2: {  	v54 =	vsel vm0, v54, v60;
	v56 =	vadd.f32 v57, v56;
	v57 =	vmul.f32 v16, v16;
	(xrf2) =	vadd.scan.msk.f32 $0xffff, v58;
	s18 =	sadd.f32 $9.999999740e-06, s18  }
0xb3: {  	v60 =	vadd.f32 v63, v61;
	v61 =	vmul.f32 v5, v5;
	v63 =	vadd.f32 v28, v59;
	s12 =	smul.f32 s26, s15  }
0xb4: {  	vm0 =	vge.f32 v55, $0.0e+00;
	v56 =	vadd.f32 v57, v56;
	v57 =	vmul.f32 v15, v15;
	s15 =	sshrl.u32 s18, $0x1;
	s24 =	smul.f32 $5.000000000e-01, s18  }
0xb5: {  	v62 =	vmul.f32 v26, v26;
	v60 =	vadd.f32 v61, v60;
	v61 =	vmul.f32 $1.999999960e-02, v55;
	(xrf2) =	vadd.scan.msk.f32 $0xffff, v63;
	s26 =	ssub.s32 $0x5F3759DF, s15;
	s2 =	smul.f32 s12, s17  }
0xb6: {  	v56 =	vadd.f32 v57, v56;
	v58 =	vmul.f32 s13, v38;
	v38 =	vadd.f32 s14, v52;
	s3 =	smul.f32 s26, s24  }
0xb7: {  	v34 =	vadd.f32 v51, v34;
	v62 =	vadd.f32 v62, v60;
	v60 =	vmul.f32 v28, v28;
	s16 =	smul.f32 s2, s12  }
0xb8: {  	v31 =	vadd.f32 v54, v31;
	v55 =	vsel vm0, v55, v61;
	v61 =	vmul.f32 $1.999999960e-02, v38;
	(xrf2) =	vadd.scan.msk.f32 $0xffff, v56;
	s13 =	smul.f32 s26, s3  }
0xb9: {  	vm1 =	vge.f32 v38, $0.0e+00;
	v63 =	vmul.f32 $1.999999960e-02, v45;
	v62 =	vadd.f32 v60, v62;
	s16 =	ssub.f32 $1.500000000e+00, s16  }
0xba: {  	v57 =	vadd.f32 s8, v47;
	vm0 =	vge.f32 v45, $0.0e+00;
	v38 =	vsel vm1, v38, v61;
	s13 =	ssub.f32 $1.500000000e+00, s13  }
0xbb: {  	v56 =	vmul.f32 $1.999999960e-02, v43;
	v45 =	vsel vm0, v45, v63;
	v63 =	vmul.f32 $1.999999960e-02, v53;
	(xrf2) =	vadd.scan.msk.f32 $0xffff, v62;
	s16 =	smul.f32 s16, s12  }
0xbc: {  	v61 =	vmul.f32 $1.999999960e-02, v49;
	v32 =	vadd.f32 v38, v32;
	v62 =	vadd.f32 s14, v36;
	s13 =	smul.f32 s26, s13;
	v59, _, _ =	vpop (xrf2)  }
0xbd: {  	vm0 =	vge.f32 v53, $0.0e+00;
	v36 =	vadd.f32 v55, v30;
	(v2sf) =	vpush v59, $0xF;
	s17 =	smul.f32 s16, s17  }
0xbe: {  	v30 =	vmul.f32 $1.999999960e-02, v57;
	v60 =	vsel vm0, v53, v63;
	vm0 =	vge.f32 v43, $0.0e+00;
	s12 =	smul.f32 s13, s24  }
0xbf: {  	s9 =	sadd.s32 $0x2, s9;
	v27 =	vadd.f32 v45, v27;
	v53 =	vmul.f32 $1.999999960e-02, v62;
	v38 =	vsel vm0, v43, v56;
	v63, _, _ =	vpop (xrf2);
	s17 =	smul.f32 s17, s16  }
0xc0: {  	vm0 =	vge.f32 v49, $0.0e+00;
	v56 =	vld [tilespmem:s9+$0x0];
	v38 =	vadd.f32 v38, v29;
	(v2sf) =	vpush v63, $0xF;
	s14 =	smul.f32 s12, s13  }
0xc1: {  	v27 =	vadd.f32 v50, v27;
	v29 =	vadd.f32 v48, v32;
	v43 =	vsel vm0, v49, v61;
	s17 =	ssub.f32 $1.500000000e+00, s17  }
0xc2: {  	vm0 =	vge.f32 v62, $0.0e+00;
	v61 =	vadd.f32 s8, v58;
	v32 =	vadd.f32 v43, v38;
	v59, _, _ =	vpop (xrf2);
	s14 =	ssub.f32 $1.500000000e+00, s14  }
0xc3: {  	v47 =	vsel vm0, v62, v53;
	v43 =	vadd.f32 s8, v41;
	(v2sf) =	vpush v59, $0xF;
	s16 =	smul.f32 s17, s16  }
0xc4: {  	vm0 =	vge.f32 v57, $0.0e+00;
	v38 =	vadd.f32 v60, v33;
	v60 =	vadd.f32 s8, v46;
	s18 =	smul.f32 s14, s13  }
0xc5: {  	v45 =	vsel vm0, v57, v30;
	v46 =	vadd.f32 s8, v35;
	v30, _, _ =	vpop (xrf2);
	(v2sf) =	vpush v56, $0x0;
	s16 =	smul.f32 s16, s11  }
0xc6: {  	vm1 =	vge.f32 v61, $0.0e+00;
	(v2sf) =	vpush v30, $0xF;
	v30 =	vmul.f32 $1.999999960e-02, v60;
	s17 =	smul.f32 s18, s24  }
0xc7: {  	s10 =	ssub.f32 $0.0e+00, s10;
	s19 =	simm.s32 $0x4;
	vm0 =	vge.f32 v46, $0.0e+00;
	vm2 =	vge.f32 v60, $0.0e+00;
	v48 =	vmul.f32 $1.999999960e-02, v46  }
0xc8: {  	s9 =	sadd.s32 $0x2, s9;
	s26 =	sadd.s32 $0x4, s31;
	v63 =	vmul.f32 $1.999999960e-02, v61;
	v62 =	vsel vm2, v60, v30;
	v35 =	vmul.f32 s16, v39;
	s24 =	smul.f32 s17, s18  }
0xc9: {  	s8 =	simm.s32 $0x78C0;
	s15 =	sand.u32 $0x7FF8, s26;
	s14 =	simm.s32 $0x6;
	v34 =	vadd.f32 v62, v34;
	v33 =	vmul.f32 s16, v37;
	v30 =	vmul.f32 s16, v40  }
0xca: {  	s11 =	sand.u32 $0x6, s19;
	s17 =	smul.f32 s16, s10;
	v42 =	vmul.f32 s16, v42;
	v39 =	vmul.f32 s16, v44;
	v37 =	vsel vm1, v61, v63;
	s13 =	ssub.f32 $1.500000000e+00, s24  }
.LBB2_3:
0xcb: {  	s15 =	sor.u32 s11, s15  }
0xcc: {  	v40 =	vld [tilespmem:s8+$0xFFFFFF90];
	s19 =	spop (v2sf);
	v41 =	vadd.f32 s17, v30;
	v44 =	vsel vm0, v46, v48;
	v46 =	vmul.f32 $1.999999960e-02, v43;
	s11 =	smov.u32 s14;
	s10 =	sadd.s32 $0x2, s14  }
0xcd: {  	p0 =	sne.s32 s14, $0xC6;
	v12 =	vadd.f32 v47, v12;
	vm0 =	vge.f32 v43, $0.0e+00;
	v48 =	vld [tilespmem:s15+$0x4E20];
	s14 =	smul.f32 $7.812500000e-03, s19;
	v49 =	vadd.f32 s17, v42  }
0xce: {  	s13 =	smul.f32 s13, s18;
	v31 =	vadd.f32 v44, v31;
	v30 =	vld [tilespmem:s8+$0x20];
	vm1 =	vge.f32 v41, $0.0e+00;
	v47 =	vmul.f32 $1.999999960e-02, v41  }
0xcf: {  	v36 =	vadd.f32 v37, v36;
	v37 =	vsel vm0, v43, v46;
	v44 =	vld [tilespmem:s8+$0xFFFFFFB0];
	s15 =	smul.f32 s14, s14;
	s18 =	spop (v2sf);
	v50 =	vmul.f32 $1.999999960e-02, v49  }
0xd0: {  	s19 =	smul.f32 s13, s7;
	s7 =	ssub.f32 $0.0e+00, s25;
	vm0 =	vge.f32 v49, $0.0e+00;
	v38 =	vadd.f32 v37, v38;
	s25 =	smov.u32 s14;
	v42 =	vld [tilespmem:s8+$0x10];
	v43 =	vsel vm1, v41, v47  }
0xd1: {  	v12 =	vadd.f32 v45, v12;
	s13 =	smul.f32 $7.812500000e-03, s18;
	v41 =	vld [tilespmem:s8+$0xFFFFFFA0];
	v51 =	vmul.f32 v40, v40;
	v46 =	vsel vm0, v49, v50  }
0xd2: {  	s18 =	smul.f32 s19, s7;
	v45 =	vmul.f32 s19, v22;
	v47 =	vld [tilespmem:s8+$0xFFFFFF80];
	s14 =	spop (v2sf);
	(v2sf) =	vpush v48, $0x0;
	v48 =	vmul.f32 s19, v17;
	v17 =	vmovc v10;
	v10 =	vmovc v40  }
0xd3: {  	v52 =	vmul.f32 s19, v21;
	v22 =	vmovc v14;
	v21 =	vmovc v13;
	v40 =	vmul.f32 s19, v19;
	v19 =	vmov v11;
	s7 =	smul.f32 $7.812500000e-03, s14;
	v13 =	vld [tilespmem:s8+$0xFFFFFFC0]  }
0xd4: {  	v53 =	vmul.f32 s19, v23;
	v23 =	vmovc v20;
	s2 =	smul.f32 s13, s13;
	v50 =	vadd.f32 s18, v45;
	v45 =	vadd.f32 s17, v39;
	v37 =	vld [tilespmem:s8+$0x0];
	v11 =	vmovc v44  }
0xd5: {  	v48 =	vadd.f32 s18, v48;
	v54 =	vmul.f32 v44, v11;
	v49 =	vld [tilespmem:s8+$0x30];
	v55 =	vmul.f32 v42, v42;
	s26 =	ssub.f32 s7, s15;
	s14 =	spop (v2sf)  }
0xd6: {  	v56 =	vadd.f32 s18, v40;
	vm0 =	vge.f32 v50, $0.0e+00;
	v20 =	vmul.f32 $1.999999960e-02, v50;
	s7 =	smul.f32 s14, s14;
	s15 =	spop (v2sf);
	v14 =	vmovc v41  }
0xd7: {  	v40 =	vadd.f32 v10, v47;
	v57 =	vmul.f32 v47, v47;
	v41 =	vmul.f32 v41, v14;
	v39 =	vld [tilespmem:s8+$0x40];
	s15 =	smul.f32 $7.812500000e-03, s15  }
0xd8: {  	v59 =	vmul.f32 $1.999999960e-02, v48;
	v44 =	vsel vm0, v50, v20;
	v58 =	vmul.f32 v13, v13  }
0xd9: {  	v40 =	vadd.f32 v14, v40;
	v51 =	vadd.f32 v51, v57;
	v50 =	vld [tilespmem:s8+$0x50];
	v57 =	vmul.f32 v30, v30;
	s2 =	ssub.f32 s15, s2  }
0xda: {  	v60 =	vadd.f32 v42, v37;
	v61 =	vmul.f32 v37, v37;
	v20 =	vld [tilespmem:s8+$0xFFFFFFD0];
	v62 =	vmul.f32 v49, v49  }
0xdb: {  	vm0 =	vge.f32 v48, $0.0e+00;
	v63 =	vadd.f32 v11, v40;
	v41 =	vadd.f32 v41, v51;
	v40 =	vld [tilespmem:s8+$0x60];
	s2 =	smul.f32 s2, s7  }
0xdc: {  	v60 =	vadd.f32 v30, v60;
	v55 =	vadd.f32 v55, v61;
	v51 =	vld [tilespmem:s8+$0xFFFFFFE0];
	v61 =	vmul.f32 v39, v39  }
0xdd: {  	v48 =	vsel vm0, v48, v59;
	v63 =	vadd.f32 v13, v63;
	v54 =	vadd.f32 v54, v41;
	v41 =	vld [tilespmem:s8+$0x70];
	s2 =	sadd.f32 $9.999999740e-06, s2  }
0xde: {  	v60 =	vadd.f32 v49, v60;
	v55 =	vadd.f32 v57, v55;
	v59 =	vld [tilespmem:s8+$0xFFFFFFF0];
	v57 =	vmul.f32 v50, v50  }
0xdf: {  	v63 =	vadd.f32 v20, v63;
	v54 =	vadd.f32 v58, v54;
	v58 =	vmul.f32 v20, v20;
	s7 =	sshrl.u32 s2, $0x1;
	s15 =	smul.f32 $5.000000000e-01, s2  }
0xe0: {  	v60 =	vadd.f32 v39, v60;
	v55 =	vadd.f32 v62, v55;
	v62 =	vmul.f32 s19, v25;
	v25 =	vmovc v16;
	s2 =	ssub.s32 $0x5F3759DF, s7  }
0xe1: {  	s12 =	smul.f32 s2, s15;
	s7 =	spop (v2sf)  }
0xe2: {  	v63 =	vadd.f32 v51, v63;
	v54 =	vadd.f32 v58, v54;
	v58 =	vmul.f32 v51, v51;
	v16 =	vmovc v51;
	s3 =	smul.f32 s7, s7  }
0xe3: {  	v51 =	vadd.f32 v50, v60;
	v55 =	vadd.f32 v61, v55;
	v60 =	vmul.f32 v40, v40;
	s12 =	smul.f32 s2, s12  }
0xe4: {  	v61 =	vadd.f32 v59, v63;
	v54 =	vadd.f32 v58, v54;
	v58 =	vmul.f32 v59, v59;
	s3 =	smul.f32 s26, s3  }
0xe5: {  	v51 =	vadd.f32 v40, v51;
	v55 =	vadd.f32 v57, v55;
	v57 =	vmul.f32 $1.999999960e-02, v56;
	s12 =	ssub.f32 $1.500000000e+00, s12  }
0xe6: {  	vm0 =	vge.f32 v56, $0.0e+00;
	v54 =	vadd.f32 v58, v54;
	(xrf2) =	vadd.scan.msk.f32 $0xffff, v61;
	v58 =	vadd.f32 s18, v62;
	s3 =	sadd.f32 $9.999999740e-06, s3  }
0xe7: {  	v51 =	vadd.f32 v41, v51;
	v55 =	vadd.f32 v60, v55;
	v56 =	vsel vm0, v56, v57;
	s2 =	smul.f32 s2, s12  }
0xe8: {  	v52 =	vadd.f32 s18, v52;
	vm0 =	vge.f32 v58, $0.0e+00;
	v57 =	vmul.f32 $1.999999960e-02, v58;
	s12 =	sshrl.u32 s3, $0x1;
	s26 =	smul.f32 $5.000000000e-01, s3  }
0xe9: {  	v53 =	vadd.f32 s18, v53;
	v60 =	vmul.f32 v41, v41;
	(xrf2) =	vadd.scan.msk.f32 $0xffff, v51;
	v51 =	vmul.f32 s19, v7;
	v7 =	vmovc v1;
	s3 =	ssub.s32 $0x5F3759DF, s12;
	s12 =	smul.f32 s2, s15  }
0xea: {  	vm1 =	vge.f32 v52, $0.0e+00;
	v61 =	vmul.f32 $1.999999960e-02, v52;
	v1 =	vmovc v47;
	v57 =	vsel vm0, v58, v57;
	s24 =	smul.f32 s3, s26  }
0xeb: {  	v47 =	vadd.f32 v60, v55;
	v55 =	vmul.f32 $1.999999960e-02, v53;
	v27 =	vadd.f32 v57, v27;
	s12 =	smul.f32 s12, s2  }
0xec: {  	v52 =	vsel vm1, v52, v61;
	vm0 =	vge.f32 v53, $0.0e+00;
	(xrf2) =	vadd.scan.msk.f32 $0xffff, v54;
	v54 =	vmul.f32 s19, v18;
	v18 =	vmovc v15;
	s19 =	smul.f32 s3, s24  }
0xed: {  	v29 =	vadd.f32 v52, v29;
	v52 =	vsel vm0, v53, v55;
	v15 =	vmovc v59;
	v27 =	vadd.f32 v46, v27;
	s12 =	ssub.f32 $1.500000000e+00, s12  }
0xee: {  	v53 =	vmul.f32 s16, v8;
	v8 =	vmovc v3;
	v3 =	vmovc v49;
	v46 =	vadd.f32 s18, v54;
	v54 =	vmul.f32 $1.999999960e-02, v45;
	s19 =	ssub.f32 $1.500000000e+00, s19  }
0xef: {  	v49 =	vmul.f32 s16, v6;
	v29 =	vadd.f32 v43, v29;
	vm0 =	vge.f32 v45, $0.0e+00;
	v6 =	vmovc v0;
	v0 =	vmovc v42;
	s2 =	smul.f32 s12, s2  }
0xf0: {  	v42, _, _ =	vpop (xrf2);
	(xrf2) =	vadd.scan.msk.f32 $0xffff, v47;
	vm1 =	vge.f32 v46, $0.0e+00;
	v43 =	vmul.f32 $1.999999960e-02, v46;
	v45 =	vsel vm0, v45, v54;
	s3 =	smul.f32 s3, s19  }
0xf1: {  	(v2sf) =	vpush v42, $0xF;
	v42 =	vmul.f32 s16, v9;
	v9 =	vmovc v5;
	v5 =	vmov v50;
	s12 =	smul.f32 s2, s15  }
0xf2: {  	v47 =	vadd.f32 s18, v51;
	v43 =	vsel vm1, v46, v43;
	s15 =	smul.f32 s3, s26  }
0xf3: {  	v46, _, _ =	vpop (xrf2);
	v32 =	vadd.f32 v43, v32;
	s12 =	smul.f32 s12, s2  }
0xf4: {  	vm0 =	vge.f32 v47, $0.0e+00;
	v43 =	vmul.f32 $1.999999960e-02, v47;
	(v2sf) =	vpush v46, $0xF;
	s15 =	smul.f32 s15, s3  }
0xf5: {  	v35 =	vadd.f32 s17, v35;
	v46 =	vld [tilespmem:s9+$0x0];
	v32 =	vadd.f32 v45, v32;
	s12 =	ssub.f32 $1.500000000e+00, s12  }
0xf6: {  	v36 =	vadd.f32 v56, v36;
	v47 =	vsel vm0, v47, v43;
	v43 =	vadd.f32 s17, v42;
	v45, _, _ =	vpop (xrf2);
	s15 =	ssub.f32 $1.500000000e+00, s15  }
0xf7: {  	v38 =	vadd.f32 v52, v38;
	v42 =	vmul.f32 $1.999999960e-02, v35;
	(v2sf) =	vpush v45, $0xF;
	s2 =	smul.f32 s12, s2  }
0xf8: {  	v34 =	vadd.f32 v44, v34;
	v31 =	vadd.f32 v48, v31;
	vm0 =	vge.f32 v35, $0.0e+00;
	s18 =	smul.f32 s15, s3  }
0xf9: {  	v44 =	vadd.f32 s17, v53;
	v45 =	vsel vm0, v35, v42;
	v42 =	vadd.f32 s17, v33;
	s16 =	smul.f32 s2, s14  }
0xfa: {  	v33, _, _ =	vpop (xrf2);
	(v2sf) =	vpush v46, $0x0;
	v46 =	vadd.f32 s17, v49;
	s2 =	smul.f32 s18, s26  }
.Ltmp2:
0xfb: {  	vm1 =	vge.f32 v44, $0.0e+00;
	v48 =	vmul.f32 $1.999999960e-02, v42;
	(v2sf) =	vpush v33, $0xF;
	(pc) =	sbr.rel @p0 .LBB2_3-.Ltmp2, $4  }
0xfc: {  	s3 =	ssub.f32 $0.0e+00, s13;
	vm2 =	vge.f32 v42, $0.0e+00;
	v35 =	vmul.f32 s16, v2;
	vm0 =	vge.f32 v46, $0.0e+00;
	v2 =	vmovc v37  }
0xfd: {  	s8 =	sadd.s32 $0x100, s8;
	s9 =	sadd.s32 $0x2, s9;
	v49 =	vmul.f32 $1.999999960e-02, v44;
	v33 =	vmul.f32 s16, v4;
	v37 =	vsel vm2, v42, v48;
	v4 =	vmovc v30;
	s2 =	smul.f32 s2, s18  }
0xfe: {  	s12 =	sadd.s32 s11, s31;
	s11 =	sand.u32 $0x6, s11;
	s17 =	smul.f32 s16, s3;
	v30 =	vmul.f32 s16, v24;
	v48 =	vmul.f32 $1.999999960e-02, v46;
	v24 =	vmovc v39;
	v34 =	vadd.f32 v37, v34  }
0xff: {  	s15 =	sand.u32 $0x7FF8, s12;
	s14 =	smov.u32 s10;
	v42 =	vmul.f32 s16, v26;
	v39 =	vmul.f32 s16, v28;
	v26 =	vmovc v40;
	v28 =	vmovc v41;
	v37 =	vsel vm1, v44, v49;
	s13 =	ssub.f32 $1.500000000e+00, s2  }
0x100: {  	s2 =	sor.u32 s11, s15  }
0x101: {  	v40 =	vld [tilespmem:s2+$0x4E20];
	_ =	sdelay $0x4  }
0x102: {  	(v2sf) =	vpush v40, $0x0;
	_ =	sdelay $0x9  }
0x103: {  	s15 =	spop (v2sf)  }
0x104: {  	s11 =	spop (v2sf)  }
0x105: {  	s14 =	spop (v2sf)  }
0x106: {  	s9 =	spop (v2sf)  }
0x107: {  	p0 =	seq.s32 s1, $0x18;
	s19 =	spop (v2sf)  }
0x108: {  	s3 =	simm.s32 @p0 $0x3;
	s8 =	spop (v2sf)  }
0x109: {  	_ =	swait.ge @p0 [sflag:s3], $0x6400  }
0x10a: {  	[sflag:s3] =	ssyncset.done @p0 $0x0  }
0x10b: {  	[sflag:s3] =	ssyncadd.s32 @p0 $0xFFFF9C00;
	s3 =	simm.s32 @p0 $0x4  }
0x10c: {  	_ =	swait.ge @p0 [sflag:s3], $0x6400  }
0x10d: {  	s12 =	sadd.s32 @!p0 $0x190, s0;
	s10 =	rddreg [dreg:$0x2]  }
0x10e: {  	s10 =	sadd.s32 @!p0 s10, s12  }
0x10f: {  	[sflag:s3] =	ssyncset.done @p0 $0x0;
	s10 =	sshll.u32 @!p0 s10, $0x4  }
0x110: {  	[sflag:s3] =	ssyncadd.s32 @p0 $0xFFFF9C00;
	s3 =	sand.u32 @!p0 $0x1FFFFF00, s10  }
0x111: {  	s24 =	simm.s32 @!p0 $0x7540;
	s10 =	simm.s32 @!p0 $0x0;
	s3 =	sadd.s32 @!p0 s4, s3  }
0x112: {  	[tilespmem:s24], [sflag:$0x5] =	stream.linear.gather @!p0 [hbm4b:s3+s10], $0x6400, $0x38;
	[tilespmem:$0x13DC0] =	vst v63  }
0x113: {  	s3 =	simm.s32 @!p0 $0x3  }
0x114: {  	_ =	swait.ge @!p0 [sflag:s3], $0x6400  }
0x115: {  	[sflag:s3] =	ssyncset.done @!p0 $0x0  }
0x116: {  	v30 =	vadd.f32 s17, v30;
	v62 =	vsel vm0, v46, v48;
	v41 =	vmul.f32 $1.999999960e-02, v43;
	[sflag:s3] =	ssyncadd.s32 @!p0 $0xFFFF9C00;
	s3 =	simm.s32 @!p0 $0x4  }
0x117: {  	v12 =	vadd.f32 v47, v12;
	vm9 =	vge.f32 v43, $0.0e+00;
	v44 =	vadd.f32 v37, v36;
	_ =	swait.ge @!p0 [sflag:s3], $0x6400  }
0x118: {  	v8 =	vmul.f32 s16, v8;
	v6 =	vmul.f32 s16, v6;
	v33 =	vadd.f32 s17, v33;
	s18 =	smul.f32 s13, s18;
	[sflag:s3] =	ssyncset.done @!p0 $0x0  }
0x119: {  	v9 =	vmul.f32 s16, v9;
	v63 =	vadd.f32 s17, v42;
	v42 =	vadd.f32 v62, v31;
	s11 =	smul.f32 $7.812500000e-03, s11;
	[sflag:s3] =	ssyncadd.s32 @!p0 $0xFFFF9C00;
	s3 =	simm.s32 @!p0 $0x5  }
0x11a: {  	s25 =	ssub.f32 $0.0e+00, s25;
	v48 =	vadd.f32 s17, v39;
	vm1 =	vge.f32 v30, $0.0e+00;
	v52 =	vmul.f32 $1.999999960e-02, v30;
	s13 =	smul.f32 s18, s7;
	_ =	swait.ge @!p0 [sflag:s3], $0x6400  }
0x11b: {  	v53 =	vsel vm9, v43, v41;
	v41 =	vadd.f32 v45, v12;
	v9 =	vadd.f32 s17, v9;
	s26 =	smul.f32 s11, s11;
	[sflag:s3] =	ssyncset.done @!p0 $0x0  }
0x11c: {  	s2 =	simm.s32 @!p0 $0xC8;
	v31 =	vmul.f32 $1.999999960e-02, v63;
	vm10 =	vge.f32 v63, $0.0e+00;
	v22 =	vmul.f32 s13, v22;
	s10 =	smul.f32 s13, s25;
	[sflag:s3] =	ssyncadd.s32 @!p0 $0xFFFF9C00  }
0x11d: {  	v46 =	vadd.f32 v53, v38;
	v12 =	vmul.f32 s13, v19;
	v19 =	vmul.f32 s13, v21;
	[tilespmem:s24], [sflag:$0x1] =	stream.indirect.gather.add.f32 @!p0 [hbm:s5], $0x80, s12, s2, $0xb8;
	[tilespmem:$0x13DC0] =	vst v63  }
0x11e: {  	s7 =	sadd.s32 @!p0 $0x28A0, s0;
	s18 =	simm.s32 $0x0;
	v21 =	vadd.f32 s10, v22;
	v22 =	vmul.f32 s13, v23;
	v23 =	vmul.f32 s13, v25;
	s12 =	smul.f32 $7.812500000e-03, s19  }
0x11f: {  	vm5 =	vge.f32 v48, $0.0e+00;
	v30 =	vsel vm1, v30, v52;
	v17 =	vmul.f32 s13, v17;
	[tilespmem:s24], [sflag:$0x2] =	stream.indirect.gather.add.f32 @!p0 [hbm:s6], $0x80, s7, s2, $0xb8;
	[tilespmem:$0x13DC0] =	vst v63  }
0x120: {  	v31 =	vsel vm10, v63, v31;
	v25 =	vmul.f32 $1.999999960e-02, v21;
	v23 =	vadd.f32 s10, v23;
	s19 =	smul.f32 s9, s9;
	s2 =	ssub.f32 s12, s26;
	v37 =	vld [tilespmem:s18+$0xD9D0]  }
0x121: {  	s25 =	smul.f32 $7.812500000e-03, s14;
	v17 =	vadd.f32 s10, v17;
	v55 =	vadd.f32 s10, v12;
	vm11 =	vge.f32 v21, $0.0e+00;
	v60 =	vld [tilespmem:s18+$0xD950]  }
0x122: {  	v45 =	vsel vm11, v21, v25;
	v21 =	vadd.f32 s10, v19;
	v25 =	vmul.f32 $1.999999960e-02, v23;
	v19 =	vld [tilespmem:s18+$0xD940];
	s2 =	smul.f32 s2, s19  }
0x123: {  	v54 =	vmul.f32 $1.999999960e-02, v17;
	v22 =	vadd.f32 s10, v22;
	vm14 =	vge.f32 v23, $0.0e+00;
	s7 =	smul.f32 $7.812500000e-03, s15;
	v38 =	vld [tilespmem:s18+$0xD9C0]  }
0x124: {  	vm12 =	vge.f32 v17, $0.0e+00;
	v56 =	vmul.f32 $1.999999960e-02, v21;
	v23 =	vsel vm14, v23, v25;
	v61 =	vld [tilespmem:s18+$0xD960];
	s2 =	sadd.f32 $9.999999740e-06, s2  }
0x125: {  	vm15 =	vge.f32 v21, $0.0e+00;
	v25 =	vmul.f32 $1.999999960e-02, v22;
	v23 =	vadd.f32 v23, v27;
	v39 =	vld [tilespmem:s18+$0xD9E0];
	s24 =	smul.f32 s7, s7  }
0x126: {  	vm13 =	vge.f32 v55, $0.0e+00;
	vm4 =	vge.f32 v22, $0.0e+00;
	v21 =	vsel vm15, v21, v56;
	v62 =	vld [tilespmem:s18+$0xD970];
	s26 =	sshrl.u32 s2, $0x1;
	s14 =	smul.f32 $5.000000000e-01, s2  }
0x127: {  	v50 =	vsel vm4, v22, v25;
	v29 =	vadd.f32 v21, v29;
	v36 =	vadd.f32 v31, v23;
	v21 =	vld [tilespmem:s18+$0xD9F0];
	s12 =	ssub.f32 s25, s24;
	s24 =	smul.f32 s8, s8;
	s19 =	ssub.s32 $0x5F3759DF, s26  }
0x128: {  	v12 =	vld [tilespmem:s18+$0xD980];
	v22 =	vadd.f32 v60, v19;
	v31 =	vmul.f32 v37, v37;
	v57 =	vmul.f32 v38, v38;
	s15 =	smul.f32 s19, s14  }
0x129: {  	v47 =	vsel vm12, v17, v54;
	v17 =	vmul.f32 $1.999999960e-02, v55;
	v40 =	vld [tilespmem:s18+$0xDA00];
	v23 =	vadd.f32 v37, v38;
	s2 =	smul.f32 s12, s24  }
0x12a: {  	v25 =	vld [tilespmem:s18+$0xD990];
	v53 =	vmul.f32 v39, v39;
	v22 =	vadd.f32 v61, v22;
	v31 =	vadd.f32 v31, v57;
	s25 =	smul.f32 s19, s15  }
0x12b: {  	v27 =	vmul.f32 s13, v18;
	v43 =	vadd.f32 v30, v29;
	v18 =	vld [tilespmem:s18+$0xDA10];
	v54 =	vadd.f32 v39, v23;
	s2 =	sadd.f32 $9.999999740e-06, s2  }
0x12c: {  	v63 =	vld [tilespmem:s18+$0xD9A0];
	v30 =	vmul.f32 v21, v21;
	v22 =	vadd.f32 v62, v22;
	v53 =	vadd.f32 v53, v31;
	s12 =	ssub.f32 $1.500000000e+00, s25  }
0x12d: {  	v49 =	vsel vm13, v55, v17;
	v51 =	vadd.f32 s10, v27;
	v27 =	vld [tilespmem:s18+$0xDA20];
	v54 =	vadd.f32 v21, v54;
	s26 =	sshrl.u32 s2, $0x1;
	s15 =	smul.f32 $5.000000000e-01, s2  }
0x12e: {  	v17 =	vld [tilespmem:s18+$0xD9B0];
	v57 =	vmul.f32 v40, v40;
	v56 =	vadd.f32 v12, v22;
	v53 =	vadd.f32 v30, v53;
	s2 =	smul.f32 s19, s12;
	s19 =	ssub.s32 $0x5F3759DF, s26  }
0x12f: {  	v58 =	vmul.f32 v60, v60;
	v59 =	vmul.f32 v19, v19;
	v23 =	vld [tilespmem:s18+$0xDA30];
	v54 =	vadd.f32 v40, v54;
	s24 =	smul.f32 s19, s15  }
0x130: {  	v56 =	vadd.f32 v25, v56;
	v53 =	vadd.f32 v57, v53;
	v57 =	vmul.f32 v18, v18  }
0x131: {  	v58 =	vadd.f32 v58, v59;
	v59 =	vmul.f32 v61, v61;
	v54 =	vadd.f32 v18, v54;
	s12 =	smul.f32 s19, s24  }
0x132: {  	s25 =	smul.f32 s2, s14;
	v56 =	vadd.f32 v63, v56;
	v53 =	vadd.f32 v57, v53;
	v57 =	vmul.f32 v27, v27  }
0x133: {  	v58 =	vadd.f32 v59, v58;
	v59 =	vmul.f32 v62, v62;
	v54 =	vadd.f32 v27, v54;
	s12 =	ssub.f32 $1.500000000e+00, s12  }
0x134: {  	s18 =	smul.f32 s25, s2;
	v56 =	vadd.f32 v17, v56;
	v53 =	vadd.f32 v57, v53;
	v57 =	vmul.f32 v23, v23  }
0x135: {  	v52 =	vmul.f32 $1.999999960e-02, v48;
	v7 =	vmul.f32 s13, v7;
	v54 =	vadd.f32 v23, v54;
	s3 =	smul.f32 s19, s12  }
0x136: {  	v58 =	vadd.f32 v59, v58;
	v59 =	vmul.f32 v12, v12;
	(xrf2) =	vadd.scan.msk.f32 $0xffff, v56;
	s26 =	ssub.f32 $1.500000000e+00, s18;
	v53 =	vadd.f32 v57, v53  }
0x137: {  	v8 =	vadd.f32 s17, v8;
	v6 =	vadd.f32 s17, v6;
	v48 =	vsel vm5, v48, v52;
	(xrf2) =	vadd.scan.msk.f32 $0xffff, v54;
	s12 =	smul.f32 s3, s15  }
0x138: {  	v7 =	vadd.f32 s10, v7;
	v52 =	vadd.f32 v59, v58;
	v57 =	vmul.f32 v25, v25;
	s2 =	smul.f32 s26, s2;
	(xrf2) =	vadd.scan.msk.f32 $0xffff, v53  }
0x139: {  	vm9 =	vge.f32 v8, $0.0e+00;
	vm2 =	vge.f32 v6, $0.0e+00;
	vm10 =	vge.f32 v33, $0.0e+00;
	s10 =	smul.f32 s12, s3  }
0x13a: {  	vm7 =	vge.f32 v7, $0.0e+00;
	v59 =	vmul.f32 v63, v63;
	v52 =	vadd.f32 v57, v52;
	s13 =	smul.f32 s2, s14  }
0x13b: {  	v46 =	vadd.f32 v50, v46;
	v50 =	vmul.f32 $1.999999960e-02, v33;
	v55 =	vmul.f32 $1.999999960e-02, v51;
	s10 =	ssub.f32 $1.500000000e+00, s10  }
0x13c: {  	vm6 =	vge.f32 v51, $0.0e+00;
	v56 =	vmul.f32 v17, v17;
	v57 =	vadd.f32 v59, v52;
	s12 =	smul.f32 s13, s2  }
0x13d: {  	v47 =	vadd.f32 v47, v42;
	v34 =	vadd.f32 v45, v34;
	v51 =	vsel vm6, v51, v55;
	s3 =	smul.f32 s10, s3  }
0x13e: {  	v33 =	vsel vm10, v33, v50;
	v32 =	vadd.f32 v51, v32;
	v59 =	vadd.f32 v56, v57;
	s12 =	ssub.f32 $1.500000000e+00, s12  }
0x13f: {  	v42 =	vadd.f32 v33, v34;
	v58 =	vmul.f32 $1.999999960e-02, v7;
	v53 =	vadd.f32 s17, v35;
	s14 =	smul.f32 s3, s15  }
0x140: {  	vm11 =	vge.f32 v9, $0.0e+00;
	v35 =	vadd.f32 v48, v32;
	v32 =	vadd.f32 v49, v44;
	(xrf2) =	vadd.scan.msk.f32 $0xffff, v59;
	s2 =	smul.f32 s12, s2;
	v49, _, _ =	vpop (xrf2)  }
0x141: {  	v7 =	vsel vm7, v7, v58;
	v58 =	vmul.f32 $1.999999960e-02, v53;
	v52 =	vld [tilespmem:s29+$0x0];
	(v2sf) =	vpush v49, $0xF;
	v51, _, _ =	vpop (xrf2);
	s16 =	smul.f32 s14, s3  }
0x142: {  	v54 =	vmul.f32 $1.999999960e-02, v6;
	vm8 =	vge.f32 v53, $0.0e+00;
	s15 =	ssub.f32 $0.0e+00, s11;
	s10 =	smul.f32 s2, s9;
	(v2sf) =	vpush v51, $0xF;
	v55, _, _ =	vpop (xrf2)  }
0x143: {  	v48 =	vsel vm8, v53, v58;
	v53 =	vmul.f32 $1.999999960e-02, v8;
	(v2sf) =	vpush v55, $0xF;
	s17 =	ssub.f32 $1.500000000e+00, s16  }
0x144: {  	v7 =	vadd.f32 v7, v41;
	v6 =	vsel vm2, v6, v54;
	s9 =	smul.f32 s10, s15;
	v26 =	vmul.f32 s10, v26  }
0x145: {  	s18 =	simm.s32 $0x0;
	s19 =	sadd.s32 $0x0, s30;
	v44 =	vadd.f32 v6, v47;
	v56 =	vmul.f32 $1.999999960e-02, v9;
	v8 =	vsel vm9, v8, v53;
	s2 =	smul.f32 s17, s3  }
0x146: {  	s24 =	sand.u32 $0xFFF8, s19;
	s11 =	sand.u32 $0x6, s18;
	v24 =	vmul.f32 s10, v24;
	(v2sf) =	vpush v52, $0x0;
	v26 =	vadd.f32 s9, v26  }
0x147: {  	s25 =	ssub.f32 $0.0e+00, s7;
	v41 =	vadd.f32 v48, v7;
	v59 =	vadd.f32 v8, v32;
	v8 =	vsel vm11, v9, v56;
	s3 =	sor.u32 s11, s24;
	s14 =	smul.f32 s2, s8  }
0x148: {  	v45 =	vadd.f32 v8, v46;
	v24 =	vadd.f32 s9, v24;
	v6 =	vmul.f32 $1.999999960e-02, v26;
	v58 =	vld [tilespmem:s3+$0x4E20]  }
0x149: {  	v28 =	vmul.f32 s10, v28;
	vm13 =	vge.f32 v26, $0.0e+00;
	s13 =	smul.f32 s14, s25;
	v8 =	vmul.f32 s14, v14  }
0x14a: {  	v57 =	vmul.f32 $1.999999960e-02, v24;
	v9, _, _ =	vpop (xrf2);
	v26 =	vsel vm13, v26, v6;
	v6 =	vmul.f32 s14, v10  }
0x14b: {  	vm12 =	vge.f32 v24, $0.0e+00;
	(v2sf) =	vpush v9, $0xF;
	v8 =	vadd.f32 s13, v8  }
0x14c: {  	v7 =	vmul.f32 s14, v11;
	v9 =	vmul.f32 s14, v13;
	v6 =	vadd.f32 s13, v6  }
0x14d: {  	v14 =	vmul.f32 s14, v16;
	(v2sf) =	vpush v58, $0x0;
	v11 =	vmul.f32 $1.999999960e-02, v8  }
0x14e: {  	v7 =	vadd.f32 s13, v7;
	vm14 =	vge.f32 v8, $0.0e+00;
	v13 =	vmul.f32 $1.999999960e-02, v6  }
0x14f: {  	v10 =	vmul.f32 s14, v20;
	vm15 =	vge.f32 v6, $0.0e+00;
	v46 =	vsel vm14, v8, v11  }
0x150: {  	s26 =	spop (v2sf);
	v47 =	vsel vm15, v6, v13;
	v6 =	vmul.f32 $1.999999960e-02, v7;
	v11 =	vadd.f32 s13, v14  }
0x151: {  	s15 =	simm.s32 $0x100;
	v9 =	vadd.f32 s13, v9;
	vm4 =	vge.f32 v7, $0.0e+00;
	s11 =	spop (v2sf);
	v13 =	vmul.f32 s14, v15  }
0x152: {  	v33 =	vld [tilespmem:s15+$0xD9D0];
	v48 =	vadd.f32 s13, v10;
	s8 =	smul.f32 $7.812500000e-03, s11;
	s12 =	spop (v2sf);
	v20 =	vsel vm4, v7, v6;
	v7 =	vmul.f32 $1.999999960e-02, v11  }
0x153: {  	v10 =	vmul.f32 $1.999999960e-02, v9;
	v14 =	vld [tilespmem:s15+$0xD940];
	vm5 =	vge.f32 v11, $0.0e+00;
	v13 =	vadd.f32 s13, v13;
	s7 =	smul.f32 $7.812500000e-03, s12  }
0x154: {  	v16 =	vadd.f32 s9, v28;
	vm6 =	vge.f32 v9, $0.0e+00;
	v6 =	vld [tilespmem:s15+$0xD950];
	s3 =	smul.f32 s8, s8;
	v7 =	vsel vm5, v11, v7  }
0x155: {  	v32 =	vld [tilespmem:s15+$0xD9C0];
	s11 =	spop (v2sf);
	v11 =	vadd.f32 v7, v36;
	v7 =	vsel vm6, v9, v10;
	v9 =	vmul.f32 $1.999999960e-02, v13  }
0x156: {  	v24 =	vsel vm12, v24, v57;
	s16 =	smul.f32 s11, s11;
	vm8 =	vge.f32 v13, $0.0e+00;
	s3 =	ssub.f32 s7, s3;
	v10 =	vadd.f32 v7, v43;
	v7 =	vld [tilespmem:s15+$0xD960]  }
0x157: {  	s17 =	smul.f32 $7.812500000e-03, s26;
	v34 =	vadd.f32 v26, v11;
	v11 =	vmul.f32 $1.999999960e-02, v16;
	v13 =	vsel vm8, v13, v9;
	v9 =	vld [tilespmem:s15+$0xD9E0]  }
0x158: {  	vm9 =	vge.f32 v16, $0.0e+00;
	v15 =	vld [tilespmem:s15+$0xD970];
	s18 =	smul.f32 s3, s16;
	v26 =	vadd.f32 v24, v10;
	v10 =	vadd.f32 v13, v35  }
0x159: {  	v8 =	vld [tilespmem:s15+$0xD980];
	s19 =	smul.f32 s17, s17;
	v28 =	vmul.f32 v14, v14;
	v24 =	vmul.f32 v6, v6;
	v13 =	vsel vm9, v16, v11  }
0x15a: {  	v57 =	vmul.f32 v32, v32;
	v56 =	vadd.f32 v33, v32;
	s24 =	spop (v2sf);
	v11 =	vld [tilespmem:s15+$0xD9F0];
	s2 =	sadd.f32 $9.999999740e-06, s18;
	v55 =	vadd.f32 v13, v10  }
0x15b: {  	s25 =	smul.f32 $7.812500000e-03, s24;
	v13 =	vmul.f32 v33, v33;
	v24 =	vadd.f32 v24, v28;
	v58 =	vmul.f32 v7, v7  }
0x15c: {  	v43 =	vadd.f32 v20, v59;
	v20 =	vld [tilespmem:s15+$0xD990];
	v59 =	vadd.f32 v6, v14;
	s7 =	spop (v2sf);
	s26 =	sshrl.u32 s2, $0x1;
	s16 =	smul.f32 $5.000000000e-01, s2;
	v49 =	vmul.f32 v9, v9  }
0x15d: {  	v10 =	vld [tilespmem:s15+$0xDA00];
	s12 =	ssub.f32 s25, s19;
	v13 =	vadd.f32 v13, v57;
	s19 =	smul.f32 s7, s7;
	s24 =	ssub.s32 $0x5F3759DF, s26;
	v57 =	vmul.f32 v15, v15;
	v24 =	vadd.f32 v58, v24  }
0x15e: {  	v51 =	vadd.f32 v7, v59;
	v59 =	vmul.f32 v8, v8;
	v53 =	vadd.f32 v9, v56;
	s18 =	smul.f32 s24, s16  }
0x15f: {  	v58 =	vmul.f32 v11, v11;
	v49 =	vadd.f32 v49, v13;
	s2 =	smul.f32 s12, s19;
	v24 =	vadd.f32 v57, v24  }
0x160: {  	v2 =	vmul.f32 s10, v2;
	v28 =	vld [tilespmem:s15+$0xDA10];
	v51 =	vadd.f32 v15, v51;
	v53 =	vadd.f32 v11, v53;
	s25 =	smul.f32 s24, s18  }
0x161: {  	v13 =	vld [tilespmem:s15+$0xD9A0];
	v36 =	vadd.f32 v58, v49;
	s2 =	sadd.f32 $9.999999740e-06, s2;
	v58 =	vmul.f32 v20, v20;
	v24 =	vadd.f32 v59, v24  }
0x162: {  	v4 =	vmul.f32 s10, v4;
	v35 =	vld [tilespmem:s15+$0xDA20];
	v57 =	vmul.f32 v10, v10;
	v51 =	vadd.f32 v8, v51;
	s3 =	ssub.f32 $1.500000000e+00, s25  }
0x163: {  	v50 =	vmul.f32 $1.999999960e-02, v48;
	v56 =	vadd.f32 v10, v53;
	s26 =	sshrl.u32 s2, $0x1;
	s18 =	smul.f32 $5.000000000e-01, s2;
	v49 =	vadd.f32 v58, v24;
	v24 =	vld [tilespmem:s15+$0xD9B0]  }
0x164: {  	vm7 =	vge.f32 v48, $0.0e+00;
	v51 =	vadd.f32 v20, v51;
	v52 =	vadd.f32 v57, v36;
	v36 =	vld [tilespmem:s15+$0xDA30];
	s2 =	ssub.s32 $0x5F3759DF, s26;
	s3 =	smul.f32 s24, s3  }
0x165: {  	v48 =	vsel vm7, v48, v50;
	v59 =	vmul.f32 v28, v28;
	v50 =	vadd.f32 v28, v56;
	s19 =	smul.f32 s2, s18  }
0x166: {  	v3 =	vmul.f32 s10, v3;
	v0 =	vmul.f32 s10, v0;
	v51 =	vadd.f32 v13, v51;
	s24 =	smul.f32 s3, s16  }
0x167: {  	v58 =	vmul.f32 v35, v35;
	v52 =	vadd.f32 v59, v52;
	v50 =	vadd.f32 v35, v50;
	s12 =	smul.f32 s2, s19  }
0x168: {  	v1 =	vmul.f32 s14, v1;
	v57 =	vmul.f32 v13, v13;
	s25 =	smul.f32 s24, s3;
	v51 =	vadd.f32 v24, v51  }
0x169: {  	v52 =	vadd.f32 v58, v52;
	v59 =	vmul.f32 v36, v36;
	v50 =	vadd.f32 v36, v50;
	s12 =	ssub.f32 $1.500000000e+00, s12  }
0x16a: {  	v5 =	vmul.f32 s10, v5;
	v4 =	vadd.f32 s9, v4;
	v1 =	vadd.f32 s13, v1;
	s26 =	ssub.f32 $1.500000000e+00, s25;
	(xrf2) =	vadd.scan.msk.f32 $0xffff, v51  }
0x16b: {  	v49 =	vadd.f32 v57, v49;
	v57 =	vmul.f32 v24, v24;
	v56 =	vadd.f32 v59, v52;
	s2 =	smul.f32 s2, s12;
	(xrf2) =	vadd.scan.msk.f32 $0xffff, v50  }
0x16c: {  	v5 =	vadd.f32 s9, v5;
	v0 =	vadd.f32 s9, v0;
	vm13 =	vge.f32 v4, $0.0e+00;
	s3 =	smul.f32 s26, s3  }
0x16d: {  	vm10 =	vge.f32 v1, $0.0e+00;
	v53 =	vadd.f32 s9, v2;
	v2 =	vadd.f32 v57, v49;
	(xrf2) =	vadd.scan.msk.f32 $0xffff, v56;
	s12 =	smul.f32 s2, s18  }
0x16e: {  	vm14 =	vge.f32 v0, $0.0e+00;
	vm15 =	vge.f32 v5, $0.0e+00;
	v45 =	vadd.f32 v48, v45;
	s13 =	smul.f32 s3, s16  }
0x16f: {  	v44 =	vadd.f32 v47, v44;
	v42 =	vadd.f32 v46, v42;
	(xrf2) =	vadd.scan.msk.f32 $0xffff, v2;
	v2 =	vmul.f32 $1.999999960e-02, v4;
	s10 =	smul.f32 s12, s2  }
0x170: {  	v47 =	vmul.f32 $1.999999960e-02, v53;
	v58 =	vmul.f32 $1.999999960e-02, v1;
	v59 =	vadd.f32 s9, v3;
	s14 =	smul.f32 s13, s3  }
0x171: {  	vm11 =	vge.f32 v53, $0.0e+00;
	v2 =	vsel vm13, v4, v2;
	v4 =	vmul.f32 $1.999999960e-02, v0;
	s10 =	ssub.f32 $1.500000000e+00, s10  }
0x172: {  	v1 =	vsel vm10, v1, v58;
	vm12 =	vge.f32 v59, $0.0e+00;
	v56 =	vmul.f32 $1.999999960e-02, v5;
	s9 =	ssub.f32 $1.500000000e+00, s14  }
0x173: {  	v52 =	vmul.f32 $1.999999960e-02, v59;
	s16 =	sadd.s32 $0x2, s29;
	v3 =	vadd.f32 v2, v42;
	v0 =	vsel vm14, v0, v4;
	s14 =	smul.f32 s10, s2  }
0x174: {  	v57 =	vld [tilespmem:s16+$0x0];
	v2 =	vadd.f32 v0, v44;
	v0 =	vsel vm15, v5, v56;
	v5 =	vsel vm11, v53, v47;
	s15 =	smul.f32 s9, s3;
	v58, _, _ =	vpop (xrf2)  }
0x175: {  	v1 =	vadd.f32 v1, v41;
	v54 =	vsel vm12, v59, v52;
	s18 =	smul.f32 s14, s18;
	(v2sf) =	vpush v58, $0xF;
	v59, _, _ =	vpop (xrf2)  }
0x176: {  	s19 =	sadd.s32 $0x2, s30;
	s25 =	simm.s32 $0x2;
	v4 =	vadd.f32 v54, v43;
	s11 =	smul.f32 s15, s11;
	(v2sf) =	vpush v59, $0xF  }
0x177: {  	[tilespmem:$0x1FFD0] =	vst v12;
	s24 =	sand.u32 $0xFFF8, s19;
	s26 =	sand.u32 $0x6, s25;
	v0 =	vadd.f32 v0, v45;
	v1 =	vadd.f32 v5, v1;
	v5, _, _ =	vpop (xrf2);
	s3 =	smul.f32 s18, s14  }
0x178: {  	[tilespmem:$0x1FFE0] =	vst v17;
	s2 =	sor.u32 s26, s24;
	s9 =	ssub.f32 $0.0e+00, s8;
	(v2sf) =	vpush v5, $0xF;
	v43 =	vmul.f32 s11, v37;
	v44 =	vmul.f32 s11, v40  }
0x179: {  	[tilespmem:$0x1FFF0] =	vst v8;
	s8 =	simm.s32 $0x800;
	v45 =	vld [tilespmem:s2+$0x4E20];
	v46, _, _ =	vpop (xrf2);
	v41 =	vmul.f32 s11, v38;
	v42 =	vmul.f32 s11, v39;
	(v2sf) =	vpush v57, $0x0;
	s10 =	ssub.f32 $1.500000000e+00, s3  }
.LBB2_5:
0x17a: {  	_ =	sdelay $0x3  }
0x17b: {  	v5 =	vmov v28  }
0x17c: {  	(v2sf) =	vpush v46, $0xF;
	_ =	sdelay $0x1  }
0x17d: {  	[tilespmem:$0x1FF80] =	vst v5;
	v5 =	vmov v32  }
0x17e: {  	s2 =	smul.f32 s10, s14  }
0x17f: {  	s3 =	smul.f32 s11, s9;
	(v2sf) =	vpush v45, $0x0  }
0x180: {  	s14 =	smul.f32 s2, s7;
	[tilespmem:$0x1FFC0] =	vst v5;
	v5 =	vmov v35;
	s7 =	spop (v2sf)  }
0x181: {  	s13 =	sshra.s32 s8, $0x2;
	s9 =	ssub.f32 $0.0e+00, s17;
	v22 =	vld [tilespmem:$0x1FFD0];
	s10 =	spop (v2sf)  }
0x182: {  	v49 =	vmul.f32 s11, v21;
	v28 =	vld [tilespmem:s13+$0xDA10];
	v38 =	vmul.f32 s11, v18;
	s2 =	smul.f32 $7.812500000e-03, s10  }
0x183: {  	v50 =	vld [tilespmem:s13+$0xD990];
	v41 =	vadd.f32 s3, v41;
	v40 =	vmul.f32 s11, v27;
	[tilespmem:$0x1FF70] =	vst v5;
	v5 =	vmovc v14;
	v14 =	vmul.f32 s11, v23;
	s11 =	smul.f32 s14, s9  }
0x184: {  	v31 =	vmov v11;
	v11 =	vld [tilespmem:s13+$0xD9F0];
	v42 =	vadd.f32 s3, v42;
	v53 =	vadd.f32 s3, v43;
	s15 =	spop (v2sf);
	s12 =	smul.f32 s2, s2  }
0x185: {  	v46 =	vadd.f32 s3, v44;
	v32 =	vld [tilespmem:s13+$0xD9C0];
	vm0 =	vge.f32 v41, $0.0e+00;
	s9 =	ssub.f32 $0.0e+00, s2;
	s2 =	smul.f32 $7.812500000e-03, s15  }
0x186: {  	vm14 =	vge.f32 v53, $0.0e+00;
	vm15 =	vge.f32 v42, $0.0e+00;
	v47 =	vadd.f32 s3, v40;
	v40 =	vld [tilespmem:s13+$0xD9D0];
	s10 =	spop (v2sf)  }
0x187: {  	[tilespmem:$0x1FFB0] =	vst v10;
	v10 =	vmovc v55;
	v29 =	vmovc v6;
	v6 =	vld [tilespmem:s13+$0xD950];
	vm4 =	vge.f32 v46, $0.0e+00;
	v45 =	vmul.f32 s14, v25;
	v55 =	vmul.f32 s14, v62;
	s18 =	smul.f32 s10, s10;
	s2 =	ssub.f32 s2, s12  }
0x188: {  	v56 =	vmul.f32 s14, v60;
	v59 =	vmul.f32 s14, v63;
	v39 =	vadd.f32 s3, v38;
	v38 =	vld [tilespmem:s13+$0xD9E0]  }
0x189: {  	[tilespmem:$0x1FFA0] =	vst v33;
	v33 =	vmovc v36;
	v35 =	vadd.f32 s3, v49;
	v36 =	vmul.f32 $1.999999960e-02, v47;
	v44 =	vadd.f32 s3, v14;
	v14 =	vld [tilespmem:s13+$0xD940];
	s2 =	smul.f32 s2, s18  }
0x18a: {  	v16 =	vmovc v20;
	v52 =	vld [tilespmem:s13+$0xD960];
	v22 =	vmul.f32 s14, v22;
	v49 =	vmul.f32 s14, v61;
	vm1 =	vge.f32 v47, $0.0e+00;
	s17 =	smul.f32 $7.812500000e-03, s7;
	s19 =	spop (v2sf)  }
0x18b: {  	v8 =	vmovc v15;
	v25 =	vld [tilespmem:$0x1FFF0];
	v20 =	vmovc v50;
	v15 =	vmul.f32 $1.999999960e-02, v35;
	v47 =	vsel vm1, v47, v36;
	v36 =	vadd.f32 v40, v32;
	s24 =	smul.f32 $7.812500000e-03, s19;
	s2 =	sadd.f32 $9.999999740e-06, s2  }
0x18c: {  	v37 =	vld [tilespmem:s13+$0xDA00];
	v62 =	vmul.f32 v50, v20;
	vm2 =	vge.f32 v35, $0.0e+00;
	v17 =	vmul.f32 v32, v32;
	s12 =	smul.f32 s17, s17  }
0x18d: {  	v43 =	vsel vm2, v35, v15;
	v15 =	vld [tilespmem:s13+$0xD970];
	v49 =	vadd.f32 s11, v49;
	v36 =	vadd.f32 v38, v36;
	s15 =	sshrl.u32 s2, $0x1;
	s18 =	smul.f32 $5.000000000e-01, s2  }
0x18e: {  	v63 =	vmul.f32 v40, v40;
	v50 =	vadd.f32 s11, v56;
	v56 =	vld [tilespmem:s13+$0xD980];
	v18 =	vadd.f32 v6, v14;
	s7 =	spop (v2sf);
	s19 =	ssub.s32 $0x5F3759DF, s15  }
0x18f: {  	v30 =	vmovc v7;
	v7 =	vmovc v52;
	v21 =	vmul.f32 v6, v6;
	v59 =	vadd.f32 s11, v59;
	v36 =	vadd.f32 v11, v36;
	s3 =	ssub.f32 s24, s12;
	s24 =	smul.f32 s19, s18  }
0x190: {  	v23 =	vmovc v25;
	v58 =	vmul.f32 v38, v38;
	v17 =	vadd.f32 v63, v17;
	v18 =	vadd.f32 v7, v18;
	s26 =	smul.f32 s7, s7  }
0x191: {  	v54 =	vld [tilespmem:s13+$0xD9A0];
	[tilespmem:$0x1FFD0] =	vst v23;
	v22 =	vadd.f32 s11, v22;
	v23 =	vmul.f32 v14, v14;
	v25 =	vadd.f32 v37, v36;
	s12 =	smul.f32 s19, s24  }
0x192: {  	v57 =	vmul.f32 v11, v11;
	v35 =	vld [tilespmem:s13+$0xDA20];
	v17 =	vadd.f32 v58, v17;
	v18 =	vadd.f32 v15, v18;
	s3 =	smul.f32 s3, s26  }
0x193: {  	v51 =	vmul.f32 s14, v19;
	v27 =	vmovc v56;
	v21 =	vadd.f32 v21, v23;
	v23 =	vadd.f32 v28, v25;
	v25 =	vld [tilespmem:s13+$0xD9B0];
	s12 =	ssub.f32 $1.500000000e+00, s12  }
0x194: {  	v61 =	vmul.f32 v37, v37;
	[tilespmem:$0x1FFF0] =	vst v27;
	v17 =	vadd.f32 v57, v17;
	v18 =	vadd.f32 v27, v18;
	v27 =	vld [tilespmem:$0x1FFE0];
	s2 =	sadd.f32 $9.999999740e-06, s3  }
0x195: {  	v60 =	vmul.f32 v52, v7;
	v55 =	vadd.f32 s11, v55;
	v51 =	vadd.f32 s11, v51;
	v36 =	vld [tilespmem:s13+$0xDA30];
	s3 =	smul.f32 s19, s12  }
0x196: {  	v12 =	vmul.f32 v28, v28;
	[tilespmem:$0x1FF90] =	vst v5;
	v17 =	vadd.f32 v61, v17;
	v18 =	vadd.f32 v20, v18;
	s26 =	sshrl.u32 s2, $0x1;
	s13 =	smul.f32 $5.000000000e-01, s2  }
0x197: {  	v5 =	vmovc v9;
	v9 =	vmovc v13;
	v13 =	vmov v54;
	v63 =	vmul.f32 v15, v15;
	v21 =	vadd.f32 v60, v21;
	s2 =	ssub.s32 $0x5F3759DF, s26;
	s19 =	smul.f32 s3, s18  }
0x198: {  	v19 =	vmul.f32 v35, v35;
	v12 =	vadd.f32 v12, v17;
	v18 =	vadd.f32 v13, v18;
	s15 =	smul.f32 s2, s13  }
0x199: {  	v23 =	vadd.f32 v35, v23;
	v21 =	vadd.f32 v63, v21;
	v63 =	vmul.f32 s14, v27;
	v27 =	vmovc v24;
	v24 =	vmovc v25;
	s14 =	smul.f32 s19, s3  }
0x19a: {  	v12 =	vadd.f32 v19, v12;
	v19 =	vmul.f32 v36, v36;
	v18 =	vadd.f32 v24, v18;
	s12 =	smul.f32 s2, s15  }
0x19b: {  	v45 =	vadd.f32 s11, v45;
	v48 =	vmul.f32 $1.999999960e-02, v44;
	v23 =	vadd.f32 v36, v23;
	s26 =	ssub.f32 $1.500000000e+00, s14  }
0x19c: {  	v52 =	vmul.f32 $1.999999960e-02, v49;
	v54 =	vmul.f32 v54, v13;
	v12 =	vadd.f32 v19, v12;
	(xrf2) =	vadd.scan.msk.f32 $0xffff, v18;
	s24 =	ssub.f32 $1.500000000e+00, s12  }
0x19d: {  	vm3 =	vge.f32 v22, $0.0e+00;
	vm9 =	vge.f32 v55, $0.0e+00;
	v58 =	vmul.f32 v56, v56;
	(xrf2) =	vadd.scan.msk.f32 $0xffff, v23;
	s3 =	smul.f32 s26, s3  }
0x19e: {  	vm5 =	vge.f32 v50, $0.0e+00;
	v56 =	vmul.f32 $1.999999960e-02, v22;
	(xrf2) =	vadd.scan.msk.f32 $0xffff, v12;
	v12 =	vmul.f32 $1.999999960e-02, v59;
	s2 =	smul.f32 s2, s24  }
0x19f: {  	vm6 =	vge.f32 v44, $0.0e+00;
	vm13 =	vge.f32 v59, $0.0e+00;
	v21 =	vadd.f32 v58, v21;
	s12 =	smul.f32 s3, s18  }
0x1a0: {  	v18 =	vsel vm3, v22, v56;
	v56 =	vadd.f32 s11, v63;
	v12 =	vsel vm13, v59, v12;
	s11 =	smul.f32 s2, s13  }
0x1a1: {  	v57 =	vmul.f32 $1.999999960e-02, v51;
	v21 =	vadd.f32 v62, v21;
	v62 =	vmovc v8;
	v8 =	vadd.f32 v12, v34;
	s12 =	smul.f32 s12, s3  }
0x1a2: {  	vm11 =	vge.f32 v49, $0.0e+00;
	vm12 =	vge.f32 v51, $0.0e+00;
	v44 =	vsel vm6, v44, v48;
	s11 =	smul.f32 s11, s2  }
0x1a3: {  	v60 =	vmul.f32 $1.999999960e-02, v42;
	v34 =	vadd.f32 v47, v8;
	v8 =	vsel vm12, v51, v57;
	s12 =	ssub.f32 $1.500000000e+00, s12  }
0x1a4: {  	v17 =	vmul.f32 $1.999999960e-02, v50;
	[tilespmem:$0x1FFE0] =	vst v27;
	v27 =	vmul.f32 $1.999999960e-02, v55;
	v1 =	vadd.f32 v8, v1;
	v8 =	vld [tilespmem:$0x1FFA0];
	s11 =	ssub.f32 $1.500000000e+00, s11  }
0x1a5: {  	v42 =	vsel vm15, v42, v60;
	v58 =	vmul.f32 v25, v25;
	v21 =	vadd.f32 v54, v21;
	s12 =	smul.f32 s12, s3  }
0x1a6: {  	vm15 =	vge.f32 v39, $0.0e+00;
	v17 =	vsel vm5, v50, v17;
	v19 =	vsel vm9, v55, v27;
	s14 =	smul.f32 s11, s2  }
0x1a7: {  	v25 =	vmul.f32 $1.999999960e-02, v46;
	v21 =	vadd.f32 v58, v21;
	v4 =	vadd.f32 v19, v4;
	s11 =	smul.f32 s12, s10  }
0x1a8: {  	v2 =	vadd.f32 v17, v2;
	v22 =	vmul.f32 $1.999999960e-02, v53;
	v19 =	vmul.f32 $1.999999960e-02, v56  }
0x1a9: {  	v4 =	vadd.f32 v43, v4;
	v59, _, _ =	vpop (xrf2);
	(xrf2) =	vadd.scan.msk.f32 $0xffff, v21;
	v21 =	vmul.f32 $1.999999960e-02, v45;
	v43 =	vmul.f32 s11, v8;
	v8 =	vld [tilespmem:$0x1FFB0]  }
0x1aa: {  	v22 =	vsel vm14, v53, v22;
	vm10 =	vge.f32 v56, $0.0e+00;
	vm14 =	vge.f32 v45, $0.0e+00  }
0x1ab: {  	v25 =	vsel vm4, v46, v25;
	v19 =	vsel vm10, v56, v19;
	v17 =	vsel vm14, v45, v21  }
0x1ac: {  	s16 =	sadd.s32 $0x2, s16;
	v27 =	vsel vm11, v49, v52;
	v0 =	vadd.f32 v17, v0;
	v17 =	vadd.f32 v19, v10  }
0x1ad: {  	v61 =	vmovc v30;
	v23 =	vmul.f32 $1.999999960e-02, v41;
	v18 =	vadd.f32 v18, v26;
	v2 =	vadd.f32 v22, v2;
	v22 =	vld [tilespmem:s16+$0x0]  }
0x1ae: {  	p1 =	sne.s32 s8, $0x18C00;
	v60 =	vmovc v29;
	v63 =	vmovc v9;
	v3 =	vadd.f32 v27, v3;
	s18 =	smul.f32 s14, s13;
	v55 =	vadd.f32 v44, v17;
	v44 =	vmul.f32 s11, v8;
	v8 =	vld [tilespmem:$0x1FFC0]  }
.Ltmp3:
0x1af: {  	s25 =	sadd.s32 $0x2, s25;
	v26 =	vadd.f32 v25, v18;
	v18 =	vmul.f32 $1.999999960e-02, v39;
	(v2sf) =	vpush v59, $0xF;
	v12, _, _ =	vpop (xrf2);
	(pc) =	sbr.rel @p1 .LBB2_5-.Ltmp3, $4  }
0x1b0: {  	v27 =	vld [tilespmem:$0x1FF70];
	s15 =	sadd.s32 s25, s30;
	v9 =	vmovc v38;
	v25 =	vmovc v16;
	v3 =	vadd.f32 v42, v3;
	(v2sf) =	vpush v12, $0xF;
	v12 =	vsel vm0, v41, v23  }
0x1b1: {  	s19 =	sand.u32 $0x6, s25;
	v23 =	vmov v33;
	v19, _, _ =	vpop (xrf2);
	v1 =	vadd.f32 v12, v1;
	v12 =	vsel vm15, v39, v18;
	v18 =	vld [tilespmem:$0x1FF80];
	s3 =	sand.u32 $0xFFF8, s15;
	s26 =	smul.f32 s18, s14  }
0x1b2: {  	v33 =	vmovc v40;
	v10 =	vmovc v37;
	v21 =	vmov v31;
	(v2sf) =	vpush v19, $0xF;
	v19 =	vld [tilespmem:$0x1FF90];
	v0 =	vadd.f32 v12, v0;
	s24 =	sor.u32 s19, s3  }
0x1b3: {  	s8 =	sadd.s32 $0x400, s8;
	(v2sf) =	vpush v22, $0x0;
	v45 =	vld [tilespmem:s24+$0x4E20];
	s10 =	ssub.f32 $1.500000000e+00, s26;
	v46, _, _ =	vpop (xrf2);
	v42 =	vmul.f32 s11, v5;
	v41 =	vmul.f32 s11, v8  }
0x1b4: {  	_ =	sdelay $0x1  }
0x1b5: {  	(v2sf) =	vpush v46, $0xF;
	_ =	sdelay $0x1  }
0x1b6: {  	(v2sf) =	vpush v45, $0x0;
	_ =	sdelay $0x3  }
0x1b7: {  	s2 =	smul.f32 s10, s14  }
0x1b8: {  	s12 =	smul.f32 s11, s9  }
0x1b9: {  	s14 =	smul.f32 s2, s7;
	s3 =	spop (v2sf)  }
0x1ba: {  	s8 =	spop (v2sf);
	s7 =	smul.f32 $7.812500000e-03, s3  }
0x1bb: {  	s9 =	smul.f32 $7.812500000e-03, s8  }
0x1bc: {  	s13 =	smul.f32 s7, s7  }
0x1bd: {  	s19 =	spop (v2sf);
	s18 =	smul.f32 s9, s9  }
0x1be: {  	s24 =	smul.f32 $7.812500000e-03, s19;
	s10 =	spop (v2sf)  }
0x1bf: {  	s25 =	smul.f32 s10, s10  }
0x1c0: {  	s26 =	spop (v2sf);
	s2 =	ssub.f32 s24, s18  }
0x1c1: {  	s15 =	smul.f32 $7.812500000e-03, s26  }
0x1c2: {  	s2 =	smul.f32 s2, s25;
	s8 =	spop (v2sf)  }
0x1c3: {  	v23 =	vmul.f32 s11, v23;
	s15 =	ssub.f32 s15, s13;
	s16 =	smul.f32 s8, s8  }
0x1c4: {  	v12 =	vmul.f32 s11, v27;
	v17 =	vadd.f32 s12, v44;
	s2 =	sadd.f32 $9.999999740e-06, s2  }
0x1c5: {  	v5 =	vmul.f32 s11, v18;
	v23 =	vadd.f32 s12, v23;
	v38 =	vadd.f32 s12, v43;
	s3 =	smul.f32 s15, s16  }
0x1c6: {  	v52 =	vmul.f32 s11, v21;
	v31 =	vld [tilespmem:$0x1FFD0];
	v22 =	vadd.f32 s12, v42;
	v12 =	vadd.f32 s12, v12;
	s16 =	sshrl.u32 s2, $0x1;
	s13 =	smul.f32 $5.000000000e-01, s2  }
0x1c7: {  	v8 =	vld [tilespmem:$0x1FFE0];
	v5 =	vadd.f32 s12, v5;
	v40 =	vmul.f32 $1.999999960e-02, v23;
	vm9 =	vge.f32 v38, $0.0e+00;
	s19 =	ssub.s32 $0x5F3759DF, s16  }
0x1c8: {  	vm10 =	vge.f32 v22, $0.0e+00;
	v42 =	vmul.f32 $1.999999960e-02, v22;
	v51 =	vmul.f32 s14, v19;
	s16 =	smul.f32 s19, s13  }
0x1c9: {  	vm4 =	vge.f32 v17, $0.0e+00;
	v53 =	vmul.f32 s14, v25;
	v27 =	vmul.f32 $1.999999960e-02, v12;
	s3 =	sadd.f32 $9.999999740e-06, s3  }
0x1ca: {  	vm5 =	vge.f32 v23, $0.0e+00;
	v29 =	vmul.f32 s14, v62;
	v30 =	vmul.f32 s14, v60;
	s18 =	ssub.f32 $0.0e+00, s17;
	s25 =	smul.f32 s19, s16  }
0x1cb: {  	v25 =	vadd.f32 s12, v41;
	v39 =	vmul.f32 s14, v61;
	v54 =	vmul.f32 s14, v31;
	s24 =	sshrl.u32 s3, $0x1;
	s11 =	smul.f32 $5.000000000e-01, s3  }
0x1cc: {  	v19 =	vadd.f32 s12, v52;
	v56 =	vmul.f32 s14, v63;
	v58 =	vmul.f32 s14, v8;
	s2 =	smul.f32 s14, s18;
	s26 =	ssub.s32 $0x5F3759DF, s24;
	s3 =	ssub.f32 $1.500000000e+00, s25  }
0x1cd: {  	vm1 =	vge.f32 v12, $0.0e+00;
	v60 =	vmul.f32 $1.999999960e-02, v17;
	v61 =	vmul.f32 $1.999999960e-02, v38;
	s17 =	smul.f32 s26, s11  }
0x1ce: {  	v23 =	vsel vm5, v23, v40;
	v22 =	vsel vm10, v22, v42;
	v46 =	vmul.f32 $1.999999960e-02, v5;
	s3 =	smul.f32 s19, s3  }
0x1cf: {  	vm8 =	vge.f32 v5, $0.0e+00;
	vm2 =	vge.f32 v19, $0.0e+00;
	v37 =	vmul.f32 $1.999999960e-02, v19;
	s12 =	smul.f32 s26, s17  }
0x1d0: {  	vm0 =	vge.f32 v25, $0.0e+00;
	v12 =	vsel vm1, v12, v27;
	v17 =	vsel vm4, v17, v60;
	s18 =	smul.f32 s3, s13  }
0x1d1: {  	v38 =	vsel vm9, v38, v61;
	v8 =	vmul.f32 $1.999999960e-02, v25;
	v47 =	vadd.f32 s2, v39;
	s12 =	ssub.f32 $1.500000000e+00, s12  }
0x1d2: {  	v19 =	vsel vm2, v19, v37;
	v39 =	vadd.f32 s2, v54;
	v30 =	vadd.f32 s2, v30;
	s14 =	smul.f32 s18, s3  }
0x1d3: {  	v45 =	vsel vm0, v25, v8;
	v37 =	vadd.f32 s2, v56;
	v29 =	vadd.f32 s2, v29;
	s12 =	smul.f32 s26, s12  }
0x1d4: {  	v18 =	vadd.f32 s2, v51;
	v43 =	vadd.f32 s2, v58;
	v27 =	vmul.f32 $1.999999960e-02, v47;
	s14 =	ssub.f32 $1.500000000e+00, s14  }
0x1d5: {  	v21 =	vadd.f32 s2, v53;
	v57 =	vmul.f32 $1.999999960e-02, v39;
	v59 =	vmul.f32 $1.999999960e-02, v29;
	s19 =	smul.f32 s12, s11  }
0x1d6: {  	vm3 =	vge.f32 v39, $0.0e+00;
	v62 =	vmul.f32 $1.999999960e-02, v18;
	v63 =	vmul.f32 $1.999999960e-02, v30;
	s3 =	smul.f32 s14, s3  }
0x1d7: {  	vm11 =	vge.f32 v29, $0.0e+00;
	vm13 =	vge.f32 v30, $0.0e+00;
	vm14 =	vge.f32 v47, $0.0e+00;
	s24 =	smul.f32 s19, s12  }
0x1d8: {  	v16 =	vmul.f32 $1.999999960e-02, v37;
	vm15 =	vge.f32 v37, $0.0e+00;
	vm6 =	vge.f32 v18, $0.0e+00;
	s13 =	smul.f32 s3, s13  }
0x1d9: {  	v44 =	vmul.f32 $1.999999960e-02, v21;
	vm7 =	vge.f32 v21, $0.0e+00;
	v39 =	vsel vm3, v39, v57;
	s2 =	ssub.f32 $1.500000000e+00, s24  }
0x1da: {  	v29 =	vsel vm11, v29, v59;
	v27 =	vsel vm14, v47, v27;
	v31 =	vsel vm15, v37, v16;
	s25 =	smul.f32 s13, s3  }
0x1db: {  	v30 =	vsel vm13, v30, v63;
	v4 =	vadd.f32 v29, v4;
	v31 =	vadd.f32 v31, v34;
	s2 =	smul.f32 s2, s12  }
0x1dc: {  	v18 =	vsel vm6, v18, v62;
	v2 =	vadd.f32 v30, v2;
	v3 =	vadd.f32 v27, v3;
	s12 =	ssub.f32 $1.500000000e+00, s25  }
0x1dd: {  	v21 =	vsel vm7, v21, v44;
	v26 =	vadd.f32 v39, v26;
	v1 =	vadd.f32 v18, v1;
	s11 =	smul.f32 s2, s11  }
0x1de: {  	v29 =	vmul.f32 $1.999999960e-02, v43;
	v0 =	vadd.f32 v21, v0;
	v12 =	vadd.f32 v12, v31;
	s3 =	smul.f32 s12, s3  }
0x1df: {  	vm12 =	vge.f32 v43, $0.0e+00;
	v4 =	vadd.f32 v19, v4;
	v2 =	vadd.f32 v38, v2;
	s11 =	smul.f32 s11, s2  }
0x1e0: {  	s9 =	ssub.f32 $0.0e+00, s9;
	v29 =	vsel vm12, v43, v29;
	v17 =	vadd.f32 v17, v26;
	v1 =	vadd.f32 v45, v1;
	s3 =	smul.f32 s3, s10  }
0x1e1: {  	v5 =	vsel vm8, v5, v46;
	v3 =	vadd.f32 v22, v3;
	v47 =	vadd.f32 v29, v55;
	s11 =	ssub.f32 $1.500000000e+00, s11  }
0x1e2: {  	v0 =	vadd.f32 v5, v0;
	v49 =	vmul.f32 s3, v10;
	s9 =	smul.f32 s3, s9;
	v50 =	vmul.f32 s3, v32  }
0x1e3: {  	v16 =	vadd.f32 v23, v47;
	s2 =	smul.f32 s11, s2;
	v51 =	vmul.f32 s3, v28;
	v52 =	vmul.f32 s3, v35  }
0x1e4: {  	v9 =	vmul.f32 s3, v9;
	v11 =	vmul.f32 s3, v11;
	v8 =	vadd.f32 s9, v49  }
0x1e5: {  	v53 =	vmul.f32 s3, v36;
	s2 =	smul.f32 s2, s8;
	v19 =	vadd.f32 s9, v51;
	v21 =	vadd.f32 s9, v52  }
0x1e6: {  	v55 =	vld [tilespmem:$0x1FFF0];
	v48 =	vmul.f32 s3, v33;
	v9 =	vadd.f32 s9, v9;
	v18 =	vadd.f32 s9, v50  }
0x1e7: {  	v11 =	vadd.f32 s9, v11;
	v22 =	vadd.f32 s9, v53;
	v14 =	vmul.f32 s2, v14  }
0x1e8: {  	v5 =	vadd.f32 s9, v48;
	v20 =	vmul.f32 s2, v20;
	v54 =	vmul.f32 $1.999999960e-02, v21  }
0x1e9: {  	v15 =	vmul.f32 s2, v15;
	vm9 =	vge.f32 v21, $0.0e+00;
	v6 =	vmul.f32 s2, v6  }
0x1ea: {  	v7 =	vmul.f32 s2, v7;
	vm10 =	vge.f32 v11, $0.0e+00;
	v25 =	vmul.f32 $1.999999960e-02, v11  }
0x1eb: {  	s7 =	ssub.f32 $0.0e+00, s7;
	vm0 =	vge.f32 v18, $0.0e+00;
	v26 =	vmul.f32 $1.999999960e-02, v22;
	v10 =	vmul.f32 s2, v55  }
0x1ec: {  	v13 =	vmul.f32 s2, v13;
	vm11 =	vge.f32 v5, $0.0e+00;
	v27 =	vmul.f32 $1.999999960e-02, v9  }
0x1ed: {  	s26 =	smul.f32 s2, s7;
	vm1 =	vge.f32 v9, $0.0e+00;
	v24 =	vmul.f32 s2, v24;
	v29 =	vmul.f32 $1.999999960e-02, v8  }
0x1ee: {  	vm13 =	vge.f32 v8, $0.0e+00;
	v31 =	vmul.f32 $1.999999960e-02, v5;
	v61 =	vmul.f32 $1.999999960e-02, v19  }
0x1ef: {  	v7 =	vadd.f32 s26, v7;
	v11 =	vsel vm10, v11, v25;
	v10 =	vadd.f32 s26, v10  }
0x1f0: {  	v21 =	vsel vm9, v21, v54;
	v6 =	vadd.f32 s26, v6;
	v13 =	vadd.f32 s26, v13  }
0x1f1: {  	v15 =	vadd.f32 s26, v15;
	v14 =	vadd.f32 s26, v14;
	v8 =	vsel vm13, v8, v29  }
0x1f2: {  	v24 =	vadd.f32 s26, v24;
	v5 =	vsel vm11, v5, v31;
	v29 =	vmul.f32 $1.999999960e-02, v18  }
0x1f3: {  	v20 =	vadd.f32 s26, v20;
	vm11 =	vge.f32 v22, $0.0e+00;
	v9 =	vsel vm1, v9, v27  }
0x1f4: {  	v22 =	vsel vm11, v22, v26;
	v56 =	vmul.f32 $1.999999960e-02, v7;
	v25 =	vmul.f32 $1.999999960e-02, v10  }
0x1f5: {  	vm12 =	vge.f32 v10, $0.0e+00;
	v28 =	vmul.f32 $1.999999960e-02, v15;
	v30 =	vmul.f32 $1.999999960e-02, v14  }
0x1f6: {  	vm14 =	vge.f32 v15, $0.0e+00;
	vm15 =	vge.f32 v24, $0.0e+00;
	vm9 =	vge.f32 v6, $0.0e+00  }
0x1f7: {  	vm10 =	vge.f32 v7, $0.0e+00;
	vm13 =	vge.f32 v14, $0.0e+00;
	v57 =	vmul.f32 $1.999999960e-02, v20  }
0x1f8: {  	v10 =	vsel vm12, v10, v25;
	v25 =	vmul.f32 $1.999999960e-02, v6;
	v15 =	vsel vm14, v15, v28  }
0x1f9: {  	v28 =	vmul.f32 $1.999999960e-02, v13;
	v7 =	vsel vm10, v7, v56;
	vm12 =	vge.f32 v13, $0.0e+00  }
0x1fa: {  	vm14 =	vge.f32 v20, $0.0e+00;
	v59 =	vsel vm13, v14, v30;
	v4 =	vadd.f32 v15, v4  }
0x1fb: {  	v15 =	vmul.f32 $1.999999960e-02, v24;
	v3 =	vadd.f32 v7, v3;
	v58 =	vsel vm14, v20, v57  }
0x1fc: {  	v10 =	vadd.f32 v10, v17;
	v1 =	vadd.f32 v59, v1;
	v13 =	vsel vm12, v13, v28  }
0x1fd: {  	v6 =	vsel vm9, v6, v25;
	v0 =	vadd.f32 v58, v0;
	v12 =	vadd.f32 v13, v12  }
.Ltmp4:
0x1fe: {  	v60 =	vsel vm0, v18, v29;
	v2 =	vadd.f32 v6, v2;
	v30 =	vadd.f32 v11, v4;
	(pc) =	sbr.rel @p0 .LBB2_8-.Ltmp4, $4  }
0x1ff: {  	v15 =	vsel vm15, v24, v15;
	v32 =	vadd.f32 v8, v10;
	v34 =	vadd.f32 v9, v3  }
0x200: {  	vm15 =	vge.f32 v19, $0.0e+00;
	v62 =	vadd.f32 v15, v16;
	v27 =	vadd.f32 v21, v12  }
0x201: {  	v63 =	vsel vm15, v19, v61;
	v31 =	vadd.f32 v5, v2;
	v12 =	vadd.f32 v60, v1  }
0x202: {  	v33 =	vadd.f32 v63, v0;
	v29 =	vadd.f32 v22, v62  }
0x203: {  	s2 =	rddreg [dreg:$0x8]  }
.Ltmp5:
0x204: {  	s0 =	sadd.s32 s0, s2;
	(pc) =	sbr.rel .LBB2_2-.Ltmp5, $4  }
0x205: {  	s26 =	simm.s32 $0x0;
	s1 =	sadd.s32 $0x1, s1;
	s0 =	sshll.u32 s0, $0x4  }
0x206: {  	s31 =	sadd.s32 $0x190, s31;
	s28 =	sadd.s32 $0x190, s28;
	s0 =	sand.u32 $0x1FFFFF80, s0  }
0x207: {  	s29 =	sadd.s32 $0x190, s29;
	s30 =	sadd.s32 $0x190, s30;
	s0 =	sadd.s32 s4, s0  }
0x208: {  	[tilespmem:s20], [sflag:$0x6] =	stream.linear.gather [hbm4b:s0+s26], $0x6400, $0x38;
	[tilespmem:$0x13DC0] =	vst v63  }
.LBB2_9:
0x209: {  	_ =	sfence.sel $0x180000  }
0x20a: {  	[bflag:$0x0] =	sbarrier.arrive $0xFFFF  }
0x20b: {  	_ =	strace $0x9000004A  }
0x20c: {  	s0 =	stileid.u32;
	[bflag:$0x2] =	sbarrier.arrive $0xFFFF  }
0x20d: {  	p0 =	sne.s32 s0, $0x0;
	s0 =	rddreg [dreg:$0x1]  }
0x20e: {  	s0 =	sadd.s32 @!p0 $0x100000, s0  }
0x20f: {  	[sflag:s0] =	ssyncadd.tile.s32 @!p0 $0x1;
	_ =	shalt  }
.Lfunc_end2:
_tile_overlayer_lowered:
.L_overlay_start_2:
0x210: {  	(tag) =	ssettag $0x2  }
0x211: {  	s0 =	rddreg [dreg:$0x0];
	s2 =	stileid.u32  }
0x212: {  	s1 =	rddreg [dreg:$0x1];
	p0 =	sne.s32 s2, $0x0  }
0x213: {  	s3 =	rddreg [dreg:$0x2];
	[bflag:$0x3] =	sbarrier.arrive $0xFFFF;
	s2 =	simm.s32 @!p0 $0x1C07  }
0x214: {  	[timem:s3], [sflag:s2] =	dma.local @!p0 [hbm:s0], s1  }
0x215: {  	s0 =	simm.s32 @!p0 $0x7  }
0x216: {  	_ =	swait.ge @!p0 [sflag:s0], s1  }
0x217: {  	s1 =	ssub.s32 @!p0 $0x0, s1;
	[sflag:s0] =	ssyncset.done @!p0 $0x0  }
0x218: {  	[sflag:s0] =	ssyncadd.s32 @!p0 s1  }
0x219: {  	[bflag:$0x3] =	sbarrier.arrive $0xFFFF  }
0x21a: {  	_ =	shalt  }

// kernel: kernel.8.cloned.1.call-start
scs
__scs_entry_jumppad:
0x0: {  	(pc) =	sbr.rel $0x88, $3  }
0x1: {  	(tag) =	ssettag $0x0;
	lr =	simm.s32 $0x1  }
0x2: {  	[smem:$0x3F96] =	sst lr;
	_ =	strace $0xD0000000  }
0x3: {  	_ = 	snop  }
0x4: {  	_ = 	snop  }
0x5: {  	_ = 	snop  }
0x6: {  	_ = 	snop  }
0x7: {  	_ = 	snop  }
__scs_overlays_trampoline_lowered:
0x8: {  	[smem:$0x3FA5] =	sst s0  }
0x9: {  	[smem:$0x3FA6] =	sst s1  }
0xa: {  	[smem:$0x3FA7] =	sst s2  }
0xb: {  	[smem:$0x3FA8] =	sst s3  }
0xc: {  	[smem:$0x3FA9] =	sst s4  }
0xd: {  	[smem:$0x3FAA] =	sst s5  }
0xe: {  	[smem:$0x3FAB] =	sst s6  }
0xf: {  	[smem:$0x3FAC] =	sst s7  }
0x10: {  	[smem:$0x3FAD] =	sst s8  }
0x11: {  	[smem:$0x3FAE] =	sst s9;
	s0 =	simm.s32 @!p0 $0x0  }
0x12: {  	s1 =	sld [smem:$0x3F94];
	s0 =	simm.s32 @p0 $0x1  }
0x13: {  	[smem:$0x3FAF] =	sst s0;
	s0 =	simm.s32 @!p1 $0x0  }
0x14: {  	s2 =	sld [smem:$0x3F93];
	s0 =	simm.s32 @p1 $0x1  }
0x15: {  	[smem:$0x3FB0] =	sst s0;
	s0 =	simm.s32 @!p2 $0x0  }
0x16: {  	s3 =	sld [smem:$0x3FDB];
	s0 =	simm.s32 @p2 $0x1  }
0x17: {  	s4 =	simm.s32 $0x1BF5;
	[smem:$0x3FB2] =	sst s0  }
0x18: {  	s0 =	sld [smem:$0x3F95];
	_ =	swait.ge [sflag:s4], $0x0  }
0x19: {  	s7 =	sld [smem:$0x3F96]  }
0x1a: {  	s8 =	sadd.s32 $0xFFFFE003, lr  }
0x1b: {  	s9 =	sadd.s32 $0xFFFFFEF7, lr;
	s5 =	simm.s32 $0xFFFFFFFF;
	p2 =	slt.u32 s8, $0xFFFFF086  }
0x1c: {  	p1 =	slt.u32 s9, $0xF7A;
	s5 =	simm.s32 @!p2 $0x0  }
0x1d: {  	s5 =	simm.s32 @p1 $0x1;
	p0 =	seq.s32 s7, s2  }
0x1e: {  	s7 =	smul.u32 @!p0 $0xF7A, s2;
	p2 =	seq.s32 @!p0 s5, $0x0  }
0x1f: {  	s9 =	smul.u32 $0xF7A, s1;
	s8 =	simm.s32 @!p0 $0x1BF5;
	p2 =	por !p2, p0  }
0x20: {  	[sflag:s8] =	ssyncset.s32 @!p0 $0xFFFFF086;
	s6 =	sadd.s32 @!p0 s3, s7;
	s7 =	simm.s32 @!p0 $0x108  }
0x21: {  	s3 =	sadd.s32 s3, s9;
	s6 =	sadd.s32 @!p0 $0x88, s6;
	s7 =	simm.s32 @p2 $0x1082  }
0x22: {  	[simem:s7], [sflag:s8] =	dma.local @!p0 [hbm:s6], $0xF7A  }
0x23: {  	s9 =	sor.u32 $0xD0000000, s2;
	s6 =	simm.s32 $0x108;
	_ =	swait.ge @!p0 [sflag:s8], $0x0  }
0x24: {  	s3 =	sadd.s32 $0x88, s3;
	s6 =	simm.s32 @!p1 $0x1082;
	[sflag:s4] =	ssyncset.s32 $0xFFFFF086  }
0x25: {  	[simem:s6], [sflag:s4] =	dma.local [hbm:s3], $0xF7A  }
0x26: {  	[smem:$0x3F96] =	sst s1;
	(tag) =	ssettag s2;
	_ =	strace s9  }
0x27: {  	s1 =	sld [smem:$0x3FA6]  }
0x28: {  	s2 =	sld [smem:$0x3FA7]  }
0x29: {  	s4 =	sld [smem:$0x3FA9]  }
0x2a: {  	p0 =	seq.s32 s5, $0x0;
	s5 =	sld [smem:$0x3FAA]  }
0x2b: {  	s6 =	sld [smem:$0x3FAB]  }
0x2c: {  	s7 =	sld [smem:$0x3FAC]  }
0x2d: {  	s3 =	simm.s32 $0x108;
	s8 =	sld [smem:$0x3FAD]  }
0x2e: {  	s3 =	simm.s32 @!p0 $0x1082;
	s9 =	sld [smem:$0x3FAE]  }
0x2f: {  	lr =	sadd.s32 s0, s3;
	s0 =	sld [smem:$0x3FA5]  }
0x30: {  	s3 =	sld [smem:$0x3FA8]  }
0x31: {  	[smem:$0x3FB1] =	sst s10  }
0x32: {  	s10 =	sld [smem:$0x3FAF];
	_ =	sdelay $0x3  }
0x33: {  	p0 =	seq.s32 s10, $0x1;
	s10 =	sld [smem:$0x3FB1];
	_ =	sdelay $0x3  }
0x34: {  	[smem:$0x3FB1] =	sst s10  }
0x35: {  	s10 =	sld [smem:$0x3FB0];
	_ =	sdelay $0x3  }
0x36: {  	p1 =	seq.s32 s10, $0x1;
	s10 =	sld [smem:$0x3FB1];
	_ =	sdelay $0x3  }
0x37: {  	[smem:$0x3FB1] =	sst s10  }
0x38: {  	s10 =	sld [smem:$0x3FB2]  }
0x39: {  	_ = 	snop;
	(pc) =	sbr.ind lr, $3  }
0x3a: {  	_ = 	snop  }
0x3b: {  	_ = 	snop  }
0x3c: {  	p2 =	seq.s32 s10, $0x1;
	s10 =	sld [smem:$0x3FB1]  }
0x3d: {  	_ =	shalt  }
0x3e: {  	_ =	shalt  }
0x3f: {  	_ =	shalt  }
0x40: {  	_ =	shalt  }
0x41: {  	_ =	shalt  }
0x42: {  	_ =	shalt  }
0x43: {  	_ =	shalt  }
0x44: {  	_ =	shalt  }
0x45: {  	_ =	shalt  }
0x46: {  	_ =	shalt  }
0x47: {  	_ =	shalt  }
0x48: {  	_ =	shalt  }
0x49: {  	_ =	shalt  }
0x4a: {  	_ =	shalt  }
0x4b: {  	_ =	shalt  }
0x4c: {  	_ =	shalt  }
0x4d: {  	_ =	shalt  }
0x4e: {  	_ =	shalt  }
0x4f: {  	_ =	shalt  }
0x50: {  	_ =	shalt  }
0x51: {  	_ =	shalt  }
0x52: {  	_ =	shalt  }
0x53: {  	_ =	shalt  }
0x54: {  	_ =	shalt  }
0x55: {  	_ =	shalt  }
0x56: {  	_ =	shalt  }
0x57: {  	_ =	shalt  }
0x58: {  	_ =	shalt  }
0x59: {  	_ =	shalt  }
0x5a: {  	_ =	shalt  }
0x5b: {  	_ =	shalt  }
0x5c: {  	_ =	shalt  }
0x5d: {  	_ =	shalt  }
0x5e: {  	_ =	shalt  }
0x5f: {  	_ =	shalt  }
0x60: {  	_ =	shalt  }
0x61: {  	_ =	shalt  }
0x62: {  	_ =	shalt  }
0x63: {  	_ =	shalt  }
0x64: {  	_ =	shalt  }
0x65: {  	_ =	shalt  }
0x66: {  	_ =	shalt  }
0x67: {  	_ =	shalt  }
0x68: {  	_ =	shalt  }
0x69: {  	_ =	shalt  }
0x6a: {  	_ =	shalt  }
0x6b: {  	_ =	shalt  }
0x6c: {  	_ =	shalt  }
0x6d: {  	_ =	shalt  }
0x6e: {  	_ =	shalt  }
0x6f: {  	_ =	shalt  }
0x70: {  	_ =	shalt  }
0x71: {  	_ =	shalt  }
0x72: {  	_ =	shalt  }
0x73: {  	_ =	shalt  }
0x74: {  	_ =	shalt  }
0x75: {  	_ =	shalt  }
0x76: {  	_ =	shalt  }
0x77: {  	_ =	shalt  }
0x78: {  	_ =	shalt  }
0x79: {  	_ =	shalt  }
0x7a: {  	_ =	shalt  }
0x7b: {  	_ =	shalt  }
0x7c: {  	_ =	shalt  }
0x7d: {  	_ =	shalt  }
0x7e: {  	_ =	shalt  }
0x7f: {  	_ =	shalt  }
0x80: {  	_ =	shalt  }
0x81: {  	_ =	shalt  }
0x82: {  	_ =	shalt  }
0x83: {  	_ =	shalt  }
0x84: {  	_ =	shalt  }
0x85: {  	_ =	shalt  }
0x86: {  	_ =	shalt  }
0x87: {  	_ =	shalt  }
.Lfunc_end0:
.L_simem_size_0:
called_computation_lowered:
.L_overlay_start_0:
0x88: {  	s2 =	sld [smem:$0x3FD9]  }
0x89: {  	s3 =	sld [smem:$0x3FFE];
	_ =	sdelay $0x1  }
0x8a: {  	s1 =	srdreg.scid  }
0x8b: {  	s0 =	sand.u32 $0x1, s1  }
0x8c: {  	s16 =	sshll.u32 s0, $0xA;
	s2 =	sadd.s32 s3, s2  }
0x8d: {  	s2 =	sadd.s32 s2, s16  }
0x8e: {  	[smem:$0x3FBD] =	sst s2  }
0x8f: {  	_ = 	snop  }
0x90: {  	(tm) =	ssettm $0x1  }
0x91: {  	s17 =	sld [smem:$0x3FFB];
	_ =	sdelay $0x3  }
0x92: {  	_ =	strace s17  }
0x93: {  	s2 =	sld [smem:$0x3FFC];
	_ =	sdelay $0x3  }
0x94: {  	_ =	strace s2  }
0x95: {  	s2 =	sld [smem:$0x3FFD];
	_ =	sdelay $0x3  }
0x96: {  	_ =	strace s2  }
0x97: {  	_ =	strace $0x8FFFFFFF  }
0x98: {  	s18 =	sld [smem:$0x3FDB];
	_ =	sdelay $0x1  }
0x99: {  	s19 =	simm.s32 $_scs_section_size  }
0x9a: {  	s4 =	simm.s32 $_size__tile_overlayer_lowered;
	s5 =	simm.s32 $_tile_overlayer_lowered  }
0x9b: {  	s22 =	simm.s32 $0x1BFF;
	s21 =	sshll.u32 s5, $0x1;
	s2 =	sadd.s32 s19, s18  }
0x9c: {  	s6 =	simm.s32 $0x0;
	s20 =	sshll.u32 s4, $0x1;
	s4 =	sadd.s32 s21, s2  }
0x9d: {  	[timem:s6], [sflag:s22] =	dma.local [hbm:s4], s20  }
0x9e: {  	_ =	swait.ge [sflag:s22], s20  }
0x9f: {  	s3 =	ssub.s32 $0x0, s20;
	[sflag:s22] =	ssyncset.done $0x0  }
0xa0: {  	[sflag:s22] =	ssyncadd.s32 s3;
	_ =	sdelay $0x1  }
0xa1: {  	s23 =	simm.s32 $0x1B8B  }
0xa2: {  	_ =	swait.ge [sflag:s23], $0x1  }
0xa3: {  	[sflag:s23] =	ssyncset.done $0x0  }
0xa4: {  	s25 =	simm.s32 $0x1B8E;
	s24 =	sld [smem:$0x3FFE];
	[sflag:s23] =	ssyncadd.s32 $0xFFFFFFFF  }
0xa5: {  	s26 =	simm.s32 $execute0_lowered;
	[smem:$0x3FD2] =	sst s25  }
0xa6: {  	s4 =	sshll.u32 s26, $0x1;
	_ =	strace $0x80000046;
	[dreg:$0x1] =	wrdreg $0xFFFFFFFF  }
0xa7: {  	s28 =	simm.s32 $_size_execute0_lowered;
	s2 =	sadd.s32 s2, s4;
	[dreg:$0x0] =	wrdreg $0x0  }
0xa8: {  	s4 =	sshll.u32 s28, $0x1;
	[dreg:$0x2] =	wrdreg s2  }
0xa9: {  	[dreg:$0x3] =	wrdreg s4  }
0xaa: {  	[dreg:$0x4] =	wrdreg $0xC0  }
0xab: {  	_ =	task [dreg:s6], $0x5FFFF  }
0xac: {  	[dreg:$0x1] =	wrdreg $0xFFFFFFFF  }
0xad: {  	[dreg:$0x0] =	wrdreg $0x60  }
0xae: {  	[dreg:$0x2] =	wrdreg s24  }
0xaf: {  	[dreg:$0x3] =	wrdreg $0x9  }
0xb0: {  	_ =	task.clear_ibuf [dreg:s6], $0x4FFFF;
	_ =	strace $0x90000046  }
0xb1: {  	s29 =	simm.s32 $0x9;
	_ =	strace $0x80000048  }
0xb2: {  	_ =	swait.ge [sflag:s29], $0x1  }
0xb3: {  	[sflag:s29] =	ssyncadd.s32 $0xFFFFFFFF  }
0xb4: {  	_ =	strace $0x90000048  }
0xb5: {  	_ =	sfence  }
0xb6: {  	s30 =	sld [smem:$0x0];
	_ =	sdelay $0x2  }
0xb7: {  	s31 =	sshll.u32 s1, $0xD;
	s1 =	sshrl.u32 s1, $0x2  }
0xb8: {  	s3 =	sand.u32 $0x4000, s31;
	s1 =	sadd.s32 s1, s30  }
0xb9: {  	s0 =	sor.u32 s3, s0;
	s1 =	sshll.u32 s1, $0x11  }
0xba: {  	s0 =	sor.u32 s1, s0  }
0xbb: {  	s0 =	sadd.s32 $0x8F2B, s0  }
0xbc: {  	[sflag:s0] =	ssyncadd.remote.s32 $0x1  }
0xbd: {  	_ =	sfence.sel $0xFFFF  }
0xbe: {  	[dreg:$0x0] =	wrdreg $0xFFFFFFFF;
	(pc) =	sbr.abs _section_cstart, $3  }
0xbf: {  	[dreg:$0x1] =	wrdreg $0xFFFFFFFF  }
0xc0: {  	_ =	task.clear_ibuf [dreg:s6], $0x2FFFF;
	_ =	strace $0x9FFFFFFF  }
0xc1: {  	(tm) =	ssettm $0x7FFFFFFF  }
tec
execute0_lowered:
.L_overlay_start_1:
0x0: {  	(tag) =	ssettag $0x1  }
0x1: {  	s1 =	srdreg.scid;
	s0 =	stileid.u32  }
0x2: {  	s5 =	rddreg [dreg:$0x0];
	s2 =	simm.s32 $0x0;
	s11 =	simm.s32 $0x2710  }
0x3: {  	s12 =	simm.s32 $0x4E20;
	s13 =	simm.s32 $0x7530;
	s14 =	simm.s32 $0x9C40  }
0x4: {  	s15 =	simm.s32 $0xC350;
	s3 =	sand.u32 $0x1, s1;
	s4 =	sshll.u32 s0, $0x1  }
0x5: {  	s16 =	simm.s32 $0x0;
	s1 =	rddreg [dreg:$0x1];
	s4 =	sor.u32 s3, s4  }
0x6: {  	[smem:$0x7FF] =	sst s2;
	s7 =	ssub.s32 $0x2, s3;
	s6 =	smul.u32 $0x4E2, s4  }
0x7: {  	_ =	strace $0x80000047;
	s3 =	sadd.s32 $0x6C800, s5;
	s8 =	sshrl.u32 s7, $0x1  }
0x8: {  	s4 =	sadd.s32 $0x6CE00, s5;
	s10 =	ssub.s32 s7, s8;
	s9 =	sadd.s32 s6, s5  }
0x9: {  	s5 =	sadd.s32 $0xA800, s9;
	s6 =	sadd.s32 $0xA00, s9;
	s7 =	sadd.s32 $0x14600, s9  }
0xa: {  	s8 =	sadd.s32 $0x6D400, s9;
	s9 =	smax.u32 s10, $0x1;
	s10 =	simm.s32 $0x1  }
.LBB2_1:
0xb: {  	[tilespmem:s2], [sflag:$0x1] =	stream.linear.gather [hbm4b:s5+s2], $0x2710, $0x38;
	[tilespmem:$0xEA60] =	vst v63  }
0xc: {  	_ =	swait.ge [sflag:s10], $0x2710  }
0xd: {  	[sflag:s10] =	ssyncset.done $0x0  }
0xe: {  	[sflag:s10] =	ssyncadd.s32 $0xFFFFD8F0  }
0xf: {  	[tilespmem:s11], [sflag:$0x1] =	stream.linear.gather [hbm4b:s6+s2], $0x2710, $0x38;
	[tilespmem:$0xEA60] =	vst v63  }
0x10: {  	_ =	swait.ge [sflag:s10], $0x2710  }
0x11: {  	[sflag:s10] =	ssyncset.done $0x0  }
0x12: {  	[sflag:s10] =	ssyncadd.s32 $0xFFFFD8F0  }
0x13: {  	[tilespmem:s12], [sflag:$0x1] =	stream.linear.gather [hbm4b:s7+s2], $0x2710, $0x38;
	[tilespmem:$0xEA60] =	vst v63  }
0x14: {  	_ =	swait.ge [sflag:s10], $0x2710  }
0x15: {  	[sflag:s10] =	ssyncset.done $0x0  }
0x16: {  	[sflag:s10] =	ssyncadd.s32 $0xFFFFD8F0  }
0x17: {  	[tilespmem:s13], [sflag:$0x1] =	stream.linear.gather [hbm4b:s3+s2], $0x2710, $0x38;
	[tilespmem:$0xEA60] =	vst v63  }
0x18: {  	_ =	swait.ge [sflag:s10], $0x2710  }
0x19: {  	[sflag:s10] =	ssyncset.done $0x0  }
0x1a: {  	[sflag:s10] =	ssyncadd.s32 $0xFFFFD8F0  }
0x1b: {  	[tilespmem:s14], [sflag:$0x1] =	stream.linear.gather [hbm4b:s4+s2], $0x2710, $0x38;
	[tilespmem:$0xEA60] =	vst v63  }
0x1c: {  	_ =	swait.ge [sflag:s10], $0x2710  }
0x1d: {  	[sflag:s10] =	ssyncset.done $0x0  }
0x1e: {  	s17 =	simm.s32 $0x0;
	[sflag:s10] =	ssyncadd.s32 $0xFFFFD8F0  }
0x1f: {  	v0 =	vld [tilespmem:s17+$0x0];
	_ =	sdelay $0x1  }
0x20: {  	v1 =	vld [tilespmem:s17+$0x2710];
	_ =	sdelay $0x4  }
0x21: {  	v2 =	vld [tilespmem:s17+$0x4E20]  }
0x22: {  	v0 =	vld.idx.msk [tilespmem:v0+s13+$0x0], $0xffff;
	_ =	sdelay $0x1  }
0x23: {  	v1 =	vld.idx.msk [tilespmem:v1+s14+$0x0], $0xffff;
	_ =	sdelay $0x1  }
0x24: {  	s18 =	simm.s32 $0x10;
	s19 =	simm.s32 $0x80  }
.LBB2_2:
0x25: {  	p0 =	sne.s32 s19, $0x9C00;
	v3 =	vld [tilespmem:s18+$0x0];
	v0 =	vadd.f32 v2, v0;
	_ =	sdelay $0x1  }
0x26: {  	v4 =	vld [tilespmem:s18+$0x2710];
	v0 =	vadd.f32 v0, v1;
	_ =	sdelay $0x1  }
0x27: {  	v1 =	vmul.f32 $1.999999960e-02, v0  }
0x28: {  	vm0 =	vge.f32 v0, $0.0e+00  }
0x29: {  	v0 =	vsel vm0, v0, v1  }
0x2a: {  	[tilespmem:s17+$0xC350] =	vst v0;
	s17 =	smov.u32 s18  }
0x2b: {  	v0 =	vld.idx.msk [tilespmem:v3+s13+$0x0], $0xffff  }
.Ltmp0:
0x2c: {  	v2 =	vld [tilespmem:s17+$0x4E20];
	(pc) =	sbr.rel @p0 .LBB2_2-.Ltmp0, $2  }
0x2d: {  	v1 =	vld.idx.msk [tilespmem:v4+s14+$0x0], $0xffff;
	_ =	sdelay $0x2  }
0x2e: {  	s18 =	sshra.s32 s19, $0x2;
	s19 =	sadd.s32 $0x40, s19  }
0x2f: {  	v3 =	vld [tilespmem:s18+$0x0];
	v0 =	vadd.f32 v2, v0;
	_ =	sdelay $0x1  }
0x30: {  	v0 =	vadd.f32 v0, v1  }
0x31: {  	v61 =	vld [tilespmem:s18+$0x2710]  }
0x32: {  	v62 =	vmul.f32 $1.999999960e-02, v0  }
0x33: {  	vm0 =	vge.f32 v0, $0.0e+00  }
0x34: {  	v0 =	vsel vm0, v0, v62  }
0x35: {  	[tilespmem:s17+$0xC350] =	vst v0  }
0x36: {  	v0 =	vld.idx.msk [tilespmem:v3+s13+$0x0], $0xffff  }
0x37: {  	v63 =	vld [tilespmem:s18+$0x4E20];
	_ =	sdelay $0x1  }
0x38: {  	v1 =	vld.idx.msk [tilespmem:v61+s14+$0x0], $0xffff;
	_ =	sdelay $0x2  }
0x39: {  	v0 =	vadd.f32 v63, v0;
	_ =	sdelay $0x1  }
0x3a: {  	v0 =	vadd.f32 v0, v1;
	_ =	sdelay $0x1  }
0x3b: {  	v1 =	vmul.f32 $1.999999960e-02, v0  }
0x3c: {  	s16 =	sadd.s32 $0x1, s16;
	vm15 =	vge.f32 v0, $0.0e+00  }
0x3d: {  	p0 =	sne.s32 s16, s9;
	v0 =	vsel vm15, v0, v1  }
.Ltmp1:
0x3e: {  	[tilespmem:s18+$0xC350] =	vst v0;
	(pc) =	sbr.rel @p0 .LBB2_1-.Ltmp1, $4  }
0x3f: {  	[hbm4b:s8+s2] =	stream.linear.scatter [tilespmem:s15], [sflag:$0x1], $0x2710, $0x38;
	[tilespmem:$0xEA60] =	vst v63  }
0x40: {  	_ =	swait.ge [sflag:s10], $0x2710  }
0x41: {  	[sflag:s10] =	ssyncset.done $0x0  }
0x42: {  	[sflag:s10] =	ssyncadd.s32 $0xFFFFD8F0  }
0x43: {  	_ =	sfence.sel $0x180000  }
0x44: {  	[bflag:$0x0] =	sbarrier.arrive $0xFFFF  }
0x45: {  	p0 =	sne.s32 s0, $0x0;
	_ =	strace $0x90000047  }
0x46: {  	s0 =	sadd.s32 @!p0 $0x100000, s1;
	[bflag:$0x2] =	sbarrier.arrive $0xFFFF  }
0x47: {  	[sflag:s0] =	ssyncadd.tile.s32 @!p0 $0x1;
	_ =	shalt  }
.Lfunc_end2:
_tile_overlayer_lowered:
.L_overlay_start_2:
0x48: {  	(tag) =	ssettag $0x2  }
0x49: {  	s0 =	rddreg [dreg:$0x0];
	s2 =	stileid.u32  }
0x4a: {  	s1 =	rddreg [dreg:$0x1];
	p0 =	sne.s32 s2, $0x0  }
0x4b: {  	s3 =	rddreg [dreg:$0x2];
	[bflag:$0x3] =	sbarrier.arrive $0xFFFF;
	s2 =	simm.s32 @!p0 $0x1C01  }
0x4c: {  	[timem:s3], [sflag:s2] =	dma.local @!p0 [hbm:s0], s1  }
0x4d: {  	s0 =	simm.s32 @!p0 $0x1  }
0x4e: {  	_ =	swait.ge @!p0 [sflag:s0], s1  }
0x4f: {  	s1 =	ssub.s32 @!p0 $0x0, s1;
	[sflag:s0] =	ssyncset.done @!p0 $0x0  }
0x50: {  	[sflag:s0] =	ssyncadd.s32 @!p0 s1  }
0x51: {  	[bflag:$0x3] =	sbarrier.arrive $0xFFFF  }
0x52: {  	_ =	shalt  }

</sc_bundles>
